<compile_context>
chip_gen: v7x
topology: tpu7x:2x2x1
jax: 0.10.2.dev20260603
libtpu: 0.0.44.dev20260713+nightly
codegen_flags: <defaults>
</compile_context>

<pallas_src>
import functools

import jax
import jax.numpy as jnp
from jax import lax
from jax.experimental import pallas as pl
from jax.experimental.pallas import tpu as pltpu
from jax.experimental.pallas import tpu_sc as plsc

T = 2048
D = 1024
DH = 512
FF = 512
E = 8
SHARED_FF2 = 2048
TILE = 256
PAD = 6144
NT = PAD // TILE
BS = 128
NB = 16
NW = 32
TPW = T // NW

def _pack_halves(y_f32):
    yb = y_f32.astype(jnp.bfloat16)
    a = lax.bitcast_convert_type(yb[:, :DH], jnp.uint16).astype(jnp.uint32)
    bhi = lax.bitcast_convert_type(yb[:, DH:], jnp.uint16).astype(jnp.uint32)
    return lax.bitcast_convert_type(a | (bhi << 16), jnp.int32)


def _unpack_halves_bf16(w_i32):
    lo = lax.bitcast_convert_type(w_i32 << 16, jnp.float32)
    hi = lax.bitcast_convert_type(w_i32 & jnp.int32(-65536), jnp.float32)
    return lo.astype(jnp.bfloat16), hi.astype(jnp.bfloat16)


def _router_body(x_ref, gate_ref, meta_ref, te_ref, wrow1_ref, wrow2_ref,
                 xp_ref):
    x = x_ref[...]
    logits = jnp.dot(x, gate_ref[...].T, preferred_element_type=jnp.float32)
    probs = jax.nn.softmax(logits, axis=-1)
    iota_e = lax.broadcasted_iota(jnp.int32, probs.shape, 1)
    m1 = jnp.max(probs, axis=1, keepdims=True)
    idx1 = jnp.min(jnp.where(probs == m1, iota_e, E), axis=1, keepdims=True)
    oh1 = iota_e == idx1
    masked = jnp.where(oh1, -1.0, probs)
    m2 = jnp.max(masked, axis=1, keepdims=True)
    idx2 = jnp.min(jnp.where(masked == m2, iota_e, E), axis=1, keepdims=True)
    oh2 = iota_e == idx2
    wsum = m1 + m2

    sel = (oh1 | oh2).astype(jnp.float32)
    r_i = lax.broadcasted_iota(jnp.int32, (BS, BS), 0)
    c_i = lax.broadcasted_iota(jnp.int32, (BS, BS), 1)
    tril = jnp.where(r_i > c_i, 1.0, 0.0)
    off = jnp.zeros((1, E), jnp.float32)
    ranks = []
    for b in range(NB):
        sb = sel[b * BS:(b + 1) * BS, :]
        ranks.append(jnp.dot(tril, sb, preferred_element_type=jnp.float32)
                     + off)
        off = off + jnp.sum(sb, axis=0, keepdims=True)
    rank = jnp.concatenate(ranks, axis=0)
    counts = off
    cpad = jnp.floor((counts + (TILE - 1.0)) * (1.0 / TILE)) * TILE
    ru = lax.broadcasted_iota(jnp.int32, (E, E), 0)
    cu = lax.broadcasted_iota(jnp.int32, (E, E), 1)
    upper = jnp.where(ru < cu, 1.0, 0.0)
    base = jnp.dot(cpad, upper, preferred_element_type=jnp.float32)
    pos = base + rank
    pos1 = jnp.sum(jnp.where(oh1, pos, 0.0), axis=1, keepdims=True)
    pos2 = jnp.sum(jnp.where(oh2, pos, 0.0), axis=1, keepdims=True)

    col = lax.broadcasted_iota(jnp.int32, (T, 8), 1)
    meta = jnp.where(col == 0, pos1, 0.0)
    meta = jnp.where(col == 1, pos2, meta)
    meta_ref[...] = meta
    wrow1_ref[...] = jnp.broadcast_to(m1 / wsum, (T, 128))
    wrow2_ref[...] = jnp.broadcast_to(m2 / wsum, (T, 128))
    xp_ref[...] = _pack_halves(x)

    incl = base + cpad
    jv = lax.broadcasted_iota(jnp.int32, (64, 1), 0).astype(jnp.float32) * TILE
    teacc = jnp.zeros((64, 1), jnp.float32)
    for e in range(E):
        teacc = teacc + jnp.where(jv >= incl[:, e:e + 1], 1.0, 0.0)
    te = jnp.minimum(teacc, E - 1.0)
    row_i = lax.broadcasted_iota(jnp.int32, (64, 1), 0)
    ntiles = incl[:, E - 1:E] * (1.0 / TILE)
    te_ref[...] = jnp.where(row_i == NT, ntiles, te)


def _router(x, gate_w):
    return pl.pallas_call(
        _router_body,
        in_specs=[
            pl.BlockSpec((T, D), lambda: (0, 0)),
            pl.BlockSpec((E, D), lambda: (0, 0)),
        ],
        out_specs=[
            pl.BlockSpec((T, 8), lambda: (0, 0)),
            pl.BlockSpec((64, 1), lambda: (0, 0)),
            pl.BlockSpec((T, 128), lambda: (0, 0)),
            pl.BlockSpec((T, 128), lambda: (0, 0)),
            pl.BlockSpec((T, DH), lambda: (0, 0)),
        ],
        out_shape=[
            jax.ShapeDtypeStruct((T, 8), jnp.float32),
            jax.ShapeDtypeStruct((64, 1), jnp.float32),
            jax.ShapeDtypeStruct((T, 128), jnp.float32),
            jax.ShapeDtypeStruct((T, 128), jnp.float32),
            jax.ShapeDtypeStruct((T, DH), jnp.int32),
        ],
    )(x, gate_w)


def _dispatch_body(pos1_hbm, pos2_hbm, wrow1_hbm, wrow2_hbm, xp_hbm,
                   xs_hbm, ws_hbm, rows_v, wr1_v, wr2_v, idx1_v, idx2_v,
                   sem0, sem1, sem2, sem3):
    wid = lax.axis_index("s") * 2 + lax.axis_index("c")
    base = wid * TPW
    pltpu.sync_copy(pos1_hbm.at[pl.ds(base, TPW)], idx1_v)
    pltpu.sync_copy(pos2_hbm.at[pl.ds(base, TPW)], idx2_v)
    pltpu.sync_copy(xp_hbm.at[pl.ds(base, TPW)], rows_v)
    pltpu.sync_copy(wrow1_hbm.at[pl.ds(base, TPW)], wr1_v)
    pltpu.sync_copy(wrow2_hbm.at[pl.ds(base, TPW)], wr2_v)
    cp1 = pltpu.make_async_copy(rows_v, xs_hbm.at[idx1_v], sem0)
    cp2 = pltpu.make_async_copy(rows_v, xs_hbm.at[idx2_v], sem1)
    cp3 = pltpu.make_async_copy(wr1_v, ws_hbm.at[idx1_v], sem2)
    cp4 = pltpu.make_async_copy(wr2_v, ws_hbm.at[idx2_v], sem3)
    cp1.start()
    cp2.start()
    cp3.start()
    cp4.start()
    cp1.wait()
    cp2.wait()
    cp3.wait()
    cp4.wait()


def _dispatch(pos1, pos2, wrow1, wrow2, xp):
    mesh = plsc.VectorSubcoreMesh(core_axis_name="c", subcore_axis_name="s")
    fn = pl.kernel(
        _dispatch_body,
        mesh=mesh,
        out_type=[
            jax.ShapeDtypeStruct((PAD, DH), jnp.int32),
            jax.ShapeDtypeStruct((PAD, 128), jnp.float32),
        ],
        scratch_types=[
            pltpu.VMEM((TPW, DH), jnp.int32),
            pltpu.VMEM((TPW, 128), jnp.float32),
            pltpu.VMEM((TPW, 128), jnp.float32),
            pltpu.VMEM((TPW,), jnp.int32),
            pltpu.VMEM((TPW,), jnp.int32),
            pltpu.SemaphoreType.DMA,
            pltpu.SemaphoreType.DMA,
            pltpu.SemaphoreType.DMA,
            pltpu.SemaphoreType.DMA,
        ],
    )
    return fn(pos1, pos2, wrow1, wrow2, xp)


def _group_mm_body(te_ref, xs_ref, ws_ref, wgu_ref, wd_ref, ys_ref,
                   wgu_bf, wd_bf):
    i = pl.program_id(0)
    e_now = te_ref[i]
    e_prev = te_ref[jnp.maximum(i - 1, 0)]

    @pl.when(i < te_ref[NT])
    def _live():
        @pl.when(jnp.logical_or(i == 0, e_now != e_prev))
        def _cast():
            wgu_bf[...] = wgu_ref[0].astype(jnp.bfloat16)
            wd_bf[...] = wd_ref[0].astype(jnp.bfloat16)

        a, bh = _unpack_halves_bf16(xs_ref[...])
        gu = (jnp.dot(a, wgu_bf[:, :DH].T,
                      preferred_element_type=jnp.float32)
              + jnp.dot(bh, wgu_bf[:, DH:].T,
                        preferred_element_type=jnp.float32))
        g, u = gu[:, :FF], gu[:, FF:]
        h = (g * jax.nn.sigmoid(g) * u).astype(jnp.bfloat16)
        y = jnp.dot(h, wd_bf[...].T, preferred_element_type=jnp.float32)
        ys_ref[...] = _pack_halves(y * ws_ref[:, :1])


def _group_mm(te, xs, ws, wgu, wd):
    grid_spec = pltpu.PrefetchScalarGridSpec(
        num_scalar_prefetch=1,
        grid=(NT,),
        in_specs=[
            pl.BlockSpec((TILE, DH), lambda i, te: (i, 0)),
            pl.BlockSpec((TILE, 128), lambda i, te: (i, 0)),
            pl.BlockSpec((1, 2 * FF, D), lambda i, te: (te[i], 0, 0)),
            pl.BlockSpec((1, D, FF), lambda i, te: (te[i], 0, 0)),
        ],
        out_specs=pl.BlockSpec((TILE, DH), lambda i, te: (i, 0)),
        scratch_shapes=[
            pltpu.VMEM((2 * FF, D), jnp.bfloat16),
            pltpu.VMEM((D, FF), jnp.bfloat16),
        ],
    )
    return pl.pallas_call(
        _group_mm_body,
        grid_spec=grid_spec,
        out_shape=jax.ShapeDtypeStruct((PAD, DH), jnp.int32),
    )(te, xs, ws, wgu, wd)


def _shared_body(x_ref, wsg_ref, wsd_ref, out_ref, wsg_bf, wsd_bf):
    @pl.when(pl.program_id(0) == 0)
    def _cast():
        wsg_bf[...] = wsg_ref[...].astype(jnp.bfloat16)
        wsd_bf[...] = wsd_ref[...].astype(jnp.bfloat16)

    xb = x_ref[...].astype(jnp.bfloat16)
    sgu = jnp.dot(xb, wsg_bf[...].T, preferred_element_type=jnp.float32)
    sg, su = sgu[:, :SHARED_FF2 // 2], sgu[:, SHARED_FF2 // 2:]
    sh = (sg * jax.nn.sigmoid(sg) * su).astype(jnp.bfloat16)
    out_ref[...] = _pack_halves(
        jnp.dot(sh, wsd_bf[...].T, preferred_element_type=jnp.float32))


def _shared(x, wsg, wsd):
    TM = 512
    return pl.pallas_call(
        _shared_body,
        grid=(T // TM,),
        in_specs=[
            pl.BlockSpec((TM, D), lambda i: (i, 0)),
            pl.BlockSpec((SHARED_FF2, D), lambda i: (0, 0)),
            pl.BlockSpec((D, SHARED_FF2 // 2), lambda i: (0, 0)),
        ],
        out_specs=pl.BlockSpec((TM, DH), lambda i: (i, 0)),
        out_shape=jax.ShapeDtypeStruct((T, DH), jnp.int32),
        scratch_shapes=[
            pltpu.VMEM((SHARED_FF2, D), jnp.bfloat16),
            pltpu.VMEM((D, SHARED_FF2 // 2), jnp.bfloat16),
        ],
    )(x, wsg, wsd)


_NCH = TPW // 16


def _combine_body(pos1_hbm, pos2_hbm, ys_hbm, sh_hbm, out_hbm,
                  p1_v, p2_v,
                  idx1a, idx2a, r1a, r2a, sha, outa, semg_a, semo_a,
                  idx1b, idx2b, r1b, r2b, shb, outb, semg_b, semo_b):
    wid = lax.axis_index("s") * 2 + lax.axis_index("c")
    base = wid * TPW
    pltpu.sync_copy(pos1_hbm.at[pl.ds(base, TPW)], p1_v)
    pltpu.sync_copy(pos2_hbm.at[pl.ds(base, TPW)], p2_v)
    himask = jnp.full((16,), -65536, jnp.int32)
    slots = [(idx1a, idx2a, r1a, r2a, sha, outa, semg_a, semo_a),
             (idx1b, idx2b, r1b, r2b, shb, outb, semg_b, semo_b)]

    def issue(c, s):
        idx1, idx2, r1, r2, shv, _, semg, _ = slots[s]
        idx1[...] = p1_v[pl.ds(16 * c, 16)]
        idx2[...] = p2_v[pl.ds(16 * c, 16)]
        pltpu.make_async_copy(ys_hbm.at[idx1], r1, semg).start()
        pltpu.make_async_copy(ys_hbm.at[idx2], r2, semg).start()
        pltpu.make_async_copy(sh_hbm.at[pl.ds(base + 16 * c, 16)], shv,
                              semg).start()

    issue(0, 0)
    for c in range(_NCH):
        s = c % 2
        idx1, idx2, r1, r2, shv, outv, semg, semo = slots[s]
        if c + 1 < _NCH:
            issue(c + 1, 1 - s)
        pltpu.make_async_copy(ys_hbm.at[idx1], r1, semg).wait()
        pltpu.make_async_copy(ys_hbm.at[idx2], r2, semg).wait()
        pltpu.make_async_copy(sh_hbm.at[pl.ds(base + 16 * c, 16)], shv,
                              semg).wait()
        if c >= 2:
            pltpu.make_async_copy(
                outv, out_hbm.at[pl.ds(base + 16 * (c - 2), 16)],
                semo).wait()

        def row(r, carry2):
            def col(k, carry3):
                sl = pl.ds(16 * k, 16)
                w1 = r1[r, sl]
                w2 = r2[r, sl]
                wsh = shv[r, sl]
                lo = (lax.bitcast_convert_type(w1 << 16, jnp.float32)
                      + lax.bitcast_convert_type(w2 << 16, jnp.float32)
                      + lax.bitcast_convert_type(wsh << 16, jnp.float32))
                hi = (lax.bitcast_convert_type(w1 & himask, jnp.float32)
                      + lax.bitcast_convert_type(w2 & himask, jnp.float32)
                      + lax.bitcast_convert_type(wsh & himask, jnp.float32))
                outv[r, sl] = lo
                outv[r, pl.ds(DH + 16 * k, 16)] = hi
                return carry3

            return lax.fori_loop(0, DH // 16, col, carry2)

        lax.fori_loop(0, 16, row, 0)
        pltpu.make_async_copy(outv, out_hbm.at[pl.ds(base + 16 * c, 16)],
                              semo).start()
    for c in (_NCH - 2, _NCH - 1):
        _, _, _, _, _, outv, _, semo = slots[c % 2]
        pltpu.make_async_copy(outv, out_hbm.at[pl.ds(base + 16 * c, 16)],
                              semo).wait()


def _combine(pos1, pos2, ys, sh):
    mesh = plsc.VectorSubcoreMesh(core_axis_name="c", subcore_axis_name="s")
    slot_scratch = [
        pltpu.VMEM((16,), jnp.int32),
        pltpu.VMEM((16,), jnp.int32),
        pltpu.VMEM((16, DH), jnp.int32),
        pltpu.VMEM((16, DH), jnp.int32),
        pltpu.VMEM((16, DH), jnp.int32),
        pltpu.VMEM((16, D), jnp.float32),
        pltpu.SemaphoreType.DMA,
        pltpu.SemaphoreType.DMA,
    ]
    fn = pl.kernel(
        _combine_body,
        mesh=mesh,
        out_type=jax.ShapeDtypeStruct((T, D), jnp.float32),
        scratch_types=[
            pltpu.VMEM((TPW,), jnp.int32),
            pltpu.VMEM((TPW,), jnp.int32),
        ] + slot_scratch + slot_scratch,
    )
    return fn(pos1, pos2, ys, sh)


def kernel(hidden_states, gate_w, w_gate_up, w_down, ws_gate_up, ws_down):
    b, s, d = hidden_states.shape
    x = hidden_states.reshape(-1, d)

    meta, te_f, wrow1, wrow2, xp = _router(x, gate_w)
    pos1 = meta[:, 0].astype(jnp.int32)
    pos2 = meta[:, 1].astype(jnp.int32)
    te = te_f.reshape(64)[:NT + 1].astype(jnp.int32)
    xs, ws = _dispatch(pos1, pos2, wrow1, wrow2, xp)
    sh = _shared(x, ws_gate_up, ws_down)
    ys = _group_mm(te, xs, ws, w_gate_up, w_down)
    out = _combine(pos1, pos2, ys, sh)
    return out.reshape(b, s, d)

# --- scband reference (transcript-rebuilt; emitter-appended) ---
"""Pipeline reference for scband-glm4-moe-for-causal-lm-85255100825932 (READ-ONLY COPY).

The authoritative reference and input builder live on the scoring server;
editing this copy changes nothing except your own understanding.
"""

import jax, jax.numpy as jnp
import numpy as np

HIDDEN = 1024
FF = 512
E = 8
TOP_K = 2
SHARED_FF = 512 * 2  # moe_intermediate_size * n_shared_experts
SCALE = 1.0


def setup_inputs(seed: int = 0) -> dict:
    key = jax.random.key(seed)
    ks = jax.random.split(key, 6)
    hidden_states = jax.random.normal(ks[0], (1, 2048, HIDDEN), dtype=jnp.float32)
    gate_w = jax.random.normal(ks[1], (E, HIDDEN), dtype=jnp.float32) * 0.02
    w_gate_up = jax.random.normal(ks[2], (E, 2 * FF, HIDDEN), dtype=jnp.float32) * 0.02
    w_down = jax.random.normal(ks[3], (E, HIDDEN, FF), dtype=jnp.float32) * 0.02
    ws_gate_up = jax.random.normal(ks[4], (2 * SHARED_FF, HIDDEN), dtype=jnp.float32) * 0.02
    ws_down = jax.random.normal(ks[5], (HIDDEN, SHARED_FF), dtype=jnp.float32) * 0.02
    return {
        "hidden_states": hidden_states,
        "gate_w": gate_w,
        "w_gate_up": w_gate_up,
        "w_down": w_down,
        "ws_gate_up": ws_gate_up,
        "ws_down": ws_down,
    }


def _silu(x):
    return x * jax.nn.sigmoid(x)


def reference(hidden_states, gate_w, w_gate_up, w_down, ws_gate_up, ws_down):
    b, s, d = hidden_states.shape
    x = hidden_states.reshape(-1, d)  # [T, D]
    # router gate in float32
    router_logits = x.astype(jnp.float32) @ gate_w.T  # [T, E]
    probs = jax.nn.softmax(router_logits, axis=-1)
    topk_w, topk_ids = jax.lax.top_k(probs, TOP_K)  # [T, K]
    # norm_topk_prob (renormalize)
    topk_w = topk_w / jnp.sum(topk_w, axis=-1, keepdims=True)
    # fused experts: compute all experts densely, combine with routing weights
    gu = jnp.einsum('td,efd->etf', x, w_gate_up)  # [E, T, 2*FF]
    g, u = gu[..., :FF], gu[..., FF:]
    h = _silu(g) * u  # SiluAndMul
    expert_out = jnp.einsum('etf,edf->etd', h, w_down)  # [E, T, D]
    combine = jnp.zeros((x.shape[0], E), dtype=x.dtype)
    for k in range(TOP_K):
        combine = combine + jax.nn.one_hot(topk_ids[:, k], E, dtype=x.dtype) * topk_w[:, k:k + 1]
    out = jnp.einsum('te,etd->td', combine, expert_out)
    out = out * SCALE
    # shared experts MLP
    sgu = x @ ws_gate_up.T  # [T, 2*SHARED_FF]
    sg, su = sgu[..., :SHARED_FF], sgu[..., SHARED_FF:]
    sh = (_silu(sg) * su) @ ws_down.T  # [T, D]
    out = out + sh
    return out.reshape(b, s, -1)

if __name__ == "__main__":
    import jax
    _d = setup_inputs()
    print(jax.jit(kernel)(*tuple(_d.values())))

</pallas_src>

<mosaic_0001>
#map = affine_map<(d0, d1) -> (0)>
#map1 = affine_map<(d0, d1) -> (0, 0)>
module attributes {stable_mosaic.version = 14 : i64} {
  func.func @_combine_body(%arg0: i32, %arg1: i32, %arg2: memref<2048xi32, #tpu.memory_space<hbm>>, %arg3: memref<2048xi32, #tpu.memory_space<hbm>>, %arg4: memref<6144x512xi32, #tpu.memory_space<hbm>>, %arg5: memref<2048x512xi32, #tpu.memory_space<hbm>>, %arg6: memref<2048x1024xf32, #tpu.memory_space<hbm>>, %arg7: memref<64xi32, #tpu.memory_space<vmem>>, %arg8: memref<64xi32, #tpu.memory_space<vmem>>, %arg9: memref<16xi32, #tpu.memory_space<vmem>>, %arg10: memref<16xi32, #tpu.memory_space<vmem>>, %arg11: memref<16x512xi32, #tpu.memory_space<vmem>>, %arg12: memref<16x512xi32, #tpu.memory_space<vmem>>, %arg13: memref<16x512xi32, #tpu.memory_space<vmem>>, %arg14: memref<16x1024xf32, #tpu.memory_space<vmem>>, %arg15: memref<!tpu.dma_semaphore, #tpu.memory_space<semaphore_mem>>, %arg16: memref<!tpu.dma_semaphore, #tpu.memory_space<semaphore_mem>>, %arg17: memref<16xi32, #tpu.memory_space<vmem>>, %arg18: memref<16xi32, #tpu.memory_space<vmem>>, %arg19: memref<16x512xi32, #tpu.memory_space<vmem>>, %arg20: memref<16x512xi32, #tpu.memory_space<vmem>>, %arg21: memref<16x512xi32, #tpu.memory_space<vmem>>, %arg22: memref<16x1024xf32, #tpu.memory_space<vmem>>, %arg23: memref<!tpu.dma_semaphore, #tpu.memory_space<semaphore_mem>>, %arg24: memref<!tpu.dma_semaphore, #tpu.memory_space<semaphore_mem>>) attributes {dimension_semantics = [#tpu.dimension_semantics<core_parallel>, #tpu.dimension_semantics<subcore_parallel>], iteration_bounds = array<i64: 2, 16>, scalar_prefetch = 0 : i64, scratch_operands = 18 : i64, tpu.core_type = #tpu.core_type<sc_vector_subcore>, window_params = [{transform_indices = #map}, {transform_indices = #map}, {transform_indices = #map1}, {transform_indices = #map1}, {transform_indices = #map1}]} {
    %mul3A = arith.constant 2 : i32
    %mul3A_0 = arith.muli %arg1, %mul3A : i32
    %add3A = arith.addi %mul3A_0, %arg0 : i32
    %mul3A_1 = arith.constant 64 : i32
    %mul3A_2 = arith.muli %add3A, %mul3A_1 : i32
    "tpu.region"() ({
      %run_scoped3A = tpu.sem_alloc : memref<!tpu.dma_semaphore, #tpu.memory_space<semaphore_mem>>
      %dma_start3A_223 = tpu.memref_slice %arg2[%mul3A_2] : memref<2048xi32, #tpu.memory_space<hbm>> -> memref<64xi32, #tpu.memory_space<hbm>>
      %dma_start3A_224 = tpu.memref_slice %arg2[%mul3A_2] : memref<2048xi32, #tpu.memory_space<hbm>> -> memref<64xi32, #tpu.memory_space<hbm>>
      tpu.enqueue_dma source(%dma_start3A_224 : memref<64xi32, #tpu.memory_space<hbm>>) target(%arg7 : memref<64xi32, #tpu.memory_space<vmem>>) target_semaphore(%run_scoped3A : memref<!tpu.dma_semaphore, #tpu.memory_space<semaphore_mem>>)
      %dma_wait3A_225 = tpu.memref_slice %arg2[%mul3A_2] : memref<2048xi32, #tpu.memory_space<hbm>> -> memref<64xi32, #tpu.memory_space<hbm>>
      %dma_wait3A_226 = tpu.memref_slice %arg2[%mul3A_2] : memref<2048xi32, #tpu.memory_space<hbm>> -> memref<64xi32, #tpu.memory_space<hbm>>
      tpu.wait_dma2 semaphore(%run_scoped3A : memref<!tpu.dma_semaphore, #tpu.memory_space<semaphore_mem>>) src(%dma_wait3A_226 : memref<64xi32, #tpu.memory_space<hbm>>) dst(%arg7 : memref<64xi32, #tpu.memory_space<vmem>>)
      tpu.yield
    }) : () -> ()
    "tpu.region"() ({
      %run_scoped3A = tpu.sem_alloc : memref<!tpu.dma_semaphore, #tpu.memory_space<semaphore_mem>>
      %dma_start3A_223 = tpu.memref_slice %arg3[%mul3A_2] : memref<2048xi32, #tpu.memory_space<hbm>> -> memref<64xi32, #tpu.memory_space<hbm>>
      %dma_start3A_224 = tpu.memref_slice %arg3[%mul3A_2] : memref<2048xi32, #tpu.memory_space<hbm>> -> memref<64xi32, #tpu.memory_space<hbm>>
      tpu.enqueue_dma source(%dma_start3A_224 : memref<64xi32, #tpu.memory_space<hbm>>) target(%arg8 : memref<64xi32, #tpu.memory_space<vmem>>) target_semaphore(%run_scoped3A : memref<!tpu.dma_semaphore, #tpu.memory_space<semaphore_mem>>)
      %dma_wait3A_225 = tpu.memref_slice %arg3[%mul3A_2] : memref<2048xi32, #tpu.memory_space<hbm>> -> memref<64xi32, #tpu.memory_space<hbm>>
      %dma_wait3A_226 = tpu.memref_slice %arg3[%mul3A_2] : memref<2048xi32, #tpu.memory_space<hbm>> -> memref<64xi32, #tpu.memory_space<hbm>>
      tpu.wait_dma2 semaphore(%run_scoped3A : memref<!tpu.dma_semaphore, #tpu.memory_space<semaphore_mem>>) src(%dma_wait3A_226 : memref<64xi32, #tpu.memory_space<hbm>>) dst(%arg8 : memref<64xi32, #tpu.memory_space<vmem>>)
      tpu.yield
    }) : () -> ()
    %broadcast_in_dim3A = arith.constant -65536 : i32
    %broadcast_in_dim3A_3 = vector.broadcast %broadcast_in_dim3A : i32 to vector<16xi32>
    %get3A = arith.constant 0 : index
    %get3A_4 = tpu.vector_load %arg7[%get3A] {strides = array<i32>} : memref<64xi32, #tpu.memory_space<vmem>>, vector<16xi32>,
    %get3A_5 = vector.shape_cast %get3A_4 : vector<16xi32> to vector<16xi32>
    %swap3A = arith.constant 0 : index
    %swap3A_6 = tpu.vector_load %arg9[%swap3A] {strides = array<i32>} : memref<16xi32, #tpu.memory_space<vmem>>, vector<16xi32>,
    %swap3A_7 = vector.shape_cast %swap3A_6 : vector<16xi32> to vector<16xi32>
    %swap3A_8 = vector.shape_cast %get3A_5 : vector<16xi32> to vector<16xi32>
    tpu.vector_store %arg9[%swap3A], %swap3A_8 {strides = array<i32>} : memref<16xi32, #tpu.memory_space<vmem>>, vector<16xi32>,
    %get3A_9 = arith.constant 0 : index
    %get3A_10 = tpu.vector_load %arg8[%get3A_9] {strides = array<i32>} : memref<64xi32, #tpu.memory_space<vmem>>, vector<16xi32>,
    %get3A_11 = vector.shape_cast %get3A_10 : vector<16xi32> to vector<16xi32>
    %swap3A_12 = arith.constant 0 : index
    %swap3A_13 = tpu.vector_load %arg10[%swap3A_12] {strides = array<i32>} : memref<16xi32, #tpu.memory_space<vmem>>, vector<16xi32>,
    %swap3A_14 = vector.shape_cast %swap3A_13 : vector<16xi32> to vector<16xi32>
    %swap3A_15 = vector.shape_cast %get3A_11 : vector<16xi32> to vector<16xi32>
    tpu.vector_store %arg10[%swap3A_12], %swap3A_15 {strides = array<i32>} : memref<16xi32, #tpu.memory_space<vmem>>, vector<16xi32>,
    %dma_start3A = arith.constant 0 : i32
    %dma_start3A_16 = arith.constant 0 : i32
    %dma_start3A_17 = tpu.memref_slice %arg4[%dma_start3A, %dma_start3A_16] : memref<6144x512xi32, #tpu.memory_space<hbm>> -> memref<6144x512xi32, #tpu.memory_space<hbm>>
    tpu.enqueue_indirect_dma source(%dma_start3A_17 : memref<6144x512xi32, #tpu.memory_space<hbm>>) target(%arg11 : memref<16x512xi32, #tpu.memory_space<vmem>>) offsets(%arg9 : memref<16xi32, #tpu.memory_space<vmem>>) semaphore(%arg15 : memref<!tpu.dma_semaphore, #tpu.memory_space<semaphore_mem>>)
    %dma_start3A_18 = arith.constant 0 : i32
    %dma_start3A_19 = arith.constant 0 : i32
    %dma_start3A_20 = tpu.memref_slice %arg4[%dma_start3A_18, %dma_start3A_19] : memref<6144x512xi32, #tpu.memory_space<hbm>> -> memref<6144x512xi32, #tpu.memory_space<hbm>>
    tpu.enqueue_indirect_dma source(%dma_start3A_20 : memref<6144x512xi32, #tpu.memory_space<hbm>>) target(%arg12 : memref<16x512xi32, #tpu.memory_space<vmem>>) offsets(%arg10 : memref<16xi32, #tpu.memory_space<vmem>>) semaphore(%arg15 : memref<!tpu.dma_semaphore, #tpu.memory_space<semaphore_mem>>)
    %add3A_21 = arith.constant 0 : i32
    %add3A_22 = arith.addi %mul3A_2, %add3A_21 : i32
    %dma_start3A_23 = arith.constant 0 : i32
    %dma_start3A_24 = tpu.memref_slice %arg5[%add3A_22, %dma_start3A_23] : memref<2048x512xi32, #tpu.memory_space<hbm>> -> memref<16x512xi32, #tpu.memory_space<hbm>>
    %dma_start3A_25 = arith.constant 0 : i32
    %dma_start3A_26 = tpu.memref_slice %arg5[%add3A_22, %dma_start3A_25] : memref<2048x512xi32, #tpu.memory_space<hbm>> -> memref<16x512xi32, #tpu.memory_space<hbm>>
    tpu.enqueue_dma source(%dma_start3A_26 : memref<16x512xi32, #tpu.memory_space<hbm>>) target(%arg13 : memref<16x512xi32, #tpu.memory_space<vmem>>) target_semaphore(%arg15 : memref<!tpu.dma_semaphore, #tpu.memory_space<semaphore_mem>>)
    %get3A_27 = arith.constant 16 : index
    %get3A_28 = tpu.vector_load %arg7[%get3A_27] {strides = array<i32>} : memref<64xi32, #tpu.memory_space<vmem>>, vector<16xi32>,
    %get3A_29 = vector.shape_cast %get3A_28 : vector<16xi32> to vector<16xi32>
    %swap3A_30 = arith.constant 0 : index
    %swap3A_31 = tpu.vector_load %arg17[%swap3A_30] {strides = array<i32>} : memref<16xi32, #tpu.memory_space<vmem>>, vector<16xi32>,
    %swap3A_32 = vector.shape_cast %swap3A_31 : vector<16xi32> to vector<16xi32>
    %swap3A_33 = vector.shape_cast %get3A_29 : vector<16xi32> to vector<16xi32>
    tpu.vector_store %arg17[%swap3A_30], %swap3A_33 {strides = array<i32>} : memref<16xi32, #tpu.memory_space<vmem>>, vector<16xi32>,
    %get3A_34 = arith.constant 16 : index
    %get3A_35 = tpu.vector_load %arg8[%get3A_34] {strides = array<i32>} : memref<64xi32, #tpu.memory_space<vmem>>, vector<16xi32>,
    %get3A_36 = vector.shape_cast %get3A_35 : vector<16xi32> to vector<16xi32>
    %swap3A_37 = arith.constant 0 : index
    %swap3A_38 = tpu.vector_load %arg18[%swap3A_37] {strides = array<i32>} : memref<16xi32, #tpu.memory_space<vmem>>, vector<16xi32>,
    %swap3A_39 = vector.shape_cast %swap3A_38 : vector<16xi32> to vector<16xi32>
    %swap3A_40 = vector.shape_cast %get3A_36 : vector<16xi32> to vector<16xi32>
    tpu.vector_store %arg18[%swap3A_37], %swap3A_40 {strides = array<i32>} : memref<16xi32, #tpu.memory_space<vmem>>, vector<16xi32>,
    %dma_start3A_41 = arith.constant 0 : i32
    %dma_start3A_42 = arith.constant 0 : i32
    %dma_start3A_43 = tpu.memref_slice %arg4[%dma_start3A_41, %dma_start3A_42] : memref<6144x512xi32, #tpu.memory_space<hbm>> -> memref<6144x512xi32, #tpu.memory_space<hbm>>
    tpu.enqueue_indirect_dma source(%dma_start3A_43 : memref<6144x512xi32, #tpu.memory_space<hbm>>) target(%arg19 : memref<16x512xi32, #tpu.memory_space<vmem>>) offsets(%arg17 : memref<16xi32, #tpu.memory_space<vmem>>) semaphore(%arg23 : memref<!tpu.dma_semaphore, #tpu.memory_space<semaphore_mem>>)
    %dma_start3A_44 = arith.constant 0 : i32
    %dma_start3A_45 = arith.constant 0 : i32
    %dma_start3A_46 = tpu.memref_slice %arg4[%dma_start3A_44, %dma_start3A_45] : memref<6144x512xi32, #tpu.memory_space<hbm>> -> memref<6144x512xi32, #tpu.memory_space<hbm>>
    tpu.enqueue_indirect_dma source(%dma_start3A_46 : memref<6144x512xi32, #tpu.memory_space<hbm>>) target(%arg20 : memref<16x512xi32, #tpu.memory_space<vmem>>) offsets(%arg18 : memref<16xi32, #tpu.memory_space<vmem>>) semaphore(%arg23 : memref<!tpu.dma_semaphore, #tpu.memory_space<semaphore_mem>>)
    %add3A_47 = arith.constant 16 : i32
    %add3A_48 = arith.addi %mul3A_2, %add3A_47 : i32
    %dma_start3A_49 = arith.constant 0 : i32
    %dma_start3A_50 = tpu.memref_slice %arg5[%add3A_48, %dma_start3A_49] : memref<2048x512xi32, #tpu.memory_space<hbm>> -> memref<16x512xi32, #tpu.memory_space<hbm>>
    %dma_start3A_51 = arith.constant 0 : i32
    %dma_start3A_52 = tpu.memref_slice %arg5[%add3A_48, %dma_start3A_51] : memref<2048x512xi32, #tpu.memory_space<hbm>> -> memref<16x512xi32, #tpu.memory_space<hbm>>
    tpu.enqueue_dma source(%dma_start3A_52 : memref<16x512xi32, #tpu.memory_space<hbm>>) target(%arg21 : memref<16x512xi32, #tpu.memory_space<vmem>>) target_semaphore(%arg23 : memref<!tpu.dma_semaphore, #tpu.memory_space<semaphore_mem>>)
    %dma_wait3A = arith.constant 0 : i32
    %dma_wait3A_53 = arith.constant 0 : i32
    %dma_wait3A_54 = tpu.memref_slice %arg4[%dma_wait3A, %dma_wait3A_53] : memref<6144x512xi32, #tpu.memory_space<hbm>> -> memref<6144x512xi32, #tpu.memory_space<hbm>>
    tpu.wait_indirect_dma semaphore(%arg15 : memref<!tpu.dma_semaphore, #tpu.memory_space<semaphore_mem>>) src(%dma_wait3A_54 : memref<6144x512xi32, #tpu.memory_space<hbm>>) dst(%arg11 : memref<16x512xi32, #tpu.memory_space<vmem>>)
    %dma_wait3A_55 = arith.constant 0 : i32
    %dma_wait3A_56 = arith.constant 0 : i32
    %dma_wait3A_57 = tpu.memref_slice %arg4[%dma_wait3A_55, %dma_wait3A_56] : memref<6144x512xi32, #tpu.memory_space<hbm>> -> memref<6144x512xi32, #tpu.memory_space<hbm>>
    tpu.wait_indirect_dma semaphore(%arg15 : memref<!tpu.dma_semaphore, #tpu.memory_space<semaphore_mem>>) src(%dma_wait3A_57 : memref<6144x512xi32, #tpu.memory_space<hbm>>) dst(%arg12 : memref<16x512xi32, #tpu.memory_space<vmem>>)
    %add3A_58 = arith.constant 0 : i32
    %add3A_59 = arith.addi %mul3A_2, %add3A_58 : i32
    %dma_wait3A_60 = arith.constant 0 : i32
    %dma_wait3A_61 = tpu.memref_slice %arg5[%add3A_59, %dma_wait3A_60] : memref<2048x512xi32, #tpu.memory_space<hbm>> -> memref<16x512xi32, #tpu.memory_space<hbm>>
    %dma_wait3A_62 = arith.constant 0 : i32
    %dma_wait3A_63 = tpu.memref_slice %arg5[%add3A_59, %dma_wait3A_62] : memref<2048x512xi32, #tpu.memory_space<hbm>> -> memref<16x512xi32, #tpu.memory_space<hbm>>
    tpu.wait_dma2 semaphore(%arg15 : memref<!tpu.dma_semaphore, #tpu.memory_space<semaphore_mem>>) src(%dma_wait3A_63 : memref<16x512xi32, #tpu.memory_space<hbm>>) dst(%arg13 : memref<16x512xi32, #tpu.memory_space<vmem>>)
    %scan3A = arith.constant 0 : i32
    %scan3A_64 = arith.constant 0 : i32
    %scan3A_65 = arith.constant 16 : i32
    %scan3A_66 = arith.addi %scan3A_64, %scan3A_65 : i32
    %scan3A_67 = arith.constant 1 : i32
    scf.for %scan3A_223 = %scan3A_64 to %scan3A_66 step %scan3A_67  : i32 {
      %scan3A_224 = arith.constant 0 : i32
      %scan3A_225 = arith.constant 32 : i32
      %scan3A_226 = arith.addi %scan3A_224, %scan3A_225 : i32
      %scan3A_227 = arith.constant 1 : i32
      scf.for %scan3A_229 = %scan3A_224 to %scan3A_226 step %scan3A_227  : i32 {
        %mul3A_230 = arith.constant 16 : i32
        %mul3A_231 = arith.muli %mul3A_230, %scan3A_229 : i32
        %get3A_232 = arith.index_cast %scan3A_223 : i32 to index
        %get3A_233 = arith.index_cast %mul3A_231 : i32 to index
        %get3A_234 = tpu.vector_load %arg11[%get3A_232, %get3A_233] {strides = array<i32>} : memref<16x512xi32, #tpu.memory_space<vmem>>, vector<1x16xi32>,
        %get3A_235 = vector.shape_cast %get3A_234 : vector<1x16xi32> to vector<16xi32>
        %get3A_236 = arith.index_cast %scan3A_223 : i32 to index
        %get3A_237 = arith.index_cast %mul3A_231 : i32 to index
        %get3A_238 = tpu.vector_load %arg12[%get3A_236, %get3A_237] {strides = array<i32>} : memref<16x512xi32, #tpu.memory_space<vmem>>, vector<1x16xi32>,
        %get3A_239 = vector.shape_cast %get3A_238 : vector<1x16xi32> to vector<16xi32>
        %get3A_240 = arith.index_cast %scan3A_223 : i32 to index
        %get3A_241 = arith.index_cast %mul3A_231 : i32 to index
        %get3A_242 = tpu.vector_load %arg13[%get3A_240, %get3A_241] {strides = array<i32>} : memref<16x512xi32, #tpu.memory_space<vmem>>, vector<1x16xi32>,
        %get3A_243 = vector.shape_cast %get3A_242 : vector<1x16xi32> to vector<16xi32>
        %shift_left3A = arith.constant 16 : i32
        %shift_left3A_244 = vector.broadcast %shift_left3A : i32 to vector<16xi32>
        %shift_left3A_245 = arith.shli %get3A_235, %shift_left3A_244 : vector<16xi32>
        %bitcast_convert_type3A = tpu.bitcast %shift_left3A_245 : vector<16xi32> -> vector<16xf32>
        %shift_left3A_246 = arith.constant 16 : i32
        %shift_left3A_247 = vector.broadcast %shift_left3A_246 : i32 to vector<16xi32>
        %shift_left3A_248 = arith.shli %get3A_239, %shift_left3A_247 : vector<16xi32>
        %bitcast_convert_type3A_249 = tpu.bitcast %shift_left3A_248 : vector<16xi32> -> vector<16xf32>
        %add3A_250 = arith.addf %bitcast_convert_type3A, %bitcast_convert_type3A_249 : vector<16xf32>
        %shift_left3A_251 = arith.constant 16 : i32
        %shift_left3A_252 = vector.broadcast %shift_left3A_251 : i32 to vector<16xi32>
        %shift_left3A_253 = arith.shli %get3A_243, %shift_left3A_252 : vector<16xi32>
        %bitcast_convert_type3A_254 = tpu.bitcast %shift_left3A_253 : vector<16xi32> -> vector<16xf32>
        %add3A_255 = arith.addf %add3A_250, %bitcast_convert_type3A_254 : vector<16xf32>
        %and3A = arith.andi %get3A_235, %broadcast_in_dim3A_3 : vector<16xi32>
        %bitcast_convert_type3A_256 = tpu.bitcast %and3A : vector<16xi32> -> vector<16xf32>
        %and3A_257 = arith.andi %get3A_239, %broadcast_in_dim3A_3 : vector<16xi32>
        %bitcast_convert_type3A_258 = tpu.bitcast %and3A_257 : vector<16xi32> -> vector<16xf32>
        %add3A_259 = arith.addf %bitcast_convert_type3A_256, %bitcast_convert_type3A_258 : vector<16xf32>
        %and3A_260 = arith.andi %get3A_243, %broadcast_in_dim3A_3 : vector<16xi32>
        %bitcast_convert_type3A_261 = tpu.bitcast %and3A_260 : vector<16xi32> -> vector<16xf32>
        %add3A_262 = arith.addf %add3A_259, %bitcast_convert_type3A_261 : vector<16xf32>
        %swap3A_263 = arith.index_cast %scan3A_223 : i32 to index
        %swap3A_264 = arith.index_cast %mul3A_231 : i32 to index
        %swap3A_265 = tpu.vector_load %arg14[%swap3A_263, %swap3A_264] {strides = array<i32>} : memref<16x1024xf32, #tpu.memory_space<vmem>>, vector<1x16xf32>,
        %swap3A_266 = vector.shape_cast %swap3A_265 : vector<1x16xf32> to vector<16xf32>
        %swap3A_267 = vector.shape_cast %add3A_255 : vector<16xf32> to vector<1x16xf32>
        tpu.vector_store %arg14[%swap3A_263, %swap3A_264], %swap3A_267 {strides = array<i32>} : memref<16x1024xf32, #tpu.memory_space<vmem>>, vector<1x16xf32>,
        %mul3A_268 = arith.constant 16 : i32
        %mul3A_269 = arith.muli %mul3A_268, %scan3A_229 : i32
        %add3A_270 = arith.constant 512 : i32
        %add3A_271 = arith.addi %add3A_270, %mul3A_269 : i32
        %swap3A_272 = arith.index_cast %scan3A_223 : i32 to index
        %swap3A_273 = arith.index_cast %add3A_271 : i32 to index
        %swap3A_274 = tpu.vector_load %arg14[%swap3A_272, %swap3A_273] {strides = array<i32>} : memref<16x1024xf32, #tpu.memory_space<vmem>>, vector<1x16xf32>,
        %swap3A_275 = vector.shape_cast %swap3A_274 : vector<1x16xf32> to vector<16xf32>
        %swap3A_276 = vector.shape_cast %add3A_262 : vector<16xf32> to vector<1x16xf32>
        tpu.vector_store %arg14[%swap3A_272, %swap3A_273], %swap3A_276 {strides = array<i32>} : memref<16x1024xf32, #tpu.memory_space<vmem>>, vector<1x16xf32>,
      }
      %scan3A_228 = arith.constant 32 : i32
    }
    %scan3A_68 = arith.constant 16 : i32
    %add3A_69 = arith.constant 0 : i32
    %add3A_70 = arith.addi %mul3A_2, %add3A_69 : i32
    %dma_start3A_71 = arith.constant 0 : i32
    %dma_start3A_72 = tpu.memref_slice %arg6[%add3A_70, %dma_start3A_71] : memref<2048x1024xf32, #tpu.memory_space<hbm>> -> memref<16x1024xf32, #tpu.memory_space<hbm>>
    %dma_start3A_73 = arith.constant 0 : i32
    %dma_start3A_74 = tpu.memref_slice %arg6[%add3A_70, %dma_start3A_73] : memref<2048x1024xf32, #tpu.memory_space<hbm>> -> memref<16x1024xf32, #tpu.memory_space<hbm>>
    tpu.enqueue_dma source(%arg14 : memref<16x1024xf32, #tpu.memory_space<vmem>>) target(%dma_start3A_74 : memref<16x1024xf32, #tpu.memory_space<hbm>>) target_semaphore(%arg16 : memref<!tpu.dma_semaphore, #tpu.memory_space<semaphore_mem>>)
    %get3A_75 = arith.constant 32 : index
    %get3A_76 = tpu.vector_load %arg7[%get3A_75] {strides = array<i32>} : memref<64xi32, #tpu.memory_space<vmem>>, vector<16xi32>,
    %get3A_77 = vector.shape_cast %get3A_76 : vector<16xi32> to vector<16xi32>
    %swap3A_78 = arith.constant 0 : index
    %swap3A_79 = tpu.vector_load %arg9[%swap3A_78] {strides = array<i32>} : memref<16xi32, #tpu.memory_space<vmem>>, vector<16xi32>,
    %swap3A_80 = vector.shape_cast %swap3A_79 : vector<16xi32> to vector<16xi32>
    %swap3A_81 = vector.shape_cast %get3A_77 : vector<16xi32> to vector<16xi32>
    tpu.vector_store %arg9[%swap3A_78], %swap3A_81 {strides = array<i32>} : memref<16xi32, #tpu.memory_space<vmem>>, vector<16xi32>,
    %get3A_82 = arith.constant 32 : index
    %get3A_83 = tpu.vector_load %arg8[%get3A_82] {strides = array<i32>} : memref<64xi32, #tpu.memory_space<vmem>>, vector<16xi32>,
    %get3A_84 = vector.shape_cast %get3A_83 : vector<16xi32> to vector<16xi32>
    %swap3A_85 = arith.constant 0 : index
    %swap3A_86 = tpu.vector_load %arg10[%swap3A_85] {strides = array<i32>} : memref<16xi32, #tpu.memory_space<vmem>>, vector<16xi32>,
    %swap3A_87 = vector.shape_cast %swap3A_86 : vector<16xi32> to vector<16xi32>
    %swap3A_88 = vector.shape_cast %get3A_84 : vector<16xi32> to vector<16xi32>
    tpu.vector_store %arg10[%swap3A_85], %swap3A_88 {strides = array<i32>} : memref<16xi32, #tpu.memory_space<vmem>>, vector<16xi32>,
    %dma_start3A_89 = arith.constant 0 : i32
    %dma_start3A_90 = arith.constant 0 : i32
    %dma_start3A_91 = tpu.memref_slice %arg4[%dma_start3A_89, %dma_start3A_90] : memref<6144x512xi32, #tpu.memory_space<hbm>> -> memref<6144x512xi32, #tpu.memory_space<hbm>>
    tpu.enqueue_indirect_dma source(%dma_start3A_91 : memref<6144x512xi32, #tpu.memory_space<hbm>>) target(%arg11 : memref<16x512xi32, #tpu.memory_space<vmem>>) offsets(%arg9 : memref<16xi32, #tpu.memory_space<vmem>>) semaphore(%arg15 : memref<!tpu.dma_semaphore, #tpu.memory_space<semaphore_mem>>)
    %dma_start3A_92 = arith.constant 0 : i32
    %dma_start3A_93 = arith.constant 0 : i32
    %dma_start3A_94 = tpu.memref_slice %arg4[%dma_start3A_92, %dma_start3A_93] : memref<6144x512xi32, #tpu.memory_space<hbm>> -> memref<6144x512xi32, #tpu.memory_space<hbm>>
    tpu.enqueue_indirect_dma source(%dma_start3A_94 : memref<6144x512xi32, #tpu.memory_space<hbm>>) target(%arg12 : memref<16x512xi32, #tpu.memory_space<vmem>>) offsets(%arg10 : memref<16xi32, #tpu.memory_space<vmem>>) semaphore(%arg15 : memref<!tpu.dma_semaphore, #tpu.memory_space<semaphore_mem>>)
    %add3A_95 = arith.constant 32 : i32
    %add3A_96 = arith.addi %mul3A_2, %add3A_95 : i32
    %dma_start3A_97 = arith.constant 0 : i32
    %dma_start3A_98 = tpu.memref_slice %arg5[%add3A_96, %dma_start3A_97] : memref<2048x512xi32, #tpu.memory_space<hbm>> -> memref<16x512xi32, #tpu.memory_space<hbm>>
    %dma_start3A_99 = arith.constant 0 : i32
    %dma_start3A_100 = tpu.memref_slice %arg5[%add3A_96, %dma_start3A_99] : memref<2048x512xi32, #tpu.memory_space<hbm>> -> memref<16x512xi32, #tpu.memory_space<hbm>>
    tpu.enqueue_dma source(%dma_start3A_100 : memref<16x512xi32, #tpu.memory_space<hbm>>) target(%arg13 : memref<16x512xi32, #tpu.memory_space<vmem>>) target_semaphore(%arg15 : memref<!tpu.dma_semaphore, #tpu.memory_space<semaphore_mem>>)
    %dma_wait3A_101 = arith.constant 0 : i32
    %dma_wait3A_102 = arith.constant 0 : i32
    %dma_wait3A_103 = tpu.memref_slice %arg4[%dma_wait3A_101, %dma_wait3A_102] : memref<6144x512xi32, #tpu.memory_space<hbm>> -> memref<6144x512xi32, #tpu.memory_space<hbm>>
    tpu.wait_indirect_dma semaphore(%arg23 : memref<!tpu.dma_semaphore, #tpu.memory_space<semaphore_mem>>) src(%dma_wait3A_103 : memref<6144x512xi32, #tpu.memory_space<hbm>>) dst(%arg19 : memref<16x512xi32, #tpu.memory_space<vmem>>)
    %dma_wait3A_104 = arith.constant 0 : i32
    %dma_wait3A_105 = arith.constant 0 : i32
    %dma_wait3A_106 = tpu.memref_slice %arg4[%dma_wait3A_104, %dma_wait3A_105] : memref<6144x512xi32, #tpu.memory_space<hbm>> -> memref<6144x512xi32, #tpu.memory_space<hbm>>
    tpu.wait_indirect_dma semaphore(%arg23 : memref<!tpu.dma_semaphore, #tpu.memory_space<semaphore_mem>>) src(%dma_wait3A_106 : memref<6144x512xi32, #tpu.memory_space<hbm>>) dst(%arg20 : memref<16x512xi32, #tpu.memory_space<vmem>>)
    %add3A_107 = arith.constant 16 : i32
    %add3A_108 = arith.addi %mul3A_2, %add3A_107 : i32
    %dma_wait3A_109 = arith.constant 0 : i32
    %dma_wait3A_110 = tpu.memref_slice %arg5[%add3A_108, %dma_wait3A_109] : memref<2048x512xi32, #tpu.memory_space<hbm>> -> memref<16x512xi32, #tpu.memory_space<hbm>>
    %dma_wait3A_111 = arith.constant 0 : i32
    %dma_wait3A_112 = tpu.memref_slice %arg5[%add3A_108, %dma_wait3A_111] : memref<2048x512xi32, #tpu.memory_space<hbm>> -> memref<16x512xi32, #tpu.memory_space<hbm>>
    tpu.wait_dma2 semaphore(%arg23 : memref<!tpu.dma_semaphore, #tpu.memory_space<semaphore_mem>>) src(%dma_wait3A_112 : memref<16x512xi32, #tpu.memory_space<hbm>>) dst(%arg21 : memref<16x512xi32, #tpu.memory_space<vmem>>)
    %scan3A_113 = arith.constant 0 : i32
    %scan3A_114 = arith.constant 0 : i32
    %scan3A_115 = arith.constant 16 : i32
    %scan3A_116 = arith.addi %scan3A_114, %scan3A_115 : i32
    %scan3A_117 = arith.constant 1 : i32
    scf.for %scan3A_223 = %scan3A_114 to %scan3A_116 step %scan3A_117  : i32 {
      %scan3A_224 = arith.constant 0 : i32
      %scan3A_225 = arith.constant 32 : i32
      %scan3A_226 = arith.addi %scan3A_224, %scan3A_225 : i32
      %scan3A_227 = arith.constant 1 : i32
      scf.for %scan3A_229 = %scan3A_224 to %scan3A_226 step %scan3A_227  : i32 {
        %mul3A_230 = arith.constant 16 : i32
        %mul3A_231 = arith.muli %mul3A_230, %scan3A_229 : i32
        %get3A_232 = arith.index_cast %scan3A_223 : i32 to index
        %get3A_233 = arith.index_cast %mul3A_231 : i32 to index
        %get3A_234 = tpu.vector_load %arg19[%get3A_232, %get3A_233] {strides = array<i32>} : memref<16x512xi32, #tpu.memory_space<vmem>>, vector<1x16xi32>,
        %get3A_235 = vector.shape_cast %get3A_234 : vector<1x16xi32> to vector<16xi32>
        %get3A_236 = arith.index_cast %scan3A_223 : i32 to index
        %get3A_237 = arith.index_cast %mul3A_231 : i32 to index
        %get3A_238 = tpu.vector_load %arg20[%get3A_236, %get3A_237] {strides = array<i32>} : memref<16x512xi32, #tpu.memory_space<vmem>>, vector<1x16xi32>,
        %get3A_239 = vector.shape_cast %get3A_238 : vector<1x16xi32> to vector<16xi32>
        %get3A_240 = arith.index_cast %scan3A_223 : i32 to index
        %get3A_241 = arith.index_cast %mul3A_231 : i32 to index
        %get3A_242 = tpu.vector_load %arg21[%get3A_240, %get3A_241] {strides = array<i32>} : memref<16x512xi32, #tpu.memory_space<vmem>>, vector<1x16xi32>,
        %get3A_243 = vector.shape_cast %get3A_242 : vector<1x16xi32> to vector<16xi32>
        %shift_left3A = arith.constant 16 : i32
        %shift_left3A_244 = vector.broadcast %shift_left3A : i32 to vector<16xi32>
        %shift_left3A_245 = arith.shli %get3A_235, %shift_left3A_244 : vector<16xi32>
        %bitcast_convert_type3A = tpu.bitcast %shift_left3A_245 : vector<16xi32> -> vector<16xf32>
        %shift_left3A_246 = arith.constant 16 : i32
        %shift_left3A_247 = vector.broadcast %shift_left3A_246 : i32 to vector<16xi32>
        %shift_left3A_248 = arith.shli %get3A_239, %shift_left3A_247 : vector<16xi32>
        %bitcast_convert_type3A_249 = tpu.bitcast %shift_left3A_248 : vector<16xi32> -> vector<16xf32>
        %add3A_250 = arith.addf %bitcast_convert_type3A, %bitcast_convert_type3A_249 : vector<16xf32>
        %shift_left3A_251 = arith.constant 16 : i32
        %shift_left3A_252 = vector.broadcast %shift_left3A_251 : i32 to vector<16xi32>
        %shift_left3A_253 = arith.shli %get3A_243, %shift_left3A_252 : vector<16xi32>
        %bitcast_convert_type3A_254 = tpu.bitcast %shift_left3A_253 : vector<16xi32> -> vector<16xf32>
        %add3A_255 = arith.addf %add3A_250, %bitcast_convert_type3A_254 : vector<16xf32>
        %and3A = arith.andi %get3A_235, %broadcast_in_dim3A_3 : vector<16xi32>
        %bitcast_convert_type3A_256 = tpu.bitcast %and3A : vector<16xi32> -> vector<16xf32>
        %and3A_257 = arith.andi %get3A_239, %broadcast_in_dim3A_3 : vector<16xi32>
        %bitcast_convert_type3A_258 = tpu.bitcast %and3A_257 : vector<16xi32> -> vector<16xf32>
        %add3A_259 = arith.addf %bitcast_convert_type3A_256, %bitcast_convert_type3A_258 : vector<16xf32>
        %and3A_260 = arith.andi %get3A_243, %broadcast_in_dim3A_3 : vector<16xi32>
        %bitcast_convert_type3A_261 = tpu.bitcast %and3A_260 : vector<16xi32> -> vector<16xf32>
        %add3A_262 = arith.addf %add3A_259, %bitcast_convert_type3A_261 : vector<16xf32>
        %swap3A_263 = arith.index_cast %scan3A_223 : i32 to index
        %swap3A_264 = arith.index_cast %mul3A_231 : i32 to index
        %swap3A_265 = tpu.vector_load %arg22[%swap3A_263, %swap3A_264] {strides = array<i32>} : memref<16x1024xf32, #tpu.memory_space<vmem>>, vector<1x16xf32>,
        %swap3A_266 = vector.shape_cast %swap3A_265 : vector<1x16xf32> to vector<16xf32>
        %swap3A_267 = vector.shape_cast %add3A_255 : vector<16xf32> to vector<1x16xf32>
        tpu.vector_store %arg22[%swap3A_263, %swap3A_264], %swap3A_267 {strides = array<i32>} : memref<16x1024xf32, #tpu.memory_space<vmem>>, vector<1x16xf32>,
        %mul3A_268 = arith.constant 16 : i32
        %mul3A_269 = arith.muli %mul3A_268, %scan3A_229 : i32
        %add3A_270 = arith.constant 512 : i32
        %add3A_271 = arith.addi %add3A_270, %mul3A_269 : i32
        %swap3A_272 = arith.index_cast %scan3A_223 : i32 to index
        %swap3A_273 = arith.index_cast %add3A_271 : i32 to index
        %swap3A_274 = tpu.vector_load %arg22[%swap3A_272, %swap3A_273] {strides = array<i32>} : memref<16x1024xf32, #tpu.memory_space<vmem>>, vector<1x16xf32>,
        %swap3A_275 = vector.shape_cast %swap3A_274 : vector<1x16xf32> to vector<16xf32>
        %swap3A_276 = vector.shape_cast %add3A_262 : vector<16xf32> to vector<1x16xf32>
        tpu.vector_store %arg22[%swap3A_272, %swap3A_273], %swap3A_276 {strides = array<i32>} : memref<16x1024xf32, #tpu.memory_space<vmem>>, vector<1x16xf32>,
      }
      %scan3A_228 = arith.constant 32 : i32
    }
    %scan3A_118 = arith.constant 16 : i32
    %add3A_119 = arith.constant 16 : i32
    %add3A_120 = arith.addi %mul3A_2, %add3A_119 : i32
    %dma_start3A_121 = arith.constant 0 : i32
    %dma_start3A_122 = tpu.memref_slice %arg6[%add3A_120, %dma_start3A_121] : memref<2048x1024xf32, #tpu.memory_space<hbm>> -> memref<16x1024xf32, #tpu.memory_space<hbm>>
    %dma_start3A_123 = arith.constant 0 : i32
    %dma_start3A_124 = tpu.memref_slice %arg6[%add3A_120, %dma_start3A_123] : memref<2048x1024xf32, #tpu.memory_space<hbm>> -> memref<16x1024xf32, #tpu.memory_space<hbm>>
    tpu.enqueue_dma source(%arg22 : memref<16x1024xf32, #tpu.memory_space<vmem>>) target(%dma_start3A_124 : memref<16x1024xf32, #tpu.memory_space<hbm>>) target_semaphore(%arg24 : memref<!tpu.dma_semaphore, #tpu.memory_space<semaphore_mem>>)
    %get3A_125 = arith.constant 48 : index
    %get3A_126 = tpu.vector_load %arg7[%get3A_125] {strides = array<i32>} : memref<64xi32, #tpu.memory_space<vmem>>, vector<16xi32>,
    %get3A_127 = vector.shape_cast %get3A_126 : vector<16xi32> to vector<16xi32>
    %swap3A_128 = arith.constant 0 : index
    %swap3A_129 = tpu.vector_load %arg17[%swap3A_128] {strides = array<i32>} : memref<16xi32, #tpu.memory_space<vmem>>, vector<16xi32>,
    %swap3A_130 = vector.shape_cast %swap3A_129 : vector<16xi32> to vector<16xi32>
    %swap3A_131 = vector.shape_cast %get3A_127 : vector<16xi32> to vector<16xi32>
    tpu.vector_store %arg17[%swap3A_128], %swap3A_131 {strides = array<i32>} : memref<16xi32, #tpu.memory_space<vmem>>, vector<16xi32>,
    %get3A_132 = arith.constant 48 : index
    %get3A_133 = tpu.vector_load %arg8[%get3A_132] {strides = array<i32>} : memref<64xi32, #tpu.memory_space<vmem>>, vector<16xi32>,
    %get3A_134 = vector.shape_cast %get3A_133 : vector<16xi32> to vector<16xi32>
    %swap3A_135 = arith.constant 0 : index
    %swap3A_136 = tpu.vector_load %arg18[%swap3A_135] {strides = array<i32>} : memref<16xi32, #tpu.memory_space<vmem>>, vector<16xi32>,
    %swap3A_137 = vector.shape_cast %swap3A_136 : vector<16xi32> to vector<16xi32>
    %swap3A_138 = vector.shape_cast %get3A_134 : vector<16xi32> to vector<16xi32>
    tpu.vector_store %arg18[%swap3A_135], %swap3A_138 {strides = array<i32>} : memref<16xi32, #tpu.memory_space<vmem>>, vector<16xi32>,
    %dma_start3A_139 = arith.constant 0 : i32
    %dma_start3A_140 = arith.constant 0 : i32
    %dma_start3A_141 = tpu.memref_slice %arg4[%dma_start3A_139, %dma_start3A_140] : memref<6144x512xi32, #tpu.memory_space<hbm>> -> memref<6144x512xi32, #tpu.memory_space<hbm>>
    tpu.enqueue_indirect_dma source(%dma_start3A_141 : memref<6144x512xi32, #tpu.memory_space<hbm>>) target(%arg19 : memref<16x512xi32, #tpu.memory_space<vmem>>) offsets(%arg17 : memref<16xi32, #tpu.memory_space<vmem>>) semaphore(%arg23 : memref<!tpu.dma_semaphore, #tpu.memory_space<semaphore_mem>>)
    %dma_start3A_142 = arith.constant 0 : i32
    %dma_start3A_143 = arith.constant 0 : i32
    %dma_start3A_144 = tpu.memref_slice %arg4[%dma_start3A_142, %dma_start3A_143] : memref<6144x512xi32, #tpu.memory_space<hbm>> -> memref<6144x512xi32, #tpu.memory_space<hbm>>
    tpu.enqueue_indirect_dma source(%dma_start3A_144 : memref<6144x512xi32, #tpu.memory_space<hbm>>) target(%arg20 : memref<16x512xi32, #tpu.memory_space<vmem>>) offsets(%arg18 : memref<16xi32, #tpu.memory_space<vmem>>) semaphore(%arg23 : memref<!tpu.dma_semaphore, #tpu.memory_space<semaphore_mem>>)
    %add3A_145 = arith.constant 48 : i32
    %add3A_146 = arith.addi %mul3A_2, %add3A_145 : i32
    %dma_start3A_147 = arith.constant 0 : i32
    %dma_start3A_148 = tpu.memref_slice %arg5[%add3A_146, %dma_start3A_147] : memref<2048x512xi32, #tpu.memory_space<hbm>> -> memref<16x512xi32, #tpu.memory_space<hbm>>
    %dma_start3A_149 = arith.constant 0 : i32
    %dma_start3A_150 = tpu.memref_slice %arg5[%add3A_146, %dma_start3A_149] : memref<2048x512xi32, #tpu.memory_space<hbm>> -> memref<16x512xi32, #tpu.memory_space<hbm>>
    tpu.enqueue_dma source(%dma_start3A_150 : memref<16x512xi32, #tpu.memory_space<hbm>>) target(%arg21 : memref<16x512xi32, #tpu.memory_space<vmem>>) target_semaphore(%arg23 : memref<!tpu.dma_semaphore, #tpu.memory_space<semaphore_mem>>)
    %dma_wait3A_151 = arith.constant 0 : i32
    %dma_wait3A_152 = arith.constant 0 : i32
    %dma_wait3A_153 = tpu.memref_slice %arg4[%dma_wait3A_151, %dma_wait3A_152] : memref<6144x512xi32, #tpu.memory_space<hbm>> -> memref<6144x512xi32, #tpu.memory_space<hbm>>
    tpu.wait_indirect_dma semaphore(%arg15 : memref<!tpu.dma_semaphore, #tpu.memory_space<semaphore_mem>>) src(%dma_wait3A_153 : memref<6144x512xi32, #tpu.memory_space<hbm>>) dst(%arg11 : memref<16x512xi32, #tpu.memory_space<vmem>>)
    %dma_wait3A_154 = arith.constant 0 : i32
    %dma_wait3A_155 = arith.constant 0 : i32
    %dma_wait3A_156 = tpu.memref_slice %arg4[%dma_wait3A_154, %dma_wait3A_155] : memref<6144x512xi32, #tpu.memory_space<hbm>> -> memref<6144x512xi32, #tpu.memory_space<hbm>>
    tpu.wait_indirect_dma semaphore(%arg15 : memref<!tpu.dma_semaphore, #tpu.memory_space<semaphore_mem>>) src(%dma_wait3A_156 : memref<6144x512xi32, #tpu.memory_space<hbm>>) dst(%arg12 : memref<16x512xi32, #tpu.memory_space<vmem>>)
    %add3A_157 = arith.constant 32 : i32
    %add3A_158 = arith.addi %mul3A_2, %add3A_157 : i32
    %dma_wait3A_159 = arith.constant 0 : i32
    %dma_wait3A_160 = tpu.memref_slice %arg5[%add3A_158, %dma_wait3A_159] : memref<2048x512xi32, #tpu.memory_space<hbm>> -> memref<16x512xi32, #tpu.memory_space<hbm>>
    %dma_wait3A_161 = arith.constant 0 : i32
    %dma_wait3A_162 = tpu.memref_slice %arg5[%add3A_158, %dma_wait3A_161] : memref<2048x512xi32, #tpu.memory_space<hbm>> -> memref<16x512xi32, #tpu.memory_space<hbm>>
    tpu.wait_dma2 semaphore(%arg15 : memref<!tpu.dma_semaphore, #tpu.memory_space<semaphore_mem>>) src(%dma_wait3A_162 : memref<16x512xi32, #tpu.memory_space<hbm>>) dst(%arg13 : memref<16x512xi32, #tpu.memory_space<vmem>>)
    %add3A_163 = arith.constant 0 : i32
    %add3A_164 = arith.addi %mul3A_2, %add3A_163 : i32
    %dma_wait3A_165 = arith.constant 0 : i32
    %dma_wait3A_166 = tpu.memref_slice %arg6[%add3A_164, %dma_wait3A_165] : memref<2048x1024xf32, #tpu.memory_space<hbm>> -> memref<16x1024xf32, #tpu.memory_space<hbm>>
    %dma_wait3A_167 = arith.constant 0 : i32
    %dma_wait3A_168 = tpu.memref_slice %arg6[%add3A_164, %dma_wait3A_167] : memref<2048x1024xf32, #tpu.memory_space<hbm>> -> memref<16x1024xf32, #tpu.memory_space<hbm>>
    tpu.wait_dma2 semaphore(%arg16 : memref<!tpu.dma_semaphore, #tpu.memory_space<semaphore_mem>>) src(%arg14 : memref<16x1024xf32, #tpu.memory_space<vmem>>) dst(%dma_wait3A_168 : memref<16x1024xf32, #tpu.memory_space<hbm>>)
    %scan3A_169 = arith.constant 0 : i32
    %scan3A_170 = arith.constant 0 : i32
    %scan3A_171 = arith.constant 16 : i32
    %scan3A_172 = arith.addi %scan3A_170, %scan3A_171 : i32
    %scan3A_173 = arith.constant 1 : i32
    scf.for %scan3A_223 = %scan3A_170 to %scan3A_172 step %scan3A_173  : i32 {
      %scan3A_224 = arith.constant 0 : i32
      %scan3A_225 = arith.constant 32 : i32
      %scan3A_226 = arith.addi %scan3A_224, %scan3A_225 : i32
      %scan3A_227 = arith.constant 1 : i32
      scf.for %scan3A_229 = %scan3A_224 to %scan3A_226 step %scan3A_227  : i32 {
        %mul3A_230 = arith.constant 16 : i32
        %mul3A_231 = arith.muli %mul3A_230, %scan3A_229 : i32
        %get3A_232 = arith.index_cast %scan3A_223 : i32 to index
        %get3A_233 = arith.index_cast %mul3A_231 : i32 to index
        %get3A_234 = tpu.vector_load %arg11[%get3A_232, %get3A_233] {strides = array<i32>} : memref<16x512xi32, #tpu.memory_space<vmem>>, vector<1x16xi32>,
        %get3A_235 = vector.shape_cast %get3A_234 : vector<1x16xi32> to vector<16xi32>
        %get3A_236 = arith.index_cast %scan3A_223 : i32 to index
        %get3A_237 = arith.index_cast %mul3A_231 : i32 to index
        %get3A_238 = tpu.vector_load %arg12[%get3A_236, %get3A_237] {strides = array<i32>} : memref<16x512xi32, #tpu.memory_space<vmem>>, vector<1x16xi32>,
        %get3A_239 = vector.shape_cast %get3A_238 : vector<1x16xi32> to vector<16xi32>
        %get3A_240 = arith.index_cast %scan3A_223 : i32 to index
        %get3A_241 = arith.index_cast %mul3A_231 : i32 to index
        %get3A_242 = tpu.vector_load %arg13[%get3A_240, %get3A_241] {strides = array<i32>} : memref<16x512xi32, #tpu.memory_space<vmem>>, vector<1x16xi32>,
        %get3A_243 = vector.shape_cast %get3A_242 : vector<1x16xi32> to vector<16xi32>
        %shift_left3A = arith.constant 16 : i32
        %shift_left3A_244 = vector.broadcast %shift_left3A : i32 to vector<16xi32>
        %shift_left3A_245 = arith.shli %get3A_235, %shift_left3A_244 : vector<16xi32>
        %bitcast_convert_type3A = tpu.bitcast %shift_left3A_245 : vector<16xi32> -> vector<16xf32>
        %shift_left3A_246 = arith.constant 16 : i32
        %shift_left3A_247 = vector.broadcast %shift_left3A_246 : i32 to vector<16xi32>
        %shift_left3A_248 = arith.shli %get3A_239, %shift_left3A_247 : vector<16xi32>
        %bitcast_convert_type3A_249 = tpu.bitcast %shift_left3A_248 : vector<16xi32> -> vector<16xf32>
        %add3A_250 = arith.addf %bitcast_convert_type3A, %bitcast_convert_type3A_249 : vector<16xf32>
        %shift_left3A_251 = arith.constant 16 : i32
        %shift_left3A_252 = vector.broadcast %shift_left3A_251 : i32 to vector<16xi32>
        %shift_left3A_253 = arith.shli %get3A_243, %shift_left3A_252 : vector<16xi32>
        %bitcast_convert_type3A_254 = tpu.bitcast %shift_left3A_253 : vector<16xi32> -> vector<16xf32>
        %add3A_255 = arith.addf %add3A_250, %bitcast_convert_type3A_254 : vector<16xf32>
        %and3A = arith.andi %get3A_235, %broadcast_in_dim3A_3 : vector<16xi32>
        %bitcast_convert_type3A_256 = tpu.bitcast %and3A : vector<16xi32> -> vector<16xf32>
        %and3A_257 = arith.andi %get3A_239, %broadcast_in_dim3A_3 : vector<16xi32>
        %bitcast_convert_type3A_258 = tpu.bitcast %and3A_257 : vector<16xi32> -> vector<16xf32>
        %add3A_259 = arith.addf %bitcast_convert_type3A_256, %bitcast_convert_type3A_258 : vector<16xf32>
        %and3A_260 = arith.andi %get3A_243, %broadcast_in_dim3A_3 : vector<16xi32>
        %bitcast_convert_type3A_261 = tpu.bitcast %and3A_260 : vector<16xi32> -> vector<16xf32>
        %add3A_262 = arith.addf %add3A_259, %bitcast_convert_type3A_261 : vector<16xf32>
        %swap3A_263 = arith.index_cast %scan3A_223 : i32 to index
        %swap3A_264 = arith.index_cast %mul3A_231 : i32 to index
        %swap3A_265 = tpu.vector_load %arg14[%swap3A_263, %swap3A_264] {strides = array<i32>} : memref<16x1024xf32, #tpu.memory_space<vmem>>, vector<1x16xf32>,
        %swap3A_266 = vector.shape_cast %swap3A_265 : vector<1x16xf32> to vector<16xf32>
        %swap3A_267 = vector.shape_cast %add3A_255 : vector<16xf32> to vector<1x16xf32>
        tpu.vector_store %arg14[%swap3A_263, %swap3A_264], %swap3A_267 {strides = array<i32>} : memref<16x1024xf32, #tpu.memory_space<vmem>>, vector<1x16xf32>,
        %mul3A_268 = arith.constant 16 : i32
        %mul3A_269 = arith.muli %mul3A_268, %scan3A_229 : i32
        %add3A_270 = arith.constant 512 : i32
        %add3A_271 = arith.addi %add3A_270, %mul3A_269 : i32
        %swap3A_272 = arith.index_cast %scan3A_223 : i32 to index
        %swap3A_273 = arith.index_cast %add3A_271 : i32 to index
        %swap3A_274 = tpu.vector_load %arg14[%swap3A_272, %swap3A_273] {strides = array<i32>} : memref<16x1024xf32, #tpu.memory_space<vmem>>, vector<1x16xf32>,
        %swap3A_275 = vector.shape_cast %swap3A_274 : vector<1x16xf32> to vector<16xf32>
        %swap3A_276 = vector.shape_cast %add3A_262 : vector<16xf32> to vector<1x16xf32>
        tpu.vector_store %arg14[%swap3A_272, %swap3A_273], %swap3A_276 {strides = array<i32>} : memref<16x1024xf32, #tpu.memory_space<vmem>>, vector<1x16xf32>,
      }
      %scan3A_228 = arith.constant 32 : i32
    }
    %scan3A_174 = arith.constant 16 : i32
    %add3A_175 = arith.constant 32 : i32
    %add3A_176 = arith.addi %mul3A_2, %add3A_175 : i32
    %dma_start3A_177 = arith.constant 0 : i32
    %dma_start3A_178 = tpu.memref_slice %arg6[%add3A_176, %dma_start3A_177] : memref<2048x1024xf32, #tpu.memory_space<hbm>> -> memref<16x1024xf32, #tpu.memory_space<hbm>>
    %dma_start3A_179 = arith.constant 0 : i32
    %dma_start3A_180 = tpu.memref_slice %arg6[%add3A_176, %dma_start3A_179] : memref<2048x1024xf32, #tpu.memory_space<hbm>> -> memref<16x1024xf32, #tpu.memory_space<hbm>>
    tpu.enqueue_dma source(%arg14 : memref<16x1024xf32, #tpu.memory_space<vmem>>) target(%dma_start3A_180 : memref<16x1024xf32, #tpu.memory_space<hbm>>) target_semaphore(%arg16 : memref<!tpu.dma_semaphore, #tpu.memory_space<semaphore_mem>>)
    %dma_wait3A_181 = arith.constant 0 : i32
    %dma_wait3A_182 = arith.constant 0 : i32
    %dma_wait3A_183 = tpu.memref_slice %arg4[%dma_wait3A_181, %dma_wait3A_182] : memref<6144x512xi32, #tpu.memory_space<hbm>> -> memref<6144x512xi32, #tpu.memory_space<hbm>>
    tpu.wait_indirect_dma semaphore(%arg23 : memref<!tpu.dma_semaphore, #tpu.memory_space<semaphore_mem>>) src(%dma_wait3A_183 : memref<6144x512xi32, #tpu.memory_space<hbm>>) dst(%arg19 : memref<16x512xi32, #tpu.memory_space<vmem>>)
    %dma_wait3A_184 = arith.constant 0 : i32
    %dma_wait3A_185 = arith.constant 0 : i32
    %dma_wait3A_186 = tpu.memref_slice %arg4[%dma_wait3A_184, %dma_wait3A_185] : memref<6144x512xi32, #tpu.memory_space<hbm>> -> memref<6144x512xi32, #tpu.memory_space<hbm>>
    tpu.wait_indirect_dma semaphore(%arg23 : memref<!tpu.dma_semaphore, #tpu.memory_space<semaphore_mem>>) src(%dma_wait3A_186 : memref<6144x512xi32, #tpu.memory_space<hbm>>) dst(%arg20 : memref<16x512xi32, #tpu.memory_space<vmem>>)
    %add3A_187 = arith.constant 48 : i32
    %add3A_188 = arith.addi %mul3A_2, %add3A_187 : i32
    %dma_wait3A_189 = arith.constant 0 : i32
    %dma_wait3A_190 = tpu.memref_slice %arg5[%add3A_188, %dma_wait3A_189] : memref<2048x512xi32, #tpu.memory_space<hbm>> -> memref<16x512xi32, #tpu.memory_space<hbm>>
    %dma_wait3A_191 = arith.constant 0 : i32
    %dma_wait3A_192 = tpu.memref_slice %arg5[%add3A_188, %dma_wait3A_191] : memref<2048x512xi32, #tpu.memory_space<hbm>> -> memref<16x512xi32, #tpu.memory_space<hbm>>
    tpu.wait_dma2 semaphore(%arg23 : memref<!tpu.dma_semaphore, #tpu.memory_space<semaphore_mem>>) src(%dma_wait3A_192 : memref<16x512xi32, #tpu.memory_space<hbm>>) dst(%arg21 : memref<16x512xi32, #tpu.memory_space<vmem>>)
    %add3A_193 = arith.constant 16 : i32
    %add3A_194 = arith.addi %mul3A_2, %add3A_193 : i32
    %dma_wait3A_195 = arith.constant 0 : i32
    %dma_wait3A_196 = tpu.memref_slice %arg6[%add3A_194, %dma_wait3A_195] : memref<2048x1024xf32, #tpu.memory_space<hbm>> -> memref<16x1024xf32, #tpu.memory_space<hbm>>
    %dma_wait3A_197 = arith.constant 0 : i32
    %dma_wait3A_198 = tpu.memref_slice %arg6[%add3A_194, %dma_wait3A_197] : memref<2048x1024xf32, #tpu.memory_space<hbm>> -> memref<16x1024xf32, #tpu.memory_space<hbm>>
    tpu.wait_dma2 semaphore(%arg24 : memref<!tpu.dma_semaphore, #tpu.memory_space<semaphore_mem>>) src(%arg22 : memref<16x1024xf32, #tpu.memory_space<vmem>>) dst(%dma_wait3A_198 : memref<16x1024xf32, #tpu.memory_space<hbm>>)
    %scan3A_199 = arith.constant 0 : i32
    %scan3A_200 = arith.constant 0 : i32
    %scan3A_201 = arith.constant 16 : i32
    %scan3A_202 = arith.addi %scan3A_200, %scan3A_201 : i32
    %scan3A_203 = arith.constant 1 : i32
    scf.for %scan3A_223 = %scan3A_200 to %scan3A_202 step %scan3A_203  : i32 {
      %scan3A_224 = arith.constant 0 : i32
      %scan3A_225 = arith.constant 32 : i32
      %scan3A_226 = arith.addi %scan3A_224, %scan3A_225 : i32
      %scan3A_227 = arith.constant 1 : i32
      scf.for %scan3A_229 = %scan3A_224 to %scan3A_226 step %scan3A_227  : i32 {
        %mul3A_230 = arith.constant 16 : i32
        %mul3A_231 = arith.muli %mul3A_230, %scan3A_229 : i32
        %get3A_232 = arith.index_cast %scan3A_223 : i32 to index
        %get3A_233 = arith.index_cast %mul3A_231 : i32 to index
        %get3A_234 = tpu.vector_load %arg19[%get3A_232, %get3A_233] {strides = array<i32>} : memref<16x512xi32, #tpu.memory_space<vmem>>, vector<1x16xi32>,
        %get3A_235 = vector.shape_cast %get3A_234 : vector<1x16xi32> to vector<16xi32>
        %get3A_236 = arith.index_cast %scan3A_223 : i32 to index
        %get3A_237 = arith.index_cast %mul3A_231 : i32 to index
        %get3A_238 = tpu.vector_load %arg20[%get3A_236, %get3A_237] {strides = array<i32>} : memref<16x512xi32, #tpu.memory_space<vmem>>, vector<1x16xi32>,
        %get3A_239 = vector.shape_cast %get3A_238 : vector<1x16xi32> to vector<16xi32>
        %get3A_240 = arith.index_cast %scan3A_223 : i32 to index
        %get3A_241 = arith.index_cast %mul3A_231 : i32 to index
        %get3A_242 = tpu.vector_load %arg21[%get3A_240, %get3A_241] {strides = array<i32>} : memref<16x512xi32, #tpu.memory_space<vmem>>, vector<1x16xi32>,
        %get3A_243 = vector.shape_cast %get3A_242 : vector<1x16xi32> to vector<16xi32>
        %shift_left3A = arith.constant 16 : i32
        %shift_left3A_244 = vector.broadcast %shift_left3A : i32 to vector<16xi32>
        %shift_left3A_245 = arith.shli %get3A_235, %shift_left3A_244 : vector<16xi32>
        %bitcast_convert_type3A = tpu.bitcast %shift_left3A_245 : vector<16xi32> -> vector<16xf32>
        %shift_left3A_246 = arith.constant 16 : i32
        %shift_left3A_247 = vector.broadcast %shift_left3A_246 : i32 to vector<16xi32>
        %shift_left3A_248 = arith.shli %get3A_239, %shift_left3A_247 : vector<16xi32>
        %bitcast_convert_type3A_249 = tpu.bitcast %shift_left3A_248 : vector<16xi32> -> vector<16xf32>
        %add3A_250 = arith.addf %bitcast_convert_type3A, %bitcast_convert_type3A_249 : vector<16xf32>
        %shift_left3A_251 = arith.constant 16 : i32
        %shift_left3A_252 = vector.broadcast %shift_left3A_251 : i32 to vector<16xi32>
        %shift_left3A_253 = arith.shli %get3A_243, %shift_left3A_252 : vector<16xi32>
        %bitcast_convert_type3A_254 = tpu.bitcast %shift_left3A_253 : vector<16xi32> -> vector<16xf32>
        %add3A_255 = arith.addf %add3A_250, %bitcast_convert_type3A_254 : vector<16xf32>
        %and3A = arith.andi %get3A_235, %broadcast_in_dim3A_3 : vector<16xi32>
        %bitcast_convert_type3A_256 = tpu.bitcast %and3A : vector<16xi32> -> vector<16xf32>
        %and3A_257 = arith.andi %get3A_239, %broadcast_in_dim3A_3 : vector<16xi32>
        %bitcast_convert_type3A_258 = tpu.bitcast %and3A_257 : vector<16xi32> -> vector<16xf32>
        %add3A_259 = arith.addf %bitcast_convert_type3A_256, %bitcast_convert_type3A_258 : vector<16xf32>
        %and3A_260 = arith.andi %get3A_243, %broadcast_in_dim3A_3 : vector<16xi32>
        %bitcast_convert_type3A_261 = tpu.bitcast %and3A_260 : vector<16xi32> -> vector<16xf32>
        %add3A_262 = arith.addf %add3A_259, %bitcast_convert_type3A_261 : vector<16xf32>
        %swap3A_263 = arith.index_cast %scan3A_223 : i32 to index
        %swap3A_264 = arith.index_cast %mul3A_231 : i32 to index
        %swap3A_265 = tpu.vector_load %arg22[%swap3A_263, %swap3A_264] {strides = array<i32>} : memref<16x1024xf32, #tpu.memory_space<vmem>>, vector<1x16xf32>,
        %swap3A_266 = vector.shape_cast %swap3A_265 : vector<1x16xf32> to vector<16xf32>
        %swap3A_267 = vector.shape_cast %add3A_255 : vector<16xf32> to vector<1x16xf32>
        tpu.vector_store %arg22[%swap3A_263, %swap3A_264], %swap3A_267 {strides = array<i32>} : memref<16x1024xf32, #tpu.memory_space<vmem>>, vector<1x16xf32>,
        %mul3A_268 = arith.constant 16 : i32
        %mul3A_269 = arith.muli %mul3A_268, %scan3A_229 : i32
        %add3A_270 = arith.constant 512 : i32
        %add3A_271 = arith.addi %add3A_270, %mul3A_269 : i32
        %swap3A_272 = arith.index_cast %scan3A_223 : i32 to index
        %swap3A_273 = arith.index_cast %add3A_271 : i32 to index
        %swap3A_274 = tpu.vector_load %arg22[%swap3A_272, %swap3A_273] {strides = array<i32>} : memref<16x1024xf32, #tpu.memory_space<vmem>>, vector<1x16xf32>,
        %swap3A_275 = vector.shape_cast %swap3A_274 : vector<1x16xf32> to vector<16xf32>
        %swap3A_276 = vector.shape_cast %add3A_262 : vector<16xf32> to vector<1x16xf32>
        tpu.vector_store %arg22[%swap3A_272, %swap3A_273], %swap3A_276 {strides = array<i32>} : memref<16x1024xf32, #tpu.memory_space<vmem>>, vector<1x16xf32>,
      }
      %scan3A_228 = arith.constant 32 : i32
    }
    %scan3A_204 = arith.constant 16 : i32
    %add3A_205 = arith.constant 48 : i32
    %add3A_206 = arith.addi %mul3A_2, %add3A_205 : i32
    %dma_start3A_207 = arith.constant 0 : i32
    %dma_start3A_208 = tpu.memref_slice %arg6[%add3A_206, %dma_start3A_207] : memref<2048x1024xf32, #tpu.memory_space<hbm>> -> memref<16x1024xf32, #tpu.memory_space<hbm>>
    %dma_start3A_209 = arith.constant 0 : i32
    %dma_start3A_210 = tpu.memref_slice %arg6[%add3A_206, %dma_start3A_209] : memref<2048x1024xf32, #tpu.memory_space<hbm>> -> memref<16x1024xf32, #tpu.memory_space<hbm>>
    tpu.enqueue_dma source(%arg22 : memref<16x1024xf32, #tpu.memory_space<vmem>>) target(%dma_start3A_210 : memref<16x1024xf32, #tpu.memory_space<hbm>>) target_semaphore(%arg24 : memref<!tpu.dma_semaphore, #tpu.memory_space<semaphore_mem>>)
    %add3A_211 = arith.constant 32 : i32
    %add3A_212 = arith.addi %mul3A_2, %add3A_211 : i32
    %dma_wait3A_213 = arith.constant 0 : i32
    %dma_wait3A_214 = tpu.memref_slice %arg6[%add3A_212, %dma_wait3A_213] : memref<2048x1024xf32, #tpu.memory_space<hbm>> -> memref<16x1024xf32, #tpu.memory_space<hbm>>
    %dma_wait3A_215 = arith.constant 0 : i32
    %dma_wait3A_216 = tpu.memref_slice %arg6[%add3A_212, %dma_wait3A_215] : memref<2048x1024xf32, #tpu.memory_space<hbm>> -> memref<16x1024xf32, #tpu.memory_space<hbm>>
    tpu.wait_dma2 semaphore(%arg16 : memref<!tpu.dma_semaphore, #tpu.memory_space<semaphore_mem>>) src(%arg14 : memref<16x1024xf32, #tpu.memory_space<vmem>>) dst(%dma_wait3A_216 : memref<16x1024xf32, #tpu.memory_space<hbm>>)
    %add3A_217 = arith.constant 48 : i32
    %add3A_218 = arith.addi %mul3A_2, %add3A_217 : i32
    %dma_wait3A_219 = arith.constant 0 : i32
    %dma_wait3A_220 = tpu.memref_slice %arg6[%add3A_218, %dma_wait3A_219] : memref<2048x1024xf32, #tpu.memory_space<hbm>> -> memref<16x1024xf32, #tpu.memory_space<hbm>>
    %dma_wait3A_221 = arith.constant 0 : i32
    %dma_wait3A_222 = tpu.memref_slice %arg6[%add3A_218, %dma_wait3A_221] : memref<2048x1024xf32, #tpu.memory_space<hbm>> -> memref<16x1024xf32, #tpu.memory_space<hbm>>
    tpu.wait_dma2 semaphore(%arg24 : memref<!tpu.dma_semaphore, #tpu.memory_space<semaphore_mem>>) src(%arg22 : memref<16x1024xf32, #tpu.memory_space<vmem>>) dst(%dma_wait3A_222 : memref<16x1024xf32, #tpu.memory_space<hbm>>)
    return
  }
}

#map = affine_map<(d0, d1) -> (0)>
#map1 = affine_map<(d0, d1) -> (0, 0)>
module attributes {stable_mosaic.version = 14 : i64} {
  func.func @_dispatch_body(%arg0: i32, %arg1: i32, %arg2: memref<2048xi32, #tpu.memory_space<hbm>>, %arg3: memref<2048xi32, #tpu.memory_space<hbm>>, %arg4: memref<2048x128xf32, #tpu.memory_space<hbm>>, %arg5: memref<2048x128xf32, #tpu.memory_space<hbm>>, %arg6: memref<2048x512xi32, #tpu.memory_space<hbm>>, %arg7: memref<6144x512xi32, #tpu.memory_space<hbm>>, %arg8: memref<6144x128xf32, #tpu.memory_space<hbm>>, %arg9: memref<64x512xi32, #tpu.memory_space<vmem>>, %arg10: memref<64x128xf32, #tpu.memory_space<vmem>>, %arg11: memref<64x128xf32, #tpu.memory_space<vmem>>, %arg12: memref<64xi32, #tpu.memory_space<vmem>>, %arg13: memref<64xi32, #tpu.memory_space<vmem>>, %arg14: memref<!tpu.dma_semaphore, #tpu.memory_space<semaphore_mem>>, %arg15: memref<!tpu.dma_semaphore, #tpu.memory_space<semaphore_mem>>, %arg16: memref<!tpu.dma_semaphore, #tpu.memory_space<semaphore_mem>>, %arg17: memref<!tpu.dma_semaphore, #tpu.memory_space<semaphore_mem>>) attributes {dimension_semantics = [#tpu.dimension_semantics<core_parallel>, #tpu.dimension_semantics<subcore_parallel>], iteration_bounds = array<i64: 2, 16>, scalar_prefetch = 0 : i64, scratch_operands = 9 : i64, tpu.core_type = #tpu.core_type<sc_vector_subcore>, window_params = [{transform_indices = #map}, {transform_indices = #map}, {transform_indices = #map1}, {transform_indices = #map1}, {transform_indices = #map1}, {transform_indices = #map1}, {transform_indices = #map1}]} {
    %mul3A = arith.constant 2 : i32
    %mul3A_0 = arith.muli %arg1, %mul3A : i32
    %add3A = arith.addi %mul3A_0, %arg0 : i32
    %mul3A_1 = arith.constant 64 : i32
    %mul3A_2 = arith.muli %add3A, %mul3A_1 : i32
    "tpu.region"() ({
      %run_scoped3A = tpu.sem_alloc : memref<!tpu.dma_semaphore, #tpu.memory_space<semaphore_mem>>
      %dma_start3A_25 = tpu.memref_slice %arg2[%mul3A_2] : memref<2048xi32, #tpu.memory_space<hbm>> -> memref<64xi32, #tpu.memory_space<hbm>>
      %dma_start3A_26 = tpu.memref_slice %arg2[%mul3A_2] : memref<2048xi32, #tpu.memory_space<hbm>> -> memref<64xi32, #tpu.memory_space<hbm>>
      tpu.enqueue_dma source(%dma_start3A_26 : memref<64xi32, #tpu.memory_space<hbm>>) target(%arg12 : memref<64xi32, #tpu.memory_space<vmem>>) target_semaphore(%run_scoped3A : memref<!tpu.dma_semaphore, #tpu.memory_space<semaphore_mem>>)
      %dma_wait3A_27 = tpu.memref_slice %arg2[%mul3A_2] : memref<2048xi32, #tpu.memory_space<hbm>> -> memref<64xi32, #tpu.memory_space<hbm>>
      %dma_wait3A_28 = tpu.memref_slice %arg2[%mul3A_2] : memref<2048xi32, #tpu.memory_space<hbm>> -> memref<64xi32, #tpu.memory_space<hbm>>
      tpu.wait_dma2 semaphore(%run_scoped3A : memref<!tpu.dma_semaphore, #tpu.memory_space<semaphore_mem>>) src(%dma_wait3A_28 : memref<64xi32, #tpu.memory_space<hbm>>) dst(%arg12 : memref<64xi32, #tpu.memory_space<vmem>>)
      tpu.yield
    }) : () -> ()
    "tpu.region"() ({
      %run_scoped3A = tpu.sem_alloc : memref<!tpu.dma_semaphore, #tpu.memory_space<semaphore_mem>>
      %dma_start3A_25 = tpu.memref_slice %arg3[%mul3A_2] : memref<2048xi32, #tpu.memory_space<hbm>> -> memref<64xi32, #tpu.memory_space<hbm>>
      %dma_start3A_26 = tpu.memref_slice %arg3[%mul3A_2] : memref<2048xi32, #tpu.memory_space<hbm>> -> memref<64xi32, #tpu.memory_space<hbm>>
      tpu.enqueue_dma source(%dma_start3A_26 : memref<64xi32, #tpu.memory_space<hbm>>) target(%arg13 : memref<64xi32, #tpu.memory_space<vmem>>) target_semaphore(%run_scoped3A : memref<!tpu.dma_semaphore, #tpu.memory_space<semaphore_mem>>)
      %dma_wait3A_27 = tpu.memref_slice %arg3[%mul3A_2] : memref<2048xi32, #tpu.memory_space<hbm>> -> memref<64xi32, #tpu.memory_space<hbm>>
      %dma_wait3A_28 = tpu.memref_slice %arg3[%mul3A_2] : memref<2048xi32, #tpu.memory_space<hbm>> -> memref<64xi32, #tpu.memory_space<hbm>>
      tpu.wait_dma2 semaphore(%run_scoped3A : memref<!tpu.dma_semaphore, #tpu.memory_space<semaphore_mem>>) src(%dma_wait3A_28 : memref<64xi32, #tpu.memory_space<hbm>>) dst(%arg13 : memref<64xi32, #tpu.memory_space<vmem>>)
      tpu.yield
    }) : () -> ()
    "tpu.region"() ({
      %run_scoped3A = tpu.sem_alloc : memref<!tpu.dma_semaphore, #tpu.memory_space<semaphore_mem>>
      %dma_start3A_25 = arith.constant 0 : i32
      %dma_start3A_26 = tpu.memref_slice %arg6[%mul3A_2, %dma_start3A_25] : memref<2048x512xi32, #tpu.memory_space<hbm>> -> memref<64x512xi32, #tpu.memory_space<hbm>>
      %dma_start3A_27 = arith.constant 0 : i32
      %dma_start3A_28 = tpu.memref_slice %arg6[%mul3A_2, %dma_start3A_27] : memref<2048x512xi32, #tpu.memory_space<hbm>> -> memref<64x512xi32, #tpu.memory_space<hbm>>
      tpu.enqueue_dma source(%dma_start3A_28 : memref<64x512xi32, #tpu.memory_space<hbm>>) target(%arg9 : memref<64x512xi32, #tpu.memory_space<vmem>>) target_semaphore(%run_scoped3A : memref<!tpu.dma_semaphore, #tpu.memory_space<semaphore_mem>>)
      %dma_wait3A_29 = arith.constant 0 : i32
      %dma_wait3A_30 = tpu.memref_slice %arg6[%mul3A_2, %dma_wait3A_29] : memref<2048x512xi32, #tpu.memory_space<hbm>> -> memref<64x512xi32, #tpu.memory_space<hbm>>
      %dma_wait3A_31 = arith.constant 0 : i32
      %dma_wait3A_32 = tpu.memref_slice %arg6[%mul3A_2, %dma_wait3A_31] : memref<2048x512xi32, #tpu.memory_space<hbm>> -> memref<64x512xi32, #tpu.memory_space<hbm>>
      tpu.wait_dma2 semaphore(%run_scoped3A : memref<!tpu.dma_semaphore, #tpu.memory_space<semaphore_mem>>) src(%dma_wait3A_32 : memref<64x512xi32, #tpu.memory_space<hbm>>) dst(%arg9 : memref<64x512xi32, #tpu.memory_space<vmem>>)
      tpu.yield
    }) : () -> ()
    "tpu.region"() ({
      %run_scoped3A = tpu.sem_alloc : memref<!tpu.dma_semaphore, #tpu.memory_space<semaphore_mem>>
      %dma_start3A_25 = arith.constant 0 : i32
      %dma_start3A_26 = tpu.memref_slice %arg4[%mul3A_2, %dma_start3A_25] : memref<2048x128xf32, #tpu.memory_space<hbm>> -> memref<64x128xf32, #tpu.memory_space<hbm>>
      %dma_start3A_27 = arith.constant 0 : i32
      %dma_start3A_28 = tpu.memref_slice %arg4[%mul3A_2, %dma_start3A_27] : memref<2048x128xf32, #tpu.memory_space<hbm>> -> memref<64x128xf32, #tpu.memory_space<hbm>>
      tpu.enqueue_dma source(%dma_start3A_28 : memref<64x128xf32, #tpu.memory_space<hbm>>) target(%arg10 : memref<64x128xf32, #tpu.memory_space<vmem>>) target_semaphore(%run_scoped3A : memref<!tpu.dma_semaphore, #tpu.memory_space<semaphore_mem>>)
      %dma_wait3A_29 = arith.constant 0 : i32
      %dma_wait3A_30 = tpu.memref_slice %arg4[%mul3A_2, %dma_wait3A_29] : memref<2048x128xf32, #tpu.memory_space<hbm>> -> memref<64x128xf32, #tpu.memory_space<hbm>>
      %dma_wait3A_31 = arith.constant 0 : i32
      %dma_wait3A_32 = tpu.memref_slice %arg4[%mul3A_2, %dma_wait3A_31] : memref<2048x128xf32, #tpu.memory_space<hbm>> -> memref<64x128xf32, #tpu.memory_space<hbm>>
      tpu.wait_dma2 semaphore(%run_scoped3A : memref<!tpu.dma_semaphore, #tpu.memory_space<semaphore_mem>>) src(%dma_wait3A_32 : memref<64x128xf32, #tpu.memory_space<hbm>>) dst(%arg10 : memref<64x128xf32, #tpu.memory_space<vmem>>)
      tpu.yield
    }) : () -> ()
    "tpu.region"() ({
      %run_scoped3A = tpu.sem_alloc : memref<!tpu.dma_semaphore, #tpu.memory_space<semaphore_mem>>
      %dma_start3A_25 = arith.constant 0 : i32
      %dma_start3A_26 = tpu.memref_slice %arg5[%mul3A_2, %dma_start3A_25] : memref<2048x128xf32, #tpu.memory_space<hbm>> -> memref<64x128xf32, #tpu.memory_space<hbm>>
      %dma_start3A_27 = arith.constant 0 : i32
      %dma_start3A_28 = tpu.memref_slice %arg5[%mul3A_2, %dma_start3A_27] : memref<2048x128xf32, #tpu.memory_space<hbm>> -> memref<64x128xf32, #tpu.memory_space<hbm>>
      tpu.enqueue_dma source(%dma_start3A_28 : memref<64x128xf32, #tpu.memory_space<hbm>>) target(%arg11 : memref<64x128xf32, #tpu.memory_space<vmem>>) target_semaphore(%run_scoped3A : memref<!tpu.dma_semaphore, #tpu.memory_space<semaphore_mem>>)
      %dma_wait3A_29 = arith.constant 0 : i32
      %dma_wait3A_30 = tpu.memref_slice %arg5[%mul3A_2, %dma_wait3A_29] : memref<2048x128xf32, #tpu.memory_space<hbm>> -> memref<64x128xf32, #tpu.memory_space<hbm>>
      %dma_wait3A_31 = arith.constant 0 : i32
      %dma_wait3A_32 = tpu.memref_slice %arg5[%mul3A_2, %dma_wait3A_31] : memref<2048x128xf32, #tpu.memory_space<hbm>> -> memref<64x128xf32, #tpu.memory_space<hbm>>
      tpu.wait_dma2 semaphore(%run_scoped3A : memref<!tpu.dma_semaphore, #tpu.memory_space<semaphore_mem>>) src(%dma_wait3A_32 : memref<64x128xf32, #tpu.memory_space<hbm>>) dst(%arg11 : memref<64x128xf32, #tpu.memory_space<vmem>>)
      tpu.yield
    }) : () -> ()
    %dma_start3A = arith.constant 0 : i32
    %dma_start3A_3 = arith.constant 0 : i32
    %dma_start3A_4 = tpu.memref_slice %arg7[%dma_start3A, %dma_start3A_3] : memref<6144x512xi32, #tpu.memory_space<hbm>> -> memref<6144x512xi32, #tpu.memory_space<hbm>>
    tpu.enqueue_indirect_dma source(%arg9 : memref<64x512xi32, #tpu.memory_space<vmem>>) target(%dma_start3A_4 : memref<6144x512xi32, #tpu.memory_space<hbm>>) offsets(%arg12 : memref<64xi32, #tpu.memory_space<vmem>>) semaphore(%arg14 : memref<!tpu.dma_semaphore, #tpu.memory_space<semaphore_mem>>)
    %dma_start3A_5 = arith.constant 0 : i32
    %dma_start3A_6 = arith.constant 0 : i32
    %dma_start3A_7 = tpu.memref_slice %arg7[%dma_start3A_5, %dma_start3A_6] : memref<6144x512xi32, #tpu.memory_space<hbm>> -> memref<6144x512xi32, #tpu.memory_space<hbm>>
    tpu.enqueue_indirect_dma source(%arg9 : memref<64x512xi32, #tpu.memory_space<vmem>>) target(%dma_start3A_7 : memref<6144x512xi32, #tpu.memory_space<hbm>>) offsets(%arg13 : memref<64xi32, #tpu.memory_space<vmem>>) semaphore(%arg15 : memref<!tpu.dma_semaphore, #tpu.memory_space<semaphore_mem>>)
    %dma_start3A_8 = arith.constant 0 : i32
    %dma_start3A_9 = arith.constant 0 : i32
    %dma_start3A_10 = tpu.memref_slice %arg8[%dma_start3A_8, %dma_start3A_9] : memref<6144x128xf32, #tpu.memory_space<hbm>> -> memref<6144x128xf32, #tpu.memory_space<hbm>>
    tpu.enqueue_indirect_dma source(%arg10 : memref<64x128xf32, #tpu.memory_space<vmem>>) target(%dma_start3A_10 : memref<6144x128xf32, #tpu.memory_space<hbm>>) offsets(%arg12 : memref<64xi32, #tpu.memory_space<vmem>>) semaphore(%arg16 : memref<!tpu.dma_semaphore, #tpu.memory_space<semaphore_mem>>)
    %dma_start3A_11 = arith.constant 0 : i32
    %dma_start3A_12 = arith.constant 0 : i32
    %dma_start3A_13 = tpu.memref_slice %arg8[%dma_start3A_11, %dma_start3A_12] : memref<6144x128xf32, #tpu.memory_space<hbm>> -> memref<6144x128xf32, #tpu.memory_space<hbm>>
    tpu.enqueue_indirect_dma source(%arg11 : memref<64x128xf32, #tpu.memory_space<vmem>>) target(%dma_start3A_13 : memref<6144x128xf32, #tpu.memory_space<hbm>>) offsets(%arg13 : memref<64xi32, #tpu.memory_space<vmem>>) semaphore(%arg17 : memref<!tpu.dma_semaphore, #tpu.memory_space<semaphore_mem>>)
    %dma_wait3A = arith.constant 0 : i32
    %dma_wait3A_14 = arith.constant 0 : i32
    %dma_wait3A_15 = tpu.memref_slice %arg7[%dma_wait3A, %dma_wait3A_14] : memref<6144x512xi32, #tpu.memory_space<hbm>> -> memref<6144x512xi32, #tpu.memory_space<hbm>>
    tpu.wait_indirect_dma semaphore(%arg14 : memref<!tpu.dma_semaphore, #tpu.memory_space<semaphore_mem>>) src(%arg9 : memref<64x512xi32, #tpu.memory_space<vmem>>) dst(%dma_wait3A_15 : memref<6144x512xi32, #tpu.memory_space<hbm>>)
    %dma_wait3A_16 = arith.constant 0 : i32
    %dma_wait3A_17 = arith.constant 0 : i32
    %dma_wait3A_18 = tpu.memref_slice %arg7[%dma_wait3A_16, %dma_wait3A_17] : memref<6144x512xi32, #tpu.memory_space<hbm>> -> memref<6144x512xi32, #tpu.memory_space<hbm>>
    tpu.wait_indirect_dma semaphore(%arg15 : memref<!tpu.dma_semaphore, #tpu.memory_space<semaphore_mem>>) src(%arg9 : memref<64x512xi32, #tpu.memory_space<vmem>>) dst(%dma_wait3A_18 : memref<6144x512xi32, #tpu.memory_space<hbm>>)
    %dma_wait3A_19 = arith.constant 0 : i32
    %dma_wait3A_20 = arith.constant 0 : i32
    %dma_wait3A_21 = tpu.memref_slice %arg8[%dma_wait3A_19, %dma_wait3A_20] : memref<6144x128xf32, #tpu.memory_space<hbm>> -> memref<6144x128xf32, #tpu.memory_space<hbm>>
    tpu.wait_indirect_dma semaphore(%arg16 : memref<!tpu.dma_semaphore, #tpu.memory_space<semaphore_mem>>) src(%arg10 : memref<64x128xf32, #tpu.memory_space<vmem>>) dst(%dma_wait3A_21 : memref<6144x128xf32, #tpu.memory_space<hbm>>)
    %dma_wait3A_22 = arith.constant 0 : i32
    %dma_wait3A_23 = arith.constant 0 : i32
    %dma_wait3A_24 = tpu.memref_slice %arg8[%dma_wait3A_22, %dma_wait3A_23] : memref<6144x128xf32, #tpu.memory_space<hbm>> -> memref<6144x128xf32, #tpu.memory_space<hbm>>
    tpu.wait_indirect_dma semaphore(%arg17 : memref<!tpu.dma_semaphore, #tpu.memory_space<semaphore_mem>>) src(%arg11 : memref<64x128xf32, #tpu.memory_space<vmem>>) dst(%dma_wait3A_24 : memref<6144x128xf32, #tpu.memory_space<hbm>>)
    return
  }
}

module attributes {stable_mosaic.version = 14 : i64} {
  func.func @_router_body(%arg0: memref<2048x1024xf32, #tpu.memory_space<vmem>>, %arg1: memref<8x1024xf32, #tpu.memory_space<vmem>>, %arg2: memref<2048x8xf32, #tpu.memory_space<vmem>>, %arg3: memref<64x1xf32, #tpu.memory_space<vmem>>, %arg4: memref<2048x128xf32, #tpu.memory_space<vmem>>, %arg5: memref<2048x128xf32, #tpu.memory_space<vmem>>, %arg6: memref<2048x512xi32, #tpu.memory_space<vmem>>) attributes {dimension_semantics = [], scalar_prefetch = 0 : i64, scratch_operands = 0 : i64, tpu.core_type = #tpu.core_type<tc>} {
    %get3A = arith.constant 0 : index
    %get3A_0 = arith.constant 0 : index
    %get3A_1 = vector.load %arg0[%get3A, %get3A_0] : memref<2048x1024xf32, #tpu.memory_space<vmem>>, vector<2048x1024xf32>
    %get3A_2 = arith.constant 0 : index
    %get3A_3 = arith.constant 0 : index
    %get3A_4 = vector.load %arg1[%get3A_2, %get3A_3] : memref<8x1024xf32, #tpu.memory_space<vmem>>, vector<8x1024xf32>
    %transpose3A = tpu.transpose %get3A_4, [1, 0] : vector<8x1024xf32> -> vector<1024x8xf32>
    %dot_general3A = arith.constant dense<0.000000e+00> : vector<2048x8xf32>
    %dot_general3A_5 = tpu.matmul %get3A_1, %transpose3A, %dot_general3A {dimension_numbers = #tpu.dot_dimension_numbers<[1], [0], [0], [1], [0, 0, 1, 1], [], []>, transpose_lhs_hint = false} : vector<2048x1024xf32>, vector<1024x8xf32>, vector<2048x8xf32> -> vector<2048x8xf32>
    %reduce_max3A = arith.constant dense<0xFF800000> : vector<2048xf32>
    %reduce_max3A_6 = vector.multi_reduction <maximumf>, %dot_general3A_5, %reduce_max3A [1] : vector<2048x8xf32> to vector<2048xf32>
    %max3A = arith.constant 0xFF800000 : f32
    %max3A_7 = vector.broadcast %max3A : f32 to vector<2048xf32>
    %max3A_8 = arith.maximumf %max3A_7, %reduce_max3A_6 : vector<2048xf32>
    %broadcast_in_dim3A = vector.shape_cast %max3A_8 : vector<2048xf32> to vector<2048x1xf32>
    %sub3A = vector.broadcast %broadcast_in_dim3A : vector<2048x1xf32> to vector<2048x8xf32>
    %sub3A_9 = arith.subf %dot_general3A_5, %sub3A : vector<2048x8xf32>
    %exp3A = math.exp %sub3A_9 : vector<2048x8xf32>
    %reduce_sum3A = arith.constant dense<0.000000e+00> : vector<2048xf32>
    %reduce_sum3A_10 = vector.multi_reduction <add>, %exp3A, %reduce_sum3A [1] : vector<2048x8xf32> to vector<2048xf32>
    %broadcast_in_dim3A_11 = vector.shape_cast %reduce_sum3A_10 : vector<2048xf32> to vector<2048x1xf32>
    %div3A = vector.broadcast %broadcast_in_dim3A_11 : vector<2048x1xf32> to vector<2048x8xf32>
    %div3A_12 = arith.divf %exp3A, %div3A : vector<2048x8xf32>
    %iota3A = tpu.iota {dimensions = array<i32: 1>} : vector<2048x8xi32>
    %reduce_max3A_13 = arith.constant dense<0xFF800000> : vector<2048xf32>
    %reduce_max3A_14 = vector.multi_reduction <maximumf>, %div3A_12, %reduce_max3A_13 [1] : vector<2048x8xf32> to vector<2048xf32>
    %broadcast_in_dim3A_15 = vector.shape_cast %reduce_max3A_14 : vector<2048xf32> to vector<2048x1xf32>
    %eq3A = vector.broadcast %broadcast_in_dim3A_15 : vector<2048x1xf32> to vector<2048x8xf32>
    %eq3A_16 = arith.cmpf oeq, %div3A_12, %eq3A : vector<2048x8xf32>
    %jit3A = arith.constant 8 : i32
    %broadcast_in_dim3A_17 = vector.broadcast %jit3A : i32 to vector<2048x8xi32>
    %select_n3A = arith.select %eq3A_16, %iota3A, %broadcast_in_dim3A_17 : vector<2048x8xi1>, vector<2048x8xi32>
    %reduce_min3A = arith.constant dense<2147483647> : vector<2048xi32>
    %reduce_min3A_18 = vector.multi_reduction <minsi>, %select_n3A, %reduce_min3A [1] : vector<2048x8xi32> to vector<2048xi32>
    %broadcast_in_dim3A_19 = vector.shape_cast %reduce_min3A_18 : vector<2048xi32> to vector<2048x1xi32>
    %eq3A_20 = vector.broadcast %broadcast_in_dim3A_19 : vector<2048x1xi32> to vector<2048x8xi32>
    %eq3A_21 = arith.cmpi eq, %iota3A, %eq3A_20 : vector<2048x8xi32>
    %jit3A_22 = arith.constant -1.000000e+00 : f32
    %broadcast_in_dim3A_23 = vector.broadcast %jit3A_22 : f32 to vector<2048x8xf32>
    %select_n3A_24 = arith.select %eq3A_21, %broadcast_in_dim3A_23, %div3A_12 : vector<2048x8xi1>, vector<2048x8xf32>
    %reduce_max3A_25 = arith.constant dense<0xFF800000> : vector<2048xf32>
    %reduce_max3A_26 = vector.multi_reduction <maximumf>, %select_n3A_24, %reduce_max3A_25 [1] : vector<2048x8xf32> to vector<2048xf32>
    %broadcast_in_dim3A_27 = vector.shape_cast %reduce_max3A_26 : vector<2048xf32> to vector<2048x1xf32>
    %eq3A_28 = vector.broadcast %broadcast_in_dim3A_27 : vector<2048x1xf32> to vector<2048x8xf32>
    %eq3A_29 = arith.cmpf oeq, %select_n3A_24, %eq3A_28 : vector<2048x8xf32>
    %jit3A_30 = arith.constant 8 : i32
    %broadcast_in_dim3A_31 = vector.broadcast %jit3A_30 : i32 to vector<2048x8xi32>
    %select_n3A_32 = arith.select %eq3A_29, %iota3A, %broadcast_in_dim3A_31 : vector<2048x8xi1>, vector<2048x8xi32>
    %reduce_min3A_33 = arith.constant dense<2147483647> : vector<2048xi32>
    %reduce_min3A_34 = vector.multi_reduction <minsi>, %select_n3A_32, %reduce_min3A_33 [1] : vector<2048x8xi32> to vector<2048xi32>
    %broadcast_in_dim3A_35 = vector.shape_cast %reduce_min3A_34 : vector<2048xi32> to vector<2048x1xi32>
    %eq3A_36 = vector.broadcast %broadcast_in_dim3A_35 : vector<2048x1xi32> to vector<2048x8xi32>
    %eq3A_37 = arith.cmpi eq, %iota3A, %eq3A_36 : vector<2048x8xi32>
    %add3A = arith.addf %broadcast_in_dim3A_15, %broadcast_in_dim3A_27 : vector<2048x1xf32>
    %or3A = arith.ori %eq3A_21, %eq3A_37 : vector<2048x8xi1>
    %convert_element_type3A = arith.extui %or3A : vector<2048x8xi1> to vector<2048x8xi32>
    %convert_element_type3A_38 = arith.sitofp %convert_element_type3A : vector<2048x8xi32> to vector<2048x8xf32>
    %iota3A_39 = tpu.iota {dimensions = array<i32: 0>} : vector<128x128xi32>
    %iota3A_40 = tpu.iota {dimensions = array<i32: 1>} : vector<128x128xi32>
    %gt3A = arith.cmpi sgt, %iota3A_39, %iota3A_40 : vector<128x128xi32>
    %jit3A_41 = arith.constant 1.000000e+00 : f32
    %jit3A_42 = arith.constant 0.000000e+00 : f32
    %broadcast_in_dim3A_43 = vector.broadcast %jit3A_41 : f32 to vector<128x128xf32>
    %broadcast_in_dim3A_44 = vector.broadcast %jit3A_42 : f32 to vector<128x128xf32>
    %select_n3A_45 = arith.select %gt3A, %broadcast_in_dim3A_43, %broadcast_in_dim3A_44 : vector<128x128xi1>, vector<128x128xf32>
    %broadcast_in_dim3A_46 = arith.constant 0.000000e+00 : f32
    %broadcast_in_dim3A_47 = vector.broadcast %broadcast_in_dim3A_46 : f32 to vector<1x8xf32>
    %slice3A = vector.extract_strided_slice %convert_element_type3A_38 {offsets = [0, 0], sizes = [128, 8], strides = [1, 1]} : vector<2048x8xf32> to vector<128x8xf32>
    %dot_general3A_48 = arith.constant dense<0.000000e+00> : vector<128x8xf32>
    %dot_general3A_49 = tpu.matmul %select_n3A_45, %slice3A, %dot_general3A_48 {dimension_numbers = #tpu.dot_dimension_numbers<[1], [0], [0], [1], [0, 0, 1, 1], [], []>, transpose_lhs_hint = false} : vector<128x128xf32>, vector<128x8xf32>, vector<128x8xf32> -> vector<128x8xf32>
    %add3A_50 = vector.broadcast %broadcast_in_dim3A_47 : vector<1x8xf32> to vector<128x8xf32>
    %add3A_51 = arith.addf %dot_general3A_49, %add3A_50 : vector<128x8xf32>
    %reduce_sum3A_52 = arith.constant dense<0.000000e+00> : vector<8xf32>
    %reduce_sum3A_53 = vector.multi_reduction <add>, %slice3A, %reduce_sum3A_52 [0] : vector<128x8xf32> to vector<8xf32>
    %broadcast_in_dim3A_54 = vector.shape_cast %reduce_sum3A_53 : vector<8xf32> to vector<1x8xf32>
    %add3A_55 = arith.addf %broadcast_in_dim3A_47, %broadcast_in_dim3A_54 : vector<1x8xf32>
    %slice3A_56 = vector.extract_strided_slice %convert_element_type3A_38 {offsets = [128, 0], sizes = [128, 8], strides = [1, 1]} : vector<2048x8xf32> to vector<128x8xf32>
    %dot_general3A_57 = arith.constant dense<0.000000e+00> : vector<128x8xf32>
    %dot_general3A_58 = tpu.matmul %select_n3A_45, %slice3A_56, %dot_general3A_57 {dimension_numbers = #tpu.dot_dimension_numbers<[1], [0], [0], [1], [0, 0, 1, 1], [], []>, transpose_lhs_hint = false} : vector<128x128xf32>, vector<128x8xf32>, vector<128x8xf32> -> vector<128x8xf32>
    %add3A_59 = vector.broadcast %add3A_55 : vector<1x8xf32> to vector<128x8xf32>
    %add3A_60 = arith.addf %dot_general3A_58, %add3A_59 : vector<128x8xf32>
    %reduce_sum3A_61 = arith.constant dense<0.000000e+00> : vector<8xf32>
    %reduce_sum3A_62 = vector.multi_reduction <add>, %slice3A_56, %reduce_sum3A_61 [0] : vector<128x8xf32> to vector<8xf32>
    %broadcast_in_dim3A_63 = vector.shape_cast %reduce_sum3A_62 : vector<8xf32> to vector<1x8xf32>
    %add3A_64 = arith.addf %add3A_55, %broadcast_in_dim3A_63 : vector<1x8xf32>
    %slice3A_65 = vector.extract_strided_slice %convert_element_type3A_38 {offsets = [256, 0], sizes = [128, 8], strides = [1, 1]} : vector<2048x8xf32> to vector<128x8xf32>
    %dot_general3A_66 = arith.constant dense<0.000000e+00> : vector<128x8xf32>
    %dot_general3A_67 = tpu.matmul %select_n3A_45, %slice3A_65, %dot_general3A_66 {dimension_numbers = #tpu.dot_dimension_numbers<[1], [0], [0], [1], [0, 0, 1, 1], [], []>, transpose_lhs_hint = false} : vector<128x128xf32>, vector<128x8xf32>, vector<128x8xf32> -> vector<128x8xf32>
    %add3A_68 = vector.broadcast %add3A_64 : vector<1x8xf32> to vector<128x8xf32>
    %add3A_69 = arith.addf %dot_general3A_67, %add3A_68 : vector<128x8xf32>
    %reduce_sum3A_70 = arith.constant dense<0.000000e+00> : vector<8xf32>
    %reduce_sum3A_71 = vector.multi_reduction <add>, %slice3A_65, %reduce_sum3A_70 [0] : vector<128x8xf32> to vector<8xf32>
    %broadcast_in_dim3A_72 = vector.shape_cast %reduce_sum3A_71 : vector<8xf32> to vector<1x8xf32>
    %add3A_73 = arith.addf %add3A_64, %broadcast_in_dim3A_72 : vector<1x8xf32>
    %slice3A_74 = vector.extract_strided_slice %convert_element_type3A_38 {offsets = [384, 0], sizes = [128, 8], strides = [1, 1]} : vector<2048x8xf32> to vector<128x8xf32>
    %dot_general3A_75 = arith.constant dense<0.000000e+00> : vector<128x8xf32>
    %dot_general3A_76 = tpu.matmul %select_n3A_45, %slice3A_74, %dot_general3A_75 {dimension_numbers = #tpu.dot_dimension_numbers<[1], [0], [0], [1], [0, 0, 1, 1], [], []>, transpose_lhs_hint = false} : vector<128x128xf32>, vector<128x8xf32>, vector<128x8xf32> -> vector<128x8xf32>
    %add3A_77 = vector.broadcast %add3A_73 : vector<1x8xf32> to vector<128x8xf32>
    %add3A_78 = arith.addf %dot_general3A_76, %add3A_77 : vector<128x8xf32>
    %reduce_sum3A_79 = arith.constant dense<0.000000e+00> : vector<8xf32>
    %reduce_sum3A_80 = vector.multi_reduction <add>, %slice3A_74, %reduce_sum3A_79 [0] : vector<128x8xf32> to vector<8xf32>
    %broadcast_in_dim3A_81 = vector.shape_cast %reduce_sum3A_80 : vector<8xf32> to vector<1x8xf32>
    %add3A_82 = arith.addf %add3A_73, %broadcast_in_dim3A_81 : vector<1x8xf32>
    %slice3A_83 = vector.extract_strided_slice %convert_element_type3A_38 {offsets = [512, 0], sizes = [128, 8], strides = [1, 1]} : vector<2048x8xf32> to vector<128x8xf32>
    %dot_general3A_84 = arith.constant dense<0.000000e+00> : vector<128x8xf32>
    %dot_general3A_85 = tpu.matmul %select_n3A_45, %slice3A_83, %dot_general3A_84 {dimension_numbers = #tpu.dot_dimension_numbers<[1], [0], [0], [1], [0, 0, 1, 1], [], []>, transpose_lhs_hint = false} : vector<128x128xf32>, vector<128x8xf32>, vector<128x8xf32> -> vector<128x8xf32>
    %add3A_86 = vector.broadcast %add3A_82 : vector<1x8xf32> to vector<128x8xf32>
    %add3A_87 = arith.addf %dot_general3A_85, %add3A_86 : vector<128x8xf32>
    %reduce_sum3A_88 = arith.constant dense<0.000000e+00> : vector<8xf32>
    %reduce_sum3A_89 = vector.multi_reduction <add>, %slice3A_83, %reduce_sum3A_88 [0] : vector<128x8xf32> to vector<8xf32>
    %broadcast_in_dim3A_90 = vector.shape_cast %reduce_sum3A_89 : vector<8xf32> to vector<1x8xf32>
    %add3A_91 = arith.addf %add3A_82, %broadcast_in_dim3A_90 : vector<1x8xf32>
    %slice3A_92 = vector.extract_strided_slice %convert_element_type3A_38 {offsets = [640, 0], sizes = [128, 8], strides = [1, 1]} : vector<2048x8xf32> to vector<128x8xf32>
    %dot_general3A_93 = arith.constant dense<0.000000e+00> : vector<128x8xf32>
    %dot_general3A_94 = tpu.matmul %select_n3A_45, %slice3A_92, %dot_general3A_93 {dimension_numbers = #tpu.dot_dimension_numbers<[1], [0], [0], [1], [0, 0, 1, 1], [], []>, transpose_lhs_hint = false} : vector<128x128xf32>, vector<128x8xf32>, vector<128x8xf32> -> vector<128x8xf32>
    %add3A_95 = vector.broadcast %add3A_91 : vector<1x8xf32> to vector<128x8xf32>
    %add3A_96 = arith.addf %dot_general3A_94, %add3A_95 : vector<128x8xf32>
    %reduce_sum3A_97 = arith.constant dense<0.000000e+00> : vector<8xf32>
    %reduce_sum3A_98 = vector.multi_reduction <add>, %slice3A_92, %reduce_sum3A_97 [0] : vector<128x8xf32> to vector<8xf32>
    %broadcast_in_dim3A_99 = vector.shape_cast %reduce_sum3A_98 : vector<8xf32> to vector<1x8xf32>
    %add3A_100 = arith.addf %add3A_91, %broadcast_in_dim3A_99 : vector<1x8xf32>
    %slice3A_101 = vector.extract_strided_slice %convert_element_type3A_38 {offsets = [768, 0], sizes = [128, 8], strides = [1, 1]} : vector<2048x8xf32> to vector<128x8xf32>
    %dot_general3A_102 = arith.constant dense<0.000000e+00> : vector<128x8xf32>
    %dot_general3A_103 = tpu.matmul %select_n3A_45, %slice3A_101, %dot_general3A_102 {dimension_numbers = #tpu.dot_dimension_numbers<[1], [0], [0], [1], [0, 0, 1, 1], [], []>, transpose_lhs_hint = false} : vector<128x128xf32>, vector<128x8xf32>, vector<128x8xf32> -> vector<128x8xf32>
    %add3A_104 = vector.broadcast %add3A_100 : vector<1x8xf32> to vector<128x8xf32>
    %add3A_105 = arith.addf %dot_general3A_103, %add3A_104 : vector<128x8xf32>
    %reduce_sum3A_106 = arith.constant dense<0.000000e+00> : vector<8xf32>
    %reduce_sum3A_107 = vector.multi_reduction <add>, %slice3A_101, %reduce_sum3A_106 [0] : vector<128x8xf32> to vector<8xf32>
    %broadcast_in_dim3A_108 = vector.shape_cast %reduce_sum3A_107 : vector<8xf32> to vector<1x8xf32>
    %add3A_109 = arith.addf %add3A_100, %broadcast_in_dim3A_108 : vector<1x8xf32>
    %slice3A_110 = vector.extract_strided_slice %convert_element_type3A_38 {offsets = [896, 0], sizes = [128, 8], strides = [1, 1]} : vector<2048x8xf32> to vector<128x8xf32>
    %dot_general3A_111 = arith.constant dense<0.000000e+00> : vector<128x8xf32>
    %dot_general3A_112 = tpu.matmul %select_n3A_45, %slice3A_110, %dot_general3A_111 {dimension_numbers = #tpu.dot_dimension_numbers<[1], [0], [0], [1], [0, 0, 1, 1], [], []>, transpose_lhs_hint = false} : vector<128x128xf32>, vector<128x8xf32>, vector<128x8xf32> -> vector<128x8xf32>
    %add3A_113 = vector.broadcast %add3A_109 : vector<1x8xf32> to vector<128x8xf32>
    %add3A_114 = arith.addf %dot_general3A_112, %add3A_113 : vector<128x8xf32>
    %reduce_sum3A_115 = arith.constant dense<0.000000e+00> : vector<8xf32>
    %reduce_sum3A_116 = vector.multi_reduction <add>, %slice3A_110, %reduce_sum3A_115 [0] : vector<128x8xf32> to vector<8xf32>
    %broadcast_in_dim3A_117 = vector.shape_cast %reduce_sum3A_116 : vector<8xf32> to vector<1x8xf32>
    %add3A_118 = arith.addf %add3A_109, %broadcast_in_dim3A_117 : vector<1x8xf32>
    %slice3A_119 = vector.extract_strided_slice %convert_element_type3A_38 {offsets = [1024, 0], sizes = [128, 8], strides = [1, 1]} : vector<2048x8xf32> to vector<128x8xf32>
    %dot_general3A_120 = arith.constant dense<0.000000e+00> : vector<128x8xf32>
    %dot_general3A_121 = tpu.matmul %select_n3A_45, %slice3A_119, %dot_general3A_120 {dimension_numbers = #tpu.dot_dimension_numbers<[1], [0], [0], [1], [0, 0, 1, 1], [], []>, transpose_lhs_hint = false} : vector<128x128xf32>, vector<128x8xf32>, vector<128x8xf32> -> vector<128x8xf32>
    %add3A_122 = vector.broadcast %add3A_118 : vector<1x8xf32> to vector<128x8xf32>
    %add3A_123 = arith.addf %dot_general3A_121, %add3A_122 : vector<128x8xf32>
    %reduce_sum3A_124 = arith.constant dense<0.000000e+00> : vector<8xf32>
    %reduce_sum3A_125 = vector.multi_reduction <add>, %slice3A_119, %reduce_sum3A_124 [0] : vector<128x8xf32> to vector<8xf32>
    %broadcast_in_dim3A_126 = vector.shape_cast %reduce_sum3A_125 : vector<8xf32> to vector<1x8xf32>
    %add3A_127 = arith.addf %add3A_118, %broadcast_in_dim3A_126 : vector<1x8xf32>
    %slice3A_128 = vector.extract_strided_slice %convert_element_type3A_38 {offsets = [1152, 0], sizes = [128, 8], strides = [1, 1]} : vector<2048x8xf32> to vector<128x8xf32>
    %dot_general3A_129 = arith.constant dense<0.000000e+00> : vector<128x8xf32>
    %dot_general3A_130 = tpu.matmul %select_n3A_45, %slice3A_128, %dot_general3A_129 {dimension_numbers = #tpu.dot_dimension_numbers<[1], [0], [0], [1], [0, 0, 1, 1], [], []>, transpose_lhs_hint = false} : vector<128x128xf32>, vector<128x8xf32>, vector<128x8xf32> -> vector<128x8xf32>
    %add3A_131 = vector.broadcast %add3A_127 : vector<1x8xf32> to vector<128x8xf32>
    %add3A_132 = arith.addf %dot_general3A_130, %add3A_131 : vector<128x8xf32>
    %reduce_sum3A_133 = arith.constant dense<0.000000e+00> : vector<8xf32>
    %reduce_sum3A_134 = vector.multi_reduction <add>, %slice3A_128, %reduce_sum3A_133 [0] : vector<128x8xf32> to vector<8xf32>
    %broadcast_in_dim3A_135 = vector.shape_cast %reduce_sum3A_134 : vector<8xf32> to vector<1x8xf32>
    %add3A_136 = arith.addf %add3A_127, %broadcast_in_dim3A_135 : vector<1x8xf32>
    %slice3A_137 = vector.extract_strided_slice %convert_element_type3A_38 {offsets = [1280, 0], sizes = [128, 8], strides = [1, 1]} : vector<2048x8xf32> to vector<128x8xf32>
    %dot_general3A_138 = arith.constant dense<0.000000e+00> : vector<128x8xf32>
    %dot_general3A_139 = tpu.matmul %select_n3A_45, %slice3A_137, %dot_general3A_138 {dimension_numbers = #tpu.dot_dimension_numbers<[1], [0], [0], [1], [0, 0, 1, 1], [], []>, transpose_lhs_hint = false} : vector<128x128xf32>, vector<128x8xf32>, vector<128x8xf32> -> vector<128x8xf32>
    %add3A_140 = vector.broadcast %add3A_136 : vector<1x8xf32> to vector<128x8xf32>
    %add3A_141 = arith.addf %dot_general3A_139, %add3A_140 : vector<128x8xf32>
    %reduce_sum3A_142 = arith.constant dense<0.000000e+00> : vector<8xf32>
    %reduce_sum3A_143 = vector.multi_reduction <add>, %slice3A_137, %reduce_sum3A_142 [0] : vector<128x8xf32> to vector<8xf32>
    %broadcast_in_dim3A_144 = vector.shape_cast %reduce_sum3A_143 : vector<8xf32> to vector<1x8xf32>
    %add3A_145 = arith.addf %add3A_136, %broadcast_in_dim3A_144 : vector<1x8xf32>
    %slice3A_146 = vector.extract_strided_slice %convert_element_type3A_38 {offsets = [1408, 0], sizes = [128, 8], strides = [1, 1]} : vector<2048x8xf32> to vector<128x8xf32>
    %dot_general3A_147 = arith.constant dense<0.000000e+00> : vector<128x8xf32>
    %dot_general3A_148 = tpu.matmul %select_n3A_45, %slice3A_146, %dot_general3A_147 {dimension_numbers = #tpu.dot_dimension_numbers<[1], [0], [0], [1], [0, 0, 1, 1], [], []>, transpose_lhs_hint = false} : vector<128x128xf32>, vector<128x8xf32>, vector<128x8xf32> -> vector<128x8xf32>
    %add3A_149 = vector.broadcast %add3A_145 : vector<1x8xf32> to vector<128x8xf32>
    %add3A_150 = arith.addf %dot_general3A_148, %add3A_149 : vector<128x8xf32>
    %reduce_sum3A_151 = arith.constant dense<0.000000e+00> : vector<8xf32>
    %reduce_sum3A_152 = vector.multi_reduction <add>, %slice3A_146, %reduce_sum3A_151 [0] : vector<128x8xf32> to vector<8xf32>
    %broadcast_in_dim3A_153 = vector.shape_cast %reduce_sum3A_152 : vector<8xf32> to vector<1x8xf32>
    %add3A_154 = arith.addf %add3A_145, %broadcast_in_dim3A_153 : vector<1x8xf32>
    %slice3A_155 = vector.extract_strided_slice %convert_element_type3A_38 {offsets = [1536, 0], sizes = [128, 8], strides = [1, 1]} : vector<2048x8xf32> to vector<128x8xf32>
    %dot_general3A_156 = arith.constant dense<0.000000e+00> : vector<128x8xf32>
    %dot_general3A_157 = tpu.matmul %select_n3A_45, %slice3A_155, %dot_general3A_156 {dimension_numbers = #tpu.dot_dimension_numbers<[1], [0], [0], [1], [0, 0, 1, 1], [], []>, transpose_lhs_hint = false} : vector<128x128xf32>, vector<128x8xf32>, vector<128x8xf32> -> vector<128x8xf32>
    %add3A_158 = vector.broadcast %add3A_154 : vector<1x8xf32> to vector<128x8xf32>
    %add3A_159 = arith.addf %dot_general3A_157, %add3A_158 : vector<128x8xf32>
    %reduce_sum3A_160 = arith.constant dense<0.000000e+00> : vector<8xf32>
    %reduce_sum3A_161 = vector.multi_reduction <add>, %slice3A_155, %reduce_sum3A_160 [0] : vector<128x8xf32> to vector<8xf32>
    %broadcast_in_dim3A_162 = vector.shape_cast %reduce_sum3A_161 : vector<8xf32> to vector<1x8xf32>
    %add3A_163 = arith.addf %add3A_154, %broadcast_in_dim3A_162 : vector<1x8xf32>
    %slice3A_164 = vector.extract_strided_slice %convert_element_type3A_38 {offsets = [1664, 0], sizes = [128, 8], strides = [1, 1]} : vector<2048x8xf32> to vector<128x8xf32>
    %dot_general3A_165 = arith.constant dense<0.000000e+00> : vector<128x8xf32>
    %dot_general3A_166 = tpu.matmul %select_n3A_45, %slice3A_164, %dot_general3A_165 {dimension_numbers = #tpu.dot_dimension_numbers<[1], [0], [0], [1], [0, 0, 1, 1], [], []>, transpose_lhs_hint = false} : vector<128x128xf32>, vector<128x8xf32>, vector<128x8xf32> -> vector<128x8xf32>
    %add3A_167 = vector.broadcast %add3A_163 : vector<1x8xf32> to vector<128x8xf32>
    %add3A_168 = arith.addf %dot_general3A_166, %add3A_167 : vector<128x8xf32>
    %reduce_sum3A_169 = arith.constant dense<0.000000e+00> : vector<8xf32>
    %reduce_sum3A_170 = vector.multi_reduction <add>, %slice3A_164, %reduce_sum3A_169 [0] : vector<128x8xf32> to vector<8xf32>
    %broadcast_in_dim3A_171 = vector.shape_cast %reduce_sum3A_170 : vector<8xf32> to vector<1x8xf32>
    %add3A_172 = arith.addf %add3A_163, %broadcast_in_dim3A_171 : vector<1x8xf32>
    %slice3A_173 = vector.extract_strided_slice %convert_element_type3A_38 {offsets = [1792, 0], sizes = [128, 8], strides = [1, 1]} : vector<2048x8xf32> to vector<128x8xf32>
    %dot_general3A_174 = arith.constant dense<0.000000e+00> : vector<128x8xf32>
    %dot_general3A_175 = tpu.matmul %select_n3A_45, %slice3A_173, %dot_general3A_174 {dimension_numbers = #tpu.dot_dimension_numbers<[1], [0], [0], [1], [0, 0, 1, 1], [], []>, transpose_lhs_hint = false} : vector<128x128xf32>, vector<128x8xf32>, vector<128x8xf32> -> vector<128x8xf32>
    %add3A_176 = vector.broadcast %add3A_172 : vector<1x8xf32> to vector<128x8xf32>
    %add3A_177 = arith.addf %dot_general3A_175, %add3A_176 : vector<128x8xf32>
    %reduce_sum3A_178 = arith.constant dense<0.000000e+00> : vector<8xf32>
    %reduce_sum3A_179 = vector.multi_reduction <add>, %slice3A_173, %reduce_sum3A_178 [0] : vector<128x8xf32> to vector<8xf32>
    %broadcast_in_dim3A_180 = vector.shape_cast %reduce_sum3A_179 : vector<8xf32> to vector<1x8xf32>
    %add3A_181 = arith.addf %add3A_172, %broadcast_in_dim3A_180 : vector<1x8xf32>
    %slice3A_182 = vector.extract_strided_slice %convert_element_type3A_38 {offsets = [1920, 0], sizes = [128, 8], strides = [1, 1]} : vector<2048x8xf32> to vector<128x8xf32>
    %dot_general3A_183 = arith.constant dense<0.000000e+00> : vector<128x8xf32>
    %dot_general3A_184 = tpu.matmul %select_n3A_45, %slice3A_182, %dot_general3A_183 {dimension_numbers = #tpu.dot_dimension_numbers<[1], [0], [0], [1], [0, 0, 1, 1], [], []>, transpose_lhs_hint = false} : vector<128x128xf32>, vector<128x8xf32>, vector<128x8xf32> -> vector<128x8xf32>
    %add3A_185 = vector.broadcast %add3A_181 : vector<1x8xf32> to vector<128x8xf32>
    %add3A_186 = arith.addf %dot_general3A_184, %add3A_185 : vector<128x8xf32>
    %reduce_sum3A_187 = arith.constant dense<0.000000e+00> : vector<8xf32>
    %reduce_sum3A_188 = vector.multi_reduction <add>, %slice3A_182, %reduce_sum3A_187 [0] : vector<128x8xf32> to vector<8xf32>
    %broadcast_in_dim3A_189 = vector.shape_cast %reduce_sum3A_188 : vector<8xf32> to vector<1x8xf32>
    %add3A_190 = arith.addf %add3A_181, %broadcast_in_dim3A_189 : vector<1x8xf32>
    %concatenate3A = tpu.concatenate %add3A_51, %add3A_60, %add3A_69, %add3A_78, %add3A_87, %add3A_96, %add3A_105, %add3A_114, %add3A_123, %add3A_132, %add3A_141, %add3A_150, %add3A_159, %add3A_168, %add3A_177, %add3A_186 in 0 : vector<128x8xf32>, vector<128x8xf32>, vector<128x8xf32>, vector<128x8xf32>, vector<128x8xf32>, vector<128x8xf32>, vector<128x8xf32>, vector<128x8xf32>, vector<128x8xf32>, vector<128x8xf32>, vector<128x8xf32>, vector<128x8xf32>, vector<128x8xf32>, vector<128x8xf32>, vector<128x8xf32>, vector<128x8xf32> -> vector<2048x8xf32>
    %add3A_191 = arith.constant 2.550000e+02 : f32
    %add3A_192 = vector.broadcast %add3A_191 : f32 to vector<1x8xf32>
    %add3A_193 = arith.addf %add3A_190, %add3A_192 : vector<1x8xf32>
    %mul3A = arith.constant 3.906250e-03 : f32
    %mul3A_194 = vector.broadcast %mul3A : f32 to vector<1x8xf32>
    %mul3A_195 = arith.mulf %add3A_193, %mul3A_194 : vector<1x8xf32>
    %floor3A = math.floor %mul3A_195 : vector<1x8xf32>
    %mul3A_196 = arith.constant 2.560000e+02 : f32
    %mul3A_197 = vector.broadcast %mul3A_196 : f32 to vector<1x8xf32>
    %mul3A_198 = arith.mulf %floor3A, %mul3A_197 : vector<1x8xf32>
    %iota3A_199 = tpu.iota {dimensions = array<i32: 0>} : vector<8x8xi32>
    %iota3A_200 = tpu.iota {dimensions = array<i32: 1>} : vector<8x8xi32>
    %lt3A = arith.cmpi slt, %iota3A_199, %iota3A_200 : vector<8x8xi32>
    %jit3A_201 = arith.constant 1.000000e+00 : f32
    %jit3A_202 = arith.constant 0.000000e+00 : f32
    %broadcast_in_dim3A_203 = vector.broadcast %jit3A_201 : f32 to vector<8x8xf32>
    %broadcast_in_dim3A_204 = vector.broadcast %jit3A_202 : f32 to vector<8x8xf32>
    %select_n3A_205 = arith.select %lt3A, %broadcast_in_dim3A_203, %broadcast_in_dim3A_204 : vector<8x8xi1>, vector<8x8xf32>
    %dot_general3A_206 = arith.constant dense<0.000000e+00> : vector<1x8xf32>
    %dot_general3A_207 = tpu.matmul %mul3A_198, %select_n3A_205, %dot_general3A_206 {dimension_numbers = #tpu.dot_dimension_numbers<[1], [0], [0], [1], [0, 0, 1, 1], [], []>, transpose_lhs_hint = false} : vector<1x8xf32>, vector<8x8xf32>, vector<1x8xf32> -> vector<1x8xf32>
    %add3A_208 = vector.broadcast %dot_general3A_207 : vector<1x8xf32> to vector<2048x8xf32>
    %add3A_209 = arith.addf %add3A_208, %concatenate3A : vector<2048x8xf32>
    %jit3A_210 = arith.constant 0.000000e+00 : f32
    %broadcast_in_dim3A_211 = vector.broadcast %jit3A_210 : f32 to vector<2048x8xf32>
    %select_n3A_212 = arith.select %eq3A_21, %add3A_209, %broadcast_in_dim3A_211 : vector<2048x8xi1>, vector<2048x8xf32>
    %reduce_sum3A_213 = arith.constant dense<0.000000e+00> : vector<2048xf32>
    %reduce_sum3A_214 = vector.multi_reduction <add>, %select_n3A_212, %reduce_sum3A_213 [1] : vector<2048x8xf32> to vector<2048xf32>
    %broadcast_in_dim3A_215 = vector.shape_cast %reduce_sum3A_214 : vector<2048xf32> to vector<2048x1xf32>
    %jit3A_216 = arith.constant 0.000000e+00 : f32
    %broadcast_in_dim3A_217 = vector.broadcast %jit3A_216 : f32 to vector<2048x8xf32>
    %select_n3A_218 = arith.select %eq3A_37, %add3A_209, %broadcast_in_dim3A_217 : vector<2048x8xi1>, vector<2048x8xf32>
    %reduce_sum3A_219 = arith.constant dense<0.000000e+00> : vector<2048xf32>
    %reduce_sum3A_220 = vector.multi_reduction <add>, %select_n3A_218, %reduce_sum3A_219 [1] : vector<2048x8xf32> to vector<2048xf32>
    %broadcast_in_dim3A_221 = vector.shape_cast %reduce_sum3A_220 : vector<2048xf32> to vector<2048x1xf32>
    %iota3A_222 = tpu.iota {dimensions = array<i32: 1>} : vector<2048x8xi32>
    %eq3A_223 = arith.constant 0 : i32
    %eq3A_224 = vector.broadcast %eq3A_223 : i32 to vector<2048x8xi32>
    %eq3A_225 = arith.cmpi eq, %iota3A_222, %eq3A_224 : vector<2048x8xi32>
    %jit3A_226 = arith.constant 0.000000e+00 : f32
    %broadcast_in_dim3A_227 = vector.shape_cast %broadcast_in_dim3A_215 : vector<2048x1xf32> to vector<2048x1xf32>
    %broadcast_in_dim3A_228 = vector.broadcast %broadcast_in_dim3A_227 : vector<2048x1xf32> to vector<2048x8xf32>
    %broadcast_in_dim3A_229 = vector.broadcast %jit3A_226 : f32 to vector<2048x8xf32>
    %select_n3A_230 = arith.select %eq3A_225, %broadcast_in_dim3A_228, %broadcast_in_dim3A_229 : vector<2048x8xi1>, vector<2048x8xf32>
    %eq3A_231 = arith.constant 1 : i32
    %eq3A_232 = vector.broadcast %eq3A_231 : i32 to vector<2048x8xi32>
    %eq3A_233 = arith.cmpi eq, %iota3A_222, %eq3A_232 : vector<2048x8xi32>
    %broadcast_in_dim3A_234 = vector.shape_cast %broadcast_in_dim3A_221 : vector<2048x1xf32> to vector<2048x1xf32>
    %broadcast_in_dim3A_235 = vector.broadcast %broadcast_in_dim3A_234 : vector<2048x1xf32> to vector<2048x8xf32>
    %select_n3A_236 = arith.select %eq3A_233, %broadcast_in_dim3A_235, %select_n3A_230 : vector<2048x8xi1>, vector<2048x8xf32>
    %swap3A = arith.constant 0 : index
    %swap3A_237 = arith.constant 0 : index
    %swap3A_238 = vector.load %arg2[%swap3A, %swap3A_237] : memref<2048x8xf32, #tpu.memory_space<vmem>>, vector<2048x8xf32>
    tpu.vector_store %arg2[%swap3A, %swap3A_237], %select_n3A_236 {strides = array<i32>} : memref<2048x8xf32, #tpu.memory_space<vmem>>, vector<2048x8xf32>,
    %div3A_239 = arith.divf %broadcast_in_dim3A_15, %add3A : vector<2048x1xf32>
    %broadcast_in_dim3A_240 = vector.shape_cast %div3A_239 : vector<2048x1xf32> to vector<2048x1xf32>
    %broadcast_in_dim3A_241 = vector.broadcast %broadcast_in_dim3A_240 : vector<2048x1xf32> to vector<2048x128xf32>
    %swap3A_242 = arith.constant 0 : index
    %swap3A_243 = arith.constant 0 : index
    %swap3A_244 = vector.load %arg4[%swap3A_242, %swap3A_243] : memref<2048x128xf32, #tpu.memory_space<vmem>>, vector<2048x128xf32>
    tpu.vector_store %arg4[%swap3A_242, %swap3A_243], %broadcast_in_dim3A_241 {strides = array<i32>} : memref<2048x128xf32, #tpu.memory_space<vmem>>, vector<2048x128xf32>,
    %div3A_245 = arith.divf %broadcast_in_dim3A_27, %add3A : vector<2048x1xf32>
    %broadcast_in_dim3A_246 = vector.shape_cast %div3A_245 : vector<2048x1xf32> to vector<2048x1xf32>
    %broadcast_in_dim3A_247 = vector.broadcast %broadcast_in_dim3A_246 : vector<2048x1xf32> to vector<2048x128xf32>
    %swap3A_248 = arith.constant 0 : index
    %swap3A_249 = arith.constant 0 : index
    %swap3A_250 = vector.load %arg5[%swap3A_248, %swap3A_249] : memref<2048x128xf32, #tpu.memory_space<vmem>>, vector<2048x128xf32>
    tpu.vector_store %arg5[%swap3A_248, %swap3A_249], %broadcast_in_dim3A_247 {strides = array<i32>} : memref<2048x128xf32, #tpu.memory_space<vmem>>, vector<2048x128xf32>,
    %convert_element_type3A_251 = arith.truncf %get3A_1 : vector<2048x1024xf32> to vector<2048x1024xbf16>
    %slice3A_252 = vector.extract_strided_slice %convert_element_type3A_251 {offsets = [0, 0], sizes = [2048, 512], strides = [1, 1]} : vector<2048x1024xbf16> to vector<2048x512xbf16>
    %bitcast_convert_type3A = tpu.bitcast %slice3A_252 : vector<2048x512xbf16> -> vector<2048x512xi16>
    %convert_element_type3A_253 = arith.extui %bitcast_convert_type3A : vector<2048x512xi16> to vector<2048x512xi32>
    %slice3A_254 = vector.extract_strided_slice %convert_element_type3A_251 {offsets = [0, 512], sizes = [2048, 512], strides = [1, 1]} : vector<2048x1024xbf16> to vector<2048x512xbf16>
    %bitcast_convert_type3A_255 = tpu.bitcast %slice3A_254 : vector<2048x512xbf16> -> vector<2048x512xi16>
    %convert_element_type3A_256 = arith.extui %bitcast_convert_type3A_255 : vector<2048x512xi16> to vector<2048x512xi32>
    %shift_left3A = arith.constant 16 : i32
    %shift_left3A_257 = vector.broadcast %shift_left3A : i32 to vector<2048x512xi32>
    %shift_left3A_258 = arith.shli %convert_element_type3A_256, %shift_left3A_257 : vector<2048x512xi32>
    %or3A_259 = arith.ori %convert_element_type3A_253, %shift_left3A_258 : vector<2048x512xi32>
    %bitcast_convert_type3A_260 = tpu.bitcast %or3A_259 : vector<2048x512xi32> -> vector<2048x512xi32>
    %swap3A_261 = arith.constant 0 : index
    %swap3A_262 = arith.constant 0 : index
    %swap3A_263 = vector.load %arg6[%swap3A_261, %swap3A_262] : memref<2048x512xi32, #tpu.memory_space<vmem>>, vector<2048x512xi32>
    tpu.vector_store %arg6[%swap3A_261, %swap3A_262], %bitcast_convert_type3A_260 {strides = array<i32>} : memref<2048x512xi32, #tpu.memory_space<vmem>>, vector<2048x512xi32>,
    %add3A_264 = arith.addf %dot_general3A_207, %mul3A_198 : vector<1x8xf32>
    %iota3A_265 = tpu.iota {dimensions = array<i32: 0>} : vector<64x1xi32>
    %convert_element_type3A_266 = arith.sitofp %iota3A_265 : vector<64x1xi32> to vector<64x1xf32>
    %mul3A_267 = arith.constant 2.560000e+02 : f32
    %mul3A_268 = vector.broadcast %mul3A_267 : f32 to vector<64x1xf32>
    %mul3A_269 = arith.mulf %convert_element_type3A_266, %mul3A_268 : vector<64x1xf32>
    %broadcast_in_dim3A_270 = arith.constant 0.000000e+00 : f32
    %broadcast_in_dim3A_271 = vector.broadcast %broadcast_in_dim3A_270 : f32 to vector<64x1xf32>
    %slice3A_272 = vector.extract_strided_slice %add3A_264 {offsets = [0, 0], sizes = [1, 1], strides = [1, 1]} : vector<1x8xf32> to vector<1x1xf32>
    %ge3A = vector.broadcast %slice3A_272 : vector<1x1xf32> to vector<64x1xf32>
    %ge3A_273 = arith.cmpf oge, %mul3A_269, %ge3A : vector<64x1xf32>
    %jit3A_274 = arith.constant 1.000000e+00 : f32
    %jit3A_275 = arith.constant 0.000000e+00 : f32
    %broadcast_in_dim3A_276 = vector.broadcast %jit3A_274 : f32 to vector<64x1xf32>
    %broadcast_in_dim3A_277 = vector.broadcast %jit3A_275 : f32 to vector<64x1xf32>
    %select_n3A_278 = arith.select %ge3A_273, %broadcast_in_dim3A_276, %broadcast_in_dim3A_277 : vector<64x1xi1>, vector<64x1xf32>
    %add3A_279 = arith.addf %broadcast_in_dim3A_271, %select_n3A_278 : vector<64x1xf32>
    %slice3A_280 = vector.extract_strided_slice %add3A_264 {offsets = [0, 1], sizes = [1, 1], strides = [1, 1]} : vector<1x8xf32> to vector<1x1xf32>
    %ge3A_281 = vector.broadcast %slice3A_280 : vector<1x1xf32> to vector<64x1xf32>
    %ge3A_282 = arith.cmpf oge, %mul3A_269, %ge3A_281 : vector<64x1xf32>
    %jit3A_283 = arith.constant 1.000000e+00 : f32
    %jit3A_284 = arith.constant 0.000000e+00 : f32
    %broadcast_in_dim3A_285 = vector.broadcast %jit3A_283 : f32 to vector<64x1xf32>
    %broadcast_in_dim3A_286 = vector.broadcast %jit3A_284 : f32 to vector<64x1xf32>
    %select_n3A_287 = arith.select %ge3A_282, %broadcast_in_dim3A_285, %broadcast_in_dim3A_286 : vector<64x1xi1>, vector<64x1xf32>
    %add3A_288 = arith.addf %add3A_279, %select_n3A_287 : vector<64x1xf32>
    %slice3A_289 = vector.extract_strided_slice %add3A_264 {offsets = [0, 2], sizes = [1, 1], strides = [1, 1]} : vector<1x8xf32> to vector<1x1xf32>
    %ge3A_290 = vector.broadcast %slice3A_289 : vector<1x1xf32> to vector<64x1xf32>
    %ge3A_291 = arith.cmpf oge, %mul3A_269, %ge3A_290 : vector<64x1xf32>
    %jit3A_292 = arith.constant 1.000000e+00 : f32
    %jit3A_293 = arith.constant 0.000000e+00 : f32
    %broadcast_in_dim3A_294 = vector.broadcast %jit3A_292 : f32 to vector<64x1xf32>
    %broadcast_in_dim3A_295 = vector.broadcast %jit3A_293 : f32 to vector<64x1xf32>
    %select_n3A_296 = arith.select %ge3A_291, %broadcast_in_dim3A_294, %broadcast_in_dim3A_295 : vector<64x1xi1>, vector<64x1xf32>
    %add3A_297 = arith.addf %add3A_288, %select_n3A_296 : vector<64x1xf32>
    %slice3A_298 = vector.extract_strided_slice %add3A_264 {offsets = [0, 3], sizes = [1, 1], strides = [1, 1]} : vector<1x8xf32> to vector<1x1xf32>
    %ge3A_299 = vector.broadcast %slice3A_298 : vector<1x1xf32> to vector<64x1xf32>
    %ge3A_300 = arith.cmpf oge, %mul3A_269, %ge3A_299 : vector<64x1xf32>
    %jit3A_301 = arith.constant 1.000000e+00 : f32
    %jit3A_302 = arith.constant 0.000000e+00 : f32
    %broadcast_in_dim3A_303 = vector.broadcast %jit3A_301 : f32 to vector<64x1xf32>
    %broadcast_in_dim3A_304 = vector.broadcast %jit3A_302 : f32 to vector<64x1xf32>
    %select_n3A_305 = arith.select %ge3A_300, %broadcast_in_dim3A_303, %broadcast_in_dim3A_304 : vector<64x1xi1>, vector<64x1xf32>
    %add3A_306 = arith.addf %add3A_297, %select_n3A_305 : vector<64x1xf32>
    %slice3A_307 = vector.extract_strided_slice %add3A_264 {offsets = [0, 4], sizes = [1, 1], strides = [1, 1]} : vector<1x8xf32> to vector<1x1xf32>
    %ge3A_308 = vector.broadcast %slice3A_307 : vector<1x1xf32> to vector<64x1xf32>
    %ge3A_309 = arith.cmpf oge, %mul3A_269, %ge3A_308 : vector<64x1xf32>
    %jit3A_310 = arith.constant 1.000000e+00 : f32
    %jit3A_311 = arith.constant 0.000000e+00 : f32
    %broadcast_in_dim3A_312 = vector.broadcast %jit3A_310 : f32 to vector<64x1xf32>
    %broadcast_in_dim3A_313 = vector.broadcast %jit3A_311 : f32 to vector<64x1xf32>
    %select_n3A_314 = arith.select %ge3A_309, %broadcast_in_dim3A_312, %broadcast_in_dim3A_313 : vector<64x1xi1>, vector<64x1xf32>
    %add3A_315 = arith.addf %add3A_306, %select_n3A_314 : vector<64x1xf32>
    %slice3A_316 = vector.extract_strided_slice %add3A_264 {offsets = [0, 5], sizes = [1, 1], strides = [1, 1]} : vector<1x8xf32> to vector<1x1xf32>
    %ge3A_317 = vector.broadcast %slice3A_316 : vector<1x1xf32> to vector<64x1xf32>
    %ge3A_318 = arith.cmpf oge, %mul3A_269, %ge3A_317 : vector<64x1xf32>
    %jit3A_319 = arith.constant 1.000000e+00 : f32
    %jit3A_320 = arith.constant 0.000000e+00 : f32
    %broadcast_in_dim3A_321 = vector.broadcast %jit3A_319 : f32 to vector<64x1xf32>
    %broadcast_in_dim3A_322 = vector.broadcast %jit3A_320 : f32 to vector<64x1xf32>
    %select_n3A_323 = arith.select %ge3A_318, %broadcast_in_dim3A_321, %broadcast_in_dim3A_322 : vector<64x1xi1>, vector<64x1xf32>
    %add3A_324 = arith.addf %add3A_315, %select_n3A_323 : vector<64x1xf32>
    %slice3A_325 = vector.extract_strided_slice %add3A_264 {offsets = [0, 6], sizes = [1, 1], strides = [1, 1]} : vector<1x8xf32> to vector<1x1xf32>
    %ge3A_326 = vector.broadcast %slice3A_325 : vector<1x1xf32> to vector<64x1xf32>
    %ge3A_327 = arith.cmpf oge, %mul3A_269, %ge3A_326 : vector<64x1xf32>
    %jit3A_328 = arith.constant 1.000000e+00 : f32
    %jit3A_329 = arith.constant 0.000000e+00 : f32
    %broadcast_in_dim3A_330 = vector.broadcast %jit3A_328 : f32 to vector<64x1xf32>
    %broadcast_in_dim3A_331 = vector.broadcast %jit3A_329 : f32 to vector<64x1xf32>
    %select_n3A_332 = arith.select %ge3A_327, %broadcast_in_dim3A_330, %broadcast_in_dim3A_331 : vector<64x1xi1>, vector<64x1xf32>
    %add3A_333 = arith.addf %add3A_324, %select_n3A_332 : vector<64x1xf32>
    %slice3A_334 = vector.extract_strided_slice %add3A_264 {offsets = [0, 7], sizes = [1, 1], strides = [1, 1]} : vector<1x8xf32> to vector<1x1xf32>
    %ge3A_335 = vector.broadcast %slice3A_334 : vector<1x1xf32> to vector<64x1xf32>
    %ge3A_336 = arith.cmpf oge, %mul3A_269, %ge3A_335 : vector<64x1xf32>
    %jit3A_337 = arith.constant 1.000000e+00 : f32
    %jit3A_338 = arith.constant 0.000000e+00 : f32
    %broadcast_in_dim3A_339 = vector.broadcast %jit3A_337 : f32 to vector<64x1xf32>
    %broadcast_in_dim3A_340 = vector.broadcast %jit3A_338 : f32 to vector<64x1xf32>
    %select_n3A_341 = arith.select %ge3A_336, %broadcast_in_dim3A_339, %broadcast_in_dim3A_340 : vector<64x1xi1>, vector<64x1xf32>
    %add3A_342 = arith.addf %add3A_333, %select_n3A_341 : vector<64x1xf32>
    %min3A = arith.constant 7.000000e+00 : f32
    %min3A_343 = vector.broadcast %min3A : f32 to vector<64x1xf32>
    %min3A_344 = arith.minimumf %add3A_342, %min3A_343 : vector<64x1xf32>
    %iota3A_345 = tpu.iota {dimensions = array<i32: 0>} : vector<64x1xi32>
    %slice3A_346 = vector.extract_strided_slice %add3A_264 {offsets = [0, 7], sizes = [1, 1], strides = [1, 1]} : vector<1x8xf32> to vector<1x1xf32>
    %mul3A_347 = arith.constant 3.906250e-03 : f32
    %mul3A_348 = vector.broadcast %mul3A_347 : f32 to vector<1x1xf32>
    %mul3A_349 = arith.mulf %slice3A_346, %mul3A_348 : vector<1x1xf32>
    %eq3A_350 = arith.constant 24 : i32
    %eq3A_351 = vector.broadcast %eq3A_350 : i32 to vector<64x1xi32>
    %eq3A_352 = arith.cmpi eq, %iota3A_345, %eq3A_351 : vector<64x1xi32>
    %broadcast_in_dim3A_353 = vector.shape_cast %mul3A_349 : vector<1x1xf32> to vector<1x1xf32>
    %broadcast_in_dim3A_354 = vector.broadcast %broadcast_in_dim3A_353 : vector<1x1xf32> to vector<64x1xf32>
    %select_n3A_355 = arith.select %eq3A_352, %broadcast_in_dim3A_354, %min3A_344 : vector<64x1xi1>, vector<64x1xf32>
    %swap3A_356 = arith.constant 0 : index
    %swap3A_357 = arith.constant 0 : index
    %swap3A_358 = vector.load %arg3[%swap3A_356, %swap3A_357] : memref<64x1xf32, #tpu.memory_space<vmem>>, vector<64x1xf32>
    tpu.vector_store %arg3[%swap3A_356, %swap3A_357], %select_n3A_355 {strides = array<i32>} : memref<64x1xf32, #tpu.memory_space<vmem>>, vector<64x1xf32>,
    return
  }
}

module attributes {stable_mosaic.version = 14 : i64} {
  func.func @_group_mm_body(%arg0: i32, %arg1: memref<25xi32, #tpu.memory_space<smem>>, %arg2: memref<256x512xi32, #tpu.memory_space<vmem>>, %arg3: memref<256x128xf32, #tpu.memory_space<vmem>>, %arg4: memref<1x1024x1024xf32, #tpu.memory_space<vmem>>, %arg5: memref<1x1024x512xf32, #tpu.memory_space<vmem>>, %arg6: memref<256x512xi32, #tpu.memory_space<vmem>>, %arg7: memref<1024x1024xbf16, #tpu.memory_space<vmem>>, %arg8: memref<1024x512xbf16, #tpu.memory_space<vmem>>) attributes {dimension_semantics = [#tpu.dimension_semantics<arbitrary>], iteration_bounds = array<i64: 24>, scalar_prefetch = 1 : i64, scratch_operands = 2 : i64, tpu.core_type = #tpu.core_type<tc>, window_params = [{transform_indices = @transform_0, window_bounds = array<i64: 256, 512>}, {transform_indices = @transform_1, window_bounds = array<i64: 256, 128>}, {transform_indices = @transform_2, window_bounds = array<i64: 1, 1024, 1024>}, {transform_indices = @transform_3, window_bounds = array<i64: 1, 1024, 512>}, {transform_indices = @transform_4, window_bounds = array<i64: 256, 512>}]} {
    %get3A = arith.index_cast %arg0 : i32 to index
    %get3A_0 = memref.load %arg1[%get3A] : memref<25xi32, #tpu.memory_space<smem>>
    %sub3A = arith.constant 1 : i32
    %sub3A_1 = arith.subi %arg0, %sub3A : i32
    %max3A = arith.constant 0 : i32
    %max3A_2 = arith.maxsi %sub3A_1, %max3A : i32
    %get3A_3 = arith.index_cast %max3A_2 : i32 to index
    %get3A_4 = memref.load %arg1[%get3A_3] : memref<25xi32, #tpu.memory_space<smem>>
    %get3A_5 = arith.constant 24 : index
    %get3A_6 = memref.load %arg1[%get3A_5] : memref<25xi32, #tpu.memory_space<smem>>
    %lt3A = arith.cmpi slt, %arg0, %get3A_6 : i32
    %convert_element_type3A = arith.extui %lt3A : i1 to i32
    %cond3A = arith.constant 0 : i32
    %cond3A_7 = arith.cmpi ne, %convert_element_type3A, %cond3A : i32
    scf.if %cond3A_7 {
      %eq3A = arith.constant 0 : i32
      %eq3A_8 = arith.cmpi eq, %arg0, %eq3A : i32
      %ne3A = arith.cmpi ne, %get3A_0, %get3A_4 : i32
      %or3A = arith.ori %eq3A_8, %ne3A : i1
      %convert_element_type3A_9 = arith.extui %or3A : i1 to i32
      %cond3A_10 = arith.constant 0 : i32
      %cond3A_11 = arith.cmpi ne, %convert_element_type3A_9, %cond3A_10 : i32
      scf.if %cond3A_11 {
        %get3A_65 = arith.constant 0 : index
        %get3A_66 = arith.constant 0 : index
        %get3A_67 = arith.constant 0 : index
        %get3A_68 = vector.load %arg4[%get3A_65, %get3A_66, %get3A_67] : memref<1x1024x1024xf32, #tpu.memory_space<vmem>>, vector<1x1024x1024xf32>
        %get3A_69 = vector.shape_cast %get3A_68 : vector<1x1024x1024xf32> to vector<1024x1024xf32>
        %convert_element_type3A_70 = arith.truncf %get3A_69 : vector<1024x1024xf32> to vector<1024x1024xbf16>
        %swap3A_71 = arith.constant 0 : index
        %swap3A_72 = arith.constant 0 : index
        %swap3A_73 = vector.load %arg7[%swap3A_71, %swap3A_72] : memref<1024x1024xbf16, #tpu.memory_space<vmem>>, vector<1024x1024xbf16>
        tpu.vector_store %arg7[%swap3A_71, %swap3A_72], %convert_element_type3A_70 {strides = array<i32>} : memref<1024x1024xbf16, #tpu.memory_space<vmem>>, vector<1024x1024xbf16>,
        %get3A_74 = arith.constant 0 : index
        %get3A_75 = arith.constant 0 : index
        %get3A_76 = arith.constant 0 : index
        %get3A_77 = vector.load %arg5[%get3A_74, %get3A_75, %get3A_76] : memref<1x1024x512xf32, #tpu.memory_space<vmem>>, vector<1x1024x512xf32>
        %get3A_78 = vector.shape_cast %get3A_77 : vector<1x1024x512xf32> to vector<1024x512xf32>
        %convert_element_type3A_79 = arith.truncf %get3A_78 : vector<1024x512xf32> to vector<1024x512xbf16>
        %swap3A_80 = arith.constant 0 : index
        %swap3A_81 = arith.constant 0 : index
        %swap3A_82 = vector.load %arg8[%swap3A_80, %swap3A_81] : memref<1024x512xbf16, #tpu.memory_space<vmem>>, vector<1024x512xbf16>
        tpu.vector_store %arg8[%swap3A_80, %swap3A_81], %convert_element_type3A_79 {strides = array<i32>} : memref<1024x512xbf16, #tpu.memory_space<vmem>>, vector<1024x512xbf16>,
      } else {
      }
      %get3A_12 = arith.constant 0 : index
      %get3A_13 = arith.constant 0 : index
      %get3A_14 = vector.load %arg2[%get3A_12, %get3A_13] : memref<256x512xi32, #tpu.memory_space<vmem>>, vector<256x512xi32>
      %shift_left3A = arith.constant 16 : i32
      %shift_left3A_15 = vector.broadcast %shift_left3A : i32 to vector<256x512xi32>
      %shift_left3A_16 = arith.shli %get3A_14, %shift_left3A_15 : vector<256x512xi32>
      %bitcast_convert_type3A = tpu.bitcast %shift_left3A_16 : vector<256x512xi32> -> vector<256x512xf32>
      %and3A = arith.constant -65536 : i32
      %and3A_17 = vector.broadcast %and3A : i32 to vector<256x512xi32>
      %and3A_18 = arith.andi %get3A_14, %and3A_17 : vector<256x512xi32>
      %bitcast_convert_type3A_19 = tpu.bitcast %and3A_18 : vector<256x512xi32> -> vector<256x512xf32>
      %convert_element_type3A_20 = arith.truncf %bitcast_convert_type3A : vector<256x512xf32> to vector<256x512xbf16>
      %convert_element_type3A_21 = arith.truncf %bitcast_convert_type3A_19 : vector<256x512xf32> to vector<256x512xbf16>
      %get3A_22 = arith.constant 0 : index
      %get3A_23 = arith.constant 0 : index
      %get3A_24 = vector.load %arg7[%get3A_22, %get3A_23] : memref<1024x1024xbf16, #tpu.memory_space<vmem>>, vector<1024x512xbf16>
      %transpose3A = tpu.transpose %get3A_24, [1, 0] : vector<1024x512xbf16> -> vector<512x1024xbf16>
      %dot_general3A = arith.constant dense<0.000000e+00> : vector<256x1024xf32>
      %dot_general3A_25 = tpu.matmul %convert_element_type3A_20, %transpose3A, %dot_general3A {dimension_numbers = #tpu.dot_dimension_numbers<[1], [0], [0], [1], [0, 0, 1, 1], [], []>, transpose_lhs_hint = false} : vector<256x512xbf16>, vector<512x1024xbf16>, vector<256x1024xf32> -> vector<256x1024xf32>
      %get3A_26 = arith.constant 0 : index
      %get3A_27 = arith.constant 512 : index
      %get3A_28 = vector.load %arg7[%get3A_26, %get3A_27] : memref<1024x1024xbf16, #tpu.memory_space<vmem>>, vector<1024x512xbf16>
      %transpose3A_29 = tpu.transpose %get3A_28, [1, 0] : vector<1024x512xbf16> -> vector<512x1024xbf16>
      %dot_general3A_30 = arith.constant dense<0.000000e+00> : vector<256x1024xf32>
      %dot_general3A_31 = tpu.matmul %convert_element_type3A_21, %transpose3A_29, %dot_general3A_30 {dimension_numbers = #tpu.dot_dimension_numbers<[1], [0], [0], [1], [0, 0, 1, 1], [], []>, transpose_lhs_hint = false} : vector<256x512xbf16>, vector<512x1024xbf16>, vector<256x1024xf32> -> vector<256x1024xf32>
      %add3A = arith.addf %dot_general3A_25, %dot_general3A_31 : vector<256x1024xf32>
      %slice3A = vector.extract_strided_slice %add3A {offsets = [0, 0], sizes = [256, 512], strides = [1, 1]} : vector<256x1024xf32> to vector<256x512xf32>
      %slice3A_32 = vector.extract_strided_slice %add3A {offsets = [0, 512], sizes = [256, 512], strides = [1, 1]} : vector<256x1024xf32> to vector<256x512xf32>
      %logistic3A = arith.negf %slice3A : vector<256x512xf32>
      %logistic3A_33 = math.exp %logistic3A : vector<256x512xf32>
      %logistic3A_34 = arith.constant 1.000000e+00 : f32
      %logistic3A_35 = vector.broadcast %logistic3A_34 : f32 to vector<256x512xf32>
      %logistic3A_36 = arith.addf %logistic3A_35, %logistic3A_33 : vector<256x512xf32>
      %logistic3A_37 = arith.divf %logistic3A_35, %logistic3A_36 : vector<256x512xf32>
      %mul3A = arith.mulf %slice3A, %logistic3A_37 : vector<256x512xf32>
      %mul3A_38 = arith.mulf %mul3A, %slice3A_32 : vector<256x512xf32>
      %convert_element_type3A_39 = arith.truncf %mul3A_38 : vector<256x512xf32> to vector<256x512xbf16>
      %get3A_40 = arith.constant 0 : index
      %get3A_41 = arith.constant 0 : index
      %get3A_42 = vector.load %arg8[%get3A_40, %get3A_41] : memref<1024x512xbf16, #tpu.memory_space<vmem>>, vector<1024x512xbf16>
      %transpose3A_43 = tpu.transpose %get3A_42, [1, 0] : vector<1024x512xbf16> -> vector<512x1024xbf16>
      %dot_general3A_44 = arith.constant dense<0.000000e+00> : vector<256x1024xf32>
      %dot_general3A_45 = tpu.matmul %convert_element_type3A_39, %transpose3A_43, %dot_general3A_44 {dimension_numbers = #tpu.dot_dimension_numbers<[1], [0], [0], [1], [0, 0, 1, 1], [], []>, transpose_lhs_hint = false} : vector<256x512xbf16>, vector<512x1024xbf16>, vector<256x1024xf32> -> vector<256x1024xf32>
      %get3A_46 = arith.constant 0 : index
      %get3A_47 = arith.constant 0 : index
      %get3A_48 = vector.load %arg3[%get3A_46, %get3A_47] : memref<256x128xf32, #tpu.memory_space<vmem>>, vector<256x1xf32>
      %mul3A_49 = vector.broadcast %get3A_48 : vector<256x1xf32> to vector<256x1024xf32>
      %mul3A_50 = arith.mulf %dot_general3A_45, %mul3A_49 : vector<256x1024xf32>
      %convert_element_type3A_51 = arith.truncf %mul3A_50 : vector<256x1024xf32> to vector<256x1024xbf16>
      %slice3A_52 = vector.extract_strided_slice %convert_element_type3A_51 {offsets = [0, 0], sizes = [256, 512], strides = [1, 1]} : vector<256x1024xbf16> to vector<256x512xbf16>
      %bitcast_convert_type3A_53 = tpu.bitcast %slice3A_52 : vector<256x512xbf16> -> vector<256x512xi16>
      %convert_element_type3A_54 = arith.extui %bitcast_convert_type3A_53 : vector<256x512xi16> to vector<256x512xi32>
      %slice3A_55 = vector.extract_strided_slice %convert_element_type3A_51 {offsets = [0, 512], sizes = [256, 512], strides = [1, 1]} : vector<256x1024xbf16> to vector<256x512xbf16>
      %bitcast_convert_type3A_56 = tpu.bitcast %slice3A_55 : vector<256x512xbf16> -> vector<256x512xi16>
      %convert_element_type3A_57 = arith.extui %bitcast_convert_type3A_56 : vector<256x512xi16> to vector<256x512xi32>
      %shift_left3A_58 = arith.constant 16 : i32
      %shift_left3A_59 = vector.broadcast %shift_left3A_58 : i32 to vector<256x512xi32>
      %shift_left3A_60 = arith.shli %convert_element_type3A_57, %shift_left3A_59 : vector<256x512xi32>
      %or3A_61 = arith.ori %convert_element_type3A_54, %shift_left3A_60 : vector<256x512xi32>
      %bitcast_convert_type3A_62 = tpu.bitcast %or3A_61 : vector<256x512xi32> -> vector<256x512xi32>
      %swap3A = arith.constant 0 : index
      %swap3A_63 = arith.constant 0 : index
      %swap3A_64 = vector.load %arg6[%swap3A, %swap3A_63] : memref<256x512xi32, #tpu.memory_space<vmem>>, vector<256x512xi32>
      tpu.vector_store %arg6[%swap3A, %swap3A_63], %bitcast_convert_type3A_62 {strides = array<i32>} : memref<256x512xi32, #tpu.memory_space<vmem>>, vector<256x512xi32>,
    } else {
    }
    return
  }
  func.func @transform_0(%arg0: i32, %arg1: memref<25xi32, #tpu.memory_space<smem>>) -> (i32, i32) {
    %c0_i32 = arith.constant 0 : i32
    %c0_i32_0 = arith.constant 0 : i32
    return %arg0, %c0_i32 : i32, i32
  }
  func.func @transform_1(%arg0: i32, %arg1: memref<25xi32, #tpu.memory_space<smem>>) -> (i32, i32) {
    %c0_i32 = arith.constant 0 : i32
    %c0_i32_0 = arith.constant 0 : i32
    return %arg0, %c0_i32 : i32, i32
  }
  func.func @transform_2(%arg0: i32, %arg1: memref<25xi32, #tpu.memory_space<smem>>) -> (i32, i32, i32) {
    %get3A = arith.index_cast %arg0 : i32 to index
    %get3A_0 = memref.load %arg1[%get3A] : memref<25xi32, #tpu.memory_space<smem>>
    %c0_i32 = arith.constant 0 : i32
    %c0_i32_1 = arith.constant 0 : i32
    %c0_i32_2 = arith.constant 0 : i32
    return %get3A_0, %c0_i32, %c0_i32_1 : i32, i32, i32
  }
  func.func @transform_3(%arg0: i32, %arg1: memref<25xi32, #tpu.memory_space<smem>>) -> (i32, i32, i32) {
    %get3A = arith.index_cast %arg0 : i32 to index
    %get3A_0 = memref.load %arg1[%get3A] : memref<25xi32, #tpu.memory_space<smem>>
    %c0_i32 = arith.constant 0 : i32
    %c0_i32_1 = arith.constant 0 : i32
    %c0_i32_2 = arith.constant 0 : i32
    return %get3A_0, %c0_i32, %c0_i32_1 : i32, i32, i32
  }
  func.func @transform_4(%arg0: i32, %arg1: memref<25xi32, #tpu.memory_space<smem>>) -> (i32, i32) {
    %c0_i32 = arith.constant 0 : i32
    %c0_i32_0 = arith.constant 0 : i32
    return %arg0, %c0_i32 : i32, i32
  }
}

module attributes {stable_mosaic.version = 14 : i64} {
  func.func @_shared_body(%arg0: i32, %arg1: memref<512x1024xf32, #tpu.memory_space<vmem>>, %arg2: memref<2048x1024xf32, #tpu.memory_space<vmem>>, %arg3: memref<1024x1024xf32, #tpu.memory_space<vmem>>, %arg4: memref<512x512xi32, #tpu.memory_space<vmem>>, %arg5: memref<2048x1024xbf16, #tpu.memory_space<vmem>>, %arg6: memref<1024x1024xbf16, #tpu.memory_space<vmem>>) attributes {dimension_semantics = [#tpu.dimension_semantics<arbitrary>], iteration_bounds = array<i64: 4>, scalar_prefetch = 0 : i64, scratch_operands = 2 : i64, tpu.core_type = #tpu.core_type<tc>, window_params = [{transform_indices = @transform_0, window_bounds = array<i64: 512, 1024>}, {pipeline_mode = #tpu.pipeline_mode<synchronous>, transform_indices = @transform_1, window_bounds = array<i64: 2048, 1024>}, {pipeline_mode = #tpu.pipeline_mode<synchronous>, transform_indices = @transform_2, window_bounds = array<i64: 1024, 1024>}, {transform_indices = @transform_3, window_bounds = array<i64: 512, 512>}]} {
    %eq3A = arith.constant 0 : i32
    %eq3A_0 = arith.cmpi eq, %arg0, %eq3A : i32
    %convert_element_type3A = arith.extui %eq3A_0 : i1 to i32
    %cond3A = arith.constant 0 : i32
    %cond3A_1 = arith.cmpi ne, %convert_element_type3A, %cond3A : i32
    scf.if %cond3A_1 {
      %get3A_34 = arith.constant 0 : index
      %get3A_35 = arith.constant 0 : index
      %get3A_36 = vector.load %arg2[%get3A_34, %get3A_35] : memref<2048x1024xf32, #tpu.memory_space<vmem>>, vector<2048x1024xf32>
      %convert_element_type3A_37 = arith.truncf %get3A_36 : vector<2048x1024xf32> to vector<2048x1024xbf16>
      %swap3A_38 = arith.constant 0 : index
      %swap3A_39 = arith.constant 0 : index
      %swap3A_40 = vector.load %arg5[%swap3A_38, %swap3A_39] : memref<2048x1024xbf16, #tpu.memory_space<vmem>>, vector<2048x1024xbf16>
      tpu.vector_store %arg5[%swap3A_38, %swap3A_39], %convert_element_type3A_37 {strides = array<i32>} : memref<2048x1024xbf16, #tpu.memory_space<vmem>>, vector<2048x1024xbf16>,
      %get3A_41 = arith.constant 0 : index
      %get3A_42 = arith.constant 0 : index
      %get3A_43 = vector.load %arg3[%get3A_41, %get3A_42] : memref<1024x1024xf32, #tpu.memory_space<vmem>>, vector<1024x1024xf32>
      %convert_element_type3A_44 = arith.truncf %get3A_43 : vector<1024x1024xf32> to vector<1024x1024xbf16>
      %swap3A_45 = arith.constant 0 : index
      %swap3A_46 = arith.constant 0 : index
      %swap3A_47 = vector.load %arg6[%swap3A_45, %swap3A_46] : memref<1024x1024xbf16, #tpu.memory_space<vmem>>, vector<1024x1024xbf16>
      tpu.vector_store %arg6[%swap3A_45, %swap3A_46], %convert_element_type3A_44 {strides = array<i32>} : memref<1024x1024xbf16, #tpu.memory_space<vmem>>, vector<1024x1024xbf16>,
    } else {
    }
    %get3A = arith.constant 0 : index
    %get3A_2 = arith.constant 0 : index
    %get3A_3 = vector.load %arg1[%get3A, %get3A_2] : memref<512x1024xf32, #tpu.memory_space<vmem>>, vector<512x1024xf32>
    %convert_element_type3A_4 = arith.truncf %get3A_3 : vector<512x1024xf32> to vector<512x1024xbf16>
    %get3A_5 = arith.constant 0 : index
    %get3A_6 = arith.constant 0 : index
    %get3A_7 = vector.load %arg5[%get3A_5, %get3A_6] : memref<2048x1024xbf16, #tpu.memory_space<vmem>>, vector<2048x1024xbf16>
    %transpose3A = tpu.transpose %get3A_7, [1, 0] : vector<2048x1024xbf16> -> vector<1024x2048xbf16>
    %dot_general3A = arith.constant dense<0.000000e+00> : vector<512x2048xf32>
    %dot_general3A_8 = tpu.matmul %convert_element_type3A_4, %transpose3A, %dot_general3A {dimension_numbers = #tpu.dot_dimension_numbers<[1], [0], [0], [1], [0, 0, 1, 1], [], []>, transpose_lhs_hint = false} : vector<512x1024xbf16>, vector<1024x2048xbf16>, vector<512x2048xf32> -> vector<512x2048xf32>
    %slice3A = vector.extract_strided_slice %dot_general3A_8 {offsets = [0, 0], sizes = [512, 1024], strides = [1, 1]} : vector<512x2048xf32> to vector<512x1024xf32>
    %slice3A_9 = vector.extract_strided_slice %dot_general3A_8 {offsets = [0, 1024], sizes = [512, 1024], strides = [1, 1]} : vector<512x2048xf32> to vector<512x1024xf32>
    %logistic3A = arith.negf %slice3A : vector<512x1024xf32>
    %logistic3A_10 = math.exp %logistic3A : vector<512x1024xf32>
    %logistic3A_11 = arith.constant 1.000000e+00 : f32
    %logistic3A_12 = vector.broadcast %logistic3A_11 : f32 to vector<512x1024xf32>
    %logistic3A_13 = arith.addf %logistic3A_12, %logistic3A_10 : vector<512x1024xf32>
    %logistic3A_14 = arith.divf %logistic3A_12, %logistic3A_13 : vector<512x1024xf32>
    %mul3A = arith.mulf %slice3A, %logistic3A_14 : vector<512x1024xf32>
    %mul3A_15 = arith.mulf %mul3A, %slice3A_9 : vector<512x1024xf32>
    %convert_element_type3A_16 = arith.truncf %mul3A_15 : vector<512x1024xf32> to vector<512x1024xbf16>
    %get3A_17 = arith.constant 0 : index
    %get3A_18 = arith.constant 0 : index
    %get3A_19 = vector.load %arg6[%get3A_17, %get3A_18] : memref<1024x1024xbf16, #tpu.memory_space<vmem>>, vector<1024x1024xbf16>
    %transpose3A_20 = tpu.transpose %get3A_19, [1, 0] : vector<1024x1024xbf16> -> vector<1024x1024xbf16>
    %dot_general3A_21 = arith.constant dense<0.000000e+00> : vector<512x1024xf32>
    %dot_general3A_22 = tpu.matmul %convert_element_type3A_16, %transpose3A_20, %dot_general3A_21 {dimension_numbers = #tpu.dot_dimension_numbers<[1], [0], [0], [1], [0, 0, 1, 1], [], []>, transpose_lhs_hint = false} : vector<512x1024xbf16>, vector<1024x1024xbf16>, vector<512x1024xf32> -> vector<512x1024xf32>
    %convert_element_type3A_23 = arith.truncf %dot_general3A_22 : vector<512x1024xf32> to vector<512x1024xbf16>
    %slice3A_24 = vector.extract_strided_slice %convert_element_type3A_23 {offsets = [0, 0], sizes = [512, 512], strides = [1, 1]} : vector<512x1024xbf16> to vector<512x512xbf16>
    %bitcast_convert_type3A = tpu.bitcast %slice3A_24 : vector<512x512xbf16> -> vector<512x512xi16>
    %convert_element_type3A_25 = arith.extui %bitcast_convert_type3A : vector<512x512xi16> to vector<512x512xi32>
    %slice3A_26 = vector.extract_strided_slice %convert_element_type3A_23 {offsets = [0, 512], sizes = [512, 512], strides = [1, 1]} : vector<512x1024xbf16> to vector<512x512xbf16>
    %bitcast_convert_type3A_27 = tpu.bitcast %slice3A_26 : vector<512x512xbf16> -> vector<512x512xi16>
    %convert_element_type3A_28 = arith.extui %bitcast_convert_type3A_27 : vector<512x512xi16> to vector<512x512xi32>
    %shift_left3A = arith.constant 16 : i32
    %shift_left3A_29 = vector.broadcast %shift_left3A : i32 to vector<512x512xi32>
    %shift_left3A_30 = arith.shli %convert_element_type3A_28, %shift_left3A_29 : vector<512x512xi32>
    %or3A = arith.ori %convert_element_type3A_25, %shift_left3A_30 : vector<512x512xi32>
    %bitcast_convert_type3A_31 = tpu.bitcast %or3A : vector<512x512xi32> -> vector<512x512xi32>
    %swap3A = arith.constant 0 : index
    %swap3A_32 = arith.constant 0 : index
    %swap3A_33 = vector.load %arg4[%swap3A, %swap3A_32] : memref<512x512xi32, #tpu.memory_space<vmem>>, vector<512x512xi32>
    tpu.vector_store %arg4[%swap3A, %swap3A_32], %bitcast_convert_type3A_31 {strides = array<i32>} : memref<512x512xi32, #tpu.memory_space<vmem>>, vector<512x512xi32>,
    return
  }
  func.func @transform_0(%arg0: i32) -> (i32, i32) {
    %c0_i32 = arith.constant 0 : i32
    %c0_i32_0 = arith.constant 0 : i32
    return %arg0, %c0_i32 : i32, i32
  }
  func.func @transform_1(%arg0: i32) -> (i32, i32) {
    %c0_i32 = arith.constant 0 : i32
    %c0_i32_0 = arith.constant 0 : i32
    %c0_i32_1 = arith.constant 0 : i32
    return %c0_i32, %c0_i32_0 : i32, i32
  }
  func.func @transform_2(%arg0: i32) -> (i32, i32) {
    %c0_i32 = arith.constant 0 : i32
    %c0_i32_0 = arith.constant 0 : i32
    %c0_i32_1 = arith.constant 0 : i32
    return %c0_i32, %c0_i32_0 : i32, i32
  }
  func.func @transform_3(%arg0: i32) -> (i32, i32) {
    %c0_i32 = arith.constant 0 : i32
    %c0_i32_0 = arith.constant 0 : i32
    return %arg0, %c0_i32 : i32, i32
  }
}

</mosaic_0001>

<sc_bundles>
// kernel: kernel.10.cloned.1.call-start
scs
__scs_entry_jumppad:
0x0: {  	(pc) =	sbr.rel $0x88, $3  }
0x1: {  	(tag) =	ssettag $0x0;
	lr =	simm.s32 $0x1  }
0x2: {  	[smem:$0x3F9B] =	sst lr;
	_ =	strace $0xD0000000  }
0x3: {  	_ = 	snop  }
0x4: {  	_ = 	snop  }
0x5: {  	_ = 	snop  }
0x6: {  	_ = 	snop  }
0x7: {  	_ = 	snop  }
__scs_overlays_trampoline_lowered:
0x8: {  	[smem:$0x3FAA] =	sst s0  }
0x9: {  	[smem:$0x3FAB] =	sst s1  }
0xa: {  	[smem:$0x3FAC] =	sst s2  }
0xb: {  	[smem:$0x3FAD] =	sst s3  }
0xc: {  	[smem:$0x3FAE] =	sst s4  }
0xd: {  	[smem:$0x3FAF] =	sst s5  }
0xe: {  	[smem:$0x3FB0] =	sst s6  }
0xf: {  	[smem:$0x3FB1] =	sst s7  }
0x10: {  	[smem:$0x3FB2] =	sst s8  }
0x11: {  	[smem:$0x3FB3] =	sst s9;
	s0 =	simm.s32 @!p0 $0x0  }
0x12: {  	s1 =	sld [smem:$0x3F99];
	s0 =	simm.s32 @p0 $0x1  }
0x13: {  	[smem:$0x3FB4] =	sst s0;
	s0 =	simm.s32 @!p1 $0x0  }
0x14: {  	s2 =	sld [smem:$0x3F98];
	s0 =	simm.s32 @p1 $0x1  }
0x15: {  	[smem:$0x3FB5] =	sst s0;
	s0 =	simm.s32 @!p2 $0x0  }
0x16: {  	s3 =	sld [smem:$0x3FDB];
	s0 =	simm.s32 @p2 $0x1  }
0x17: {  	s4 =	simm.s32 $0x1BF5;
	[smem:$0x3FB7] =	sst s0  }
0x18: {  	s0 =	sld [smem:$0x3F9A];
	_ =	swait.ge [sflag:s4], $0x0  }
0x19: {  	s7 =	sld [smem:$0x3F9B]  }
0x1a: {  	s8 =	sadd.s32 $0xFFFFE003, lr  }
0x1b: {  	s9 =	sadd.s32 $0xFFFFFEF7, lr;
	s5 =	simm.s32 $0xFFFFFFFF;
	p2 =	slt.u32 s8, $0xFFFFF086  }
0x1c: {  	p1 =	slt.u32 s9, $0xF7A;
	s5 =	simm.s32 @!p2 $0x0  }
0x1d: {  	s5 =	simm.s32 @p1 $0x1;
	p0 =	seq.s32 s7, s2  }
0x1e: {  	s7 =	smul.u32 @!p0 $0xF7A, s2;
	p2 =	seq.s32 @!p0 s5, $0x0  }
0x1f: {  	s9 =	smul.u32 $0xF7A, s1;
	s8 =	simm.s32 @!p0 $0x1BF5;
	p2 =	por !p2, p0  }
0x20: {  	[sflag:s8] =	ssyncset.s32 @!p0 $0xFFFFF086;
	s6 =	sadd.s32 @!p0 s3, s7;
	s7 =	simm.s32 @!p0 $0x108  }
0x21: {  	s3 =	sadd.s32 s3, s9;
	s6 =	sadd.s32 @!p0 $0x88, s6;
	s7 =	simm.s32 @p2 $0x1082  }
0x22: {  	[simem:s7], [sflag:s8] =	dma.local @!p0 [hbm:s6], $0xF7A  }
0x23: {  	s9 =	sor.u32 $0xD0000000, s2;
	s6 =	simm.s32 $0x108;
	_ =	swait.ge @!p0 [sflag:s8], $0x0  }
0x24: {  	s3 =	sadd.s32 $0x88, s3;
	s6 =	simm.s32 @!p1 $0x1082;
	[sflag:s4] =	ssyncset.s32 $0xFFFFF086  }
0x25: {  	[simem:s6], [sflag:s4] =	dma.local [hbm:s3], $0xF7A  }
0x26: {  	[smem:$0x3F9B] =	sst s1;
	(tag) =	ssettag s2;
	_ =	strace s9  }
0x27: {  	s1 =	sld [smem:$0x3FAB]  }
0x28: {  	s2 =	sld [smem:$0x3FAC]  }
0x29: {  	s4 =	sld [smem:$0x3FAE]  }
0x2a: {  	p0 =	seq.s32 s5, $0x0;
	s5 =	sld [smem:$0x3FAF]  }
0x2b: {  	s6 =	sld [smem:$0x3FB0]  }
0x2c: {  	s7 =	sld [smem:$0x3FB1]  }
0x2d: {  	s3 =	simm.s32 $0x108;
	s8 =	sld [smem:$0x3FB2]  }
0x2e: {  	s3 =	simm.s32 @!p0 $0x1082;
	s9 =	sld [smem:$0x3FB3]  }
0x2f: {  	lr =	sadd.s32 s0, s3;
	s0 =	sld [smem:$0x3FAA]  }
0x30: {  	s3 =	sld [smem:$0x3FAD]  }
0x31: {  	[smem:$0x3FB6] =	sst s10  }
0x32: {  	s10 =	sld [smem:$0x3FB4];
	_ =	sdelay $0x3  }
0x33: {  	p0 =	seq.s32 s10, $0x1;
	s10 =	sld [smem:$0x3FB6];
	_ =	sdelay $0x3  }
0x34: {  	[smem:$0x3FB6] =	sst s10  }
0x35: {  	s10 =	sld [smem:$0x3FB5];
	_ =	sdelay $0x3  }
0x36: {  	p1 =	seq.s32 s10, $0x1;
	s10 =	sld [smem:$0x3FB6];
	_ =	sdelay $0x3  }
0x37: {  	[smem:$0x3FB6] =	sst s10  }
0x38: {  	s10 =	sld [smem:$0x3FB7]  }
0x39: {  	_ = 	snop;
	(pc) =	sbr.ind lr, $3  }
0x3a: {  	_ = 	snop  }
0x3b: {  	_ = 	snop  }
0x3c: {  	p2 =	seq.s32 s10, $0x1;
	s10 =	sld [smem:$0x3FB6]  }
0x3d: {  	_ =	shalt  }
0x3e: {  	_ =	shalt  }
0x3f: {  	_ =	shalt  }
0x40: {  	_ =	shalt  }
0x41: {  	_ =	shalt  }
0x42: {  	_ =	shalt  }
0x43: {  	_ =	shalt  }
0x44: {  	_ =	shalt  }
0x45: {  	_ =	shalt  }
0x46: {  	_ =	shalt  }
0x47: {  	_ =	shalt  }
0x48: {  	_ =	shalt  }
0x49: {  	_ =	shalt  }
0x4a: {  	_ =	shalt  }
0x4b: {  	_ =	shalt  }
0x4c: {  	_ =	shalt  }
0x4d: {  	_ =	shalt  }
0x4e: {  	_ =	shalt  }
0x4f: {  	_ =	shalt  }
0x50: {  	_ =	shalt  }
0x51: {  	_ =	shalt  }
0x52: {  	_ =	shalt  }
0x53: {  	_ =	shalt  }
0x54: {  	_ =	shalt  }
0x55: {  	_ =	shalt  }
0x56: {  	_ =	shalt  }
0x57: {  	_ =	shalt  }
0x58: {  	_ =	shalt  }
0x59: {  	_ =	shalt  }
0x5a: {  	_ =	shalt  }
0x5b: {  	_ =	shalt  }
0x5c: {  	_ =	shalt  }
0x5d: {  	_ =	shalt  }
0x5e: {  	_ =	shalt  }
0x5f: {  	_ =	shalt  }
0x60: {  	_ =	shalt  }
0x61: {  	_ =	shalt  }
0x62: {  	_ =	shalt  }
0x63: {  	_ =	shalt  }
0x64: {  	_ =	shalt  }
0x65: {  	_ =	shalt  }
0x66: {  	_ =	shalt  }
0x67: {  	_ =	shalt  }
0x68: {  	_ =	shalt  }
0x69: {  	_ =	shalt  }
0x6a: {  	_ =	shalt  }
0x6b: {  	_ =	shalt  }
0x6c: {  	_ =	shalt  }
0x6d: {  	_ =	shalt  }
0x6e: {  	_ =	shalt  }
0x6f: {  	_ =	shalt  }
0x70: {  	_ =	shalt  }
0x71: {  	_ =	shalt  }
0x72: {  	_ =	shalt  }
0x73: {  	_ =	shalt  }
0x74: {  	_ =	shalt  }
0x75: {  	_ =	shalt  }
0x76: {  	_ =	shalt  }
0x77: {  	_ =	shalt  }
0x78: {  	_ =	shalt  }
0x79: {  	_ =	shalt  }
0x7a: {  	_ =	shalt  }
0x7b: {  	_ =	shalt  }
0x7c: {  	_ =	shalt  }
0x7d: {  	_ =	shalt  }
0x7e: {  	_ =	shalt  }
0x7f: {  	_ =	shalt  }
0x80: {  	_ =	shalt  }
0x81: {  	_ =	shalt  }
0x82: {  	_ =	shalt  }
0x83: {  	_ =	shalt  }
0x84: {  	_ =	shalt  }
0x85: {  	_ =	shalt  }
0x86: {  	_ =	shalt  }
0x87: {  	_ =	shalt  }
.Lfunc_end0:
.L_simem_size_0:
called_computation.1_lowered:
.L_overlay_start_0:
0x88: {  	s2 =	sld [smem:$0x3FD9]  }
0x89: {  	s3 =	sld [smem:$0x3FFE];
	_ =	sdelay $0x1  }
0x8a: {  	s1 =	srdreg.scid  }
0x8b: {  	s0 =	sand.u32 $0x1, s1  }
0x8c: {  	s17 =	sshll.u32 s0, $0xA;
	s2 =	sadd.s32 s3, s2  }
0x8d: {  	s2 =	sadd.s32 s2, s17  }
0x8e: {  	[smem:$0x3FC2] =	sst s2  }
0x8f: {  	_ = 	snop  }
0x90: {  	s2 =	sld [smem:$0x3FD0];
	(tm) =	ssettm $0x1  }
0x91: {  	s18 =	sld [smem:$0x3FFB];
	_ =	sdelay $0x3  }
0x92: {  	_ =	strace s18  }
0x93: {  	s3 =	sld [smem:$0x3FFC];
	_ =	sdelay $0x3  }
0x94: {  	_ =	strace s3  }
0x95: {  	s3 =	sld [smem:$0x3FFD];
	_ =	sdelay $0x3  }
0x96: {  	_ =	strace s3  }
0x97: {  	_ =	strace $0x8FFFFFFF  }
0x98: {  	s19 =	sld [smem:$0x3FDB];
	_ =	sdelay $0x1  }
0x99: {  	s4 =	simm.s32 $_scs_section_size  }
0x9a: {  	s5 =	simm.s32 $_size__tile_overlayer_lowered;
	s6 =	simm.s32 $_tile_overlayer_lowered  }
0x9b: {  	s22 =	simm.s32 $0x1BFF;
	s21 =	sshll.u32 s6, $0x1;
	s3 =	sadd.s32 s4, s19  }
0x9c: {  	s7 =	simm.s32 $0x0;
	s20 =	sshll.u32 s5, $0x1;
	s5 =	sadd.s32 s21, s3  }
0x9d: {  	[timem:s7], [sflag:s22] =	dma.local [hbm:s5], s20  }
0x9e: {  	_ =	swait.ge [sflag:s22], s20  }
0x9f: {  	s4 =	ssub.s32 $0x0, s20;
	[sflag:s22] =	ssyncset.done $0x0  }
0xa0: {  	[sflag:s22] =	ssyncadd.s32 s4;
	_ =	sdelay $0x1  }
0xa1: {  	s23 =	simm.s32 $0x1B8B  }
0xa2: {  	_ =	swait.ge [sflag:s23], $0x1  }
0xa3: {  	[sflag:s23] =	ssyncset.done $0x0  }
0xa4: {  	s25 =	simm.s32 $0x1B8E;
	s24 =	sld [smem:$0x3FFE];
	[sflag:s23] =	ssyncadd.s32 $0xFFFFFFFF  }
0xa5: {  	s26 =	simm.s32 $execute0_lowered;
	[smem:$0x3FD2] =	sst s25  }
0xa6: {  	s5 =	sshll.u32 s26, $0x1;
	_ =	strace $0x80000049;
	[dreg:$0x1] =	wrdreg $0xFFFFFFFF  }
0xa7: {  	s28 =	simm.s32 $_size_execute0_lowered;
	s3 =	sadd.s32 s3, s5;
	[dreg:$0x0] =	wrdreg $0x0  }
0xa8: {  	s5 =	sshll.u32 s28, $0x1;
	[dreg:$0x2] =	wrdreg s3  }
0xa9: {  	[dreg:$0x3] =	wrdreg s5  }
0xaa: {  	[dreg:$0x4] =	wrdreg $0xC0  }
0xab: {  	_ =	task [dreg:s7], $0x5FFFF  }
0xac: {  	[dreg:$0x1] =	wrdreg $0xFFFFFFFF  }
0xad: {  	[dreg:$0x0] =	wrdreg $0x60  }
0xae: {  	[dreg:$0x2] =	wrdreg s24  }
0xaf: {  	[dreg:$0x3] =	wrdreg s2  }
0xb0: {  	[dreg:$0x4] =	wrdreg $0x9  }
0xb1: {  	_ =	task.clear_ibuf [dreg:s7], $0x5FFFF;
	_ =	strace $0x90000049  }
0xb2: {  	s29 =	simm.s32 $0x9;
	_ =	strace $0x8000004B  }
0xb3: {  	_ =	swait.ge [sflag:s29], $0x1  }
0xb4: {  	[sflag:s29] =	ssyncadd.s32 $0xFFFFFFFF  }
0xb5: {  	_ =	strace $0x9000004B  }
0xb6: {  	_ =	sfence  }
0xb7: {  	s30 =	sld [smem:$0x0];
	_ =	sdelay $0x2  }
0xb8: {  	s31 =	sshll.u32 s1, $0xD;
	s1 =	sshrl.u32 s1, $0x2  }
0xb9: {  	s3 =	sand.u32 $0x4000, s31;
	s1 =	sadd.s32 s1, s30  }
0xba: {  	s0 =	sor.u32 s3, s0;
	s1 =	sshll.u32 s1, $0x11  }
0xbb: {  	s0 =	sor.u32 s1, s0  }
0xbc: {  	s0 =	sadd.s32 $0x8F2B, s0  }
0xbd: {  	[sflag:s0] =	ssyncadd.remote.s32 $0x1  }
0xbe: {  	_ =	sfence.sel $0xFFFF  }
0xbf: {  	[dreg:$0x0] =	wrdreg $0xFFFFFFFF;
	(pc) =	sbr.abs _section_cstart, $3  }
0xc0: {  	[dreg:$0x1] =	wrdreg $0xFFFFFFFF  }
0xc1: {  	_ =	task.clear_ibuf [dreg:s7], $0x2FFFF;
	_ =	strace $0x9FFFFFFF  }
0xc2: {  	(tm) =	ssettm $0x7FFFFFFF  }
0xc3: {  	_ =	shalt  }
tec
execute0_lowered:
.L_overlay_start_1:
0x0: {  	(tag) =	ssettag $0x1  }
0x1: {  	s0 =	srdreg.scid;
	s1 =	rddreg [dreg:$0x0]  }
0x2: {  	s2 =	stileid.u32;
	s4 =	rddreg [dreg:$0x1];
	s16 =	simm.s32 $0x5  }
0x3: {  	s29 =	simm.s32 $0x200;
	s30 =	simm.s32 $0xB300;
	s31 =	simm.s32 $0xBB00  }
0x4: {  	s10 =	simm.s32 $0x10300;
	s11 =	simm.s32 $0x4;
	s0 =	sand.u32 $0x1, s0  }
0x5: {  	s3 =	sshll.u32 s2, $0x7;
	s2 =	simm.s32 $0x0;
	s8 =	sadd.s32 $0x89E00, s1  }
0x6: {  	s5 =	sshll.u32 s0, $0x6;
	[smem:$0x7FF] =	sst s2;
	s0 =	ssub.s32 $0x2, s0  }
0x7: {  	s5 =	sor.u32 s5, s3;
	_ =	strace $0x8000004A;
	s9 =	sshrl.u32 s0, $0x1  }
0x8: {  	s3 =	sadd.s32 $0x11E00, s1;
	s7 =	sshrl.u32 s5, $0x3;
	s0 =	ssub.s32 s0, s9  }
0x9: {  	s18 =	sshll.u32 s5, $0x6;
	s5 =	sshll.u32 s5, $0x7;
	s6 =	sadd.s32 s7, s1  }
0xa: {  	s19 =	sor.u32 $0x2, s7;
	s21 =	sadd.s32 s4, s5;
	s22 =	sor.u32 $0x4, s7  }
0xb: {  	s7 =	sor.u32 $0x6, s7;
	s0 =	smax.u32 s0, $0x1;
	s17 =	sadd.s32 $0x11C00, s6  }
0xc: {  	s6 =	sadd.s32 $0x11A00, s6;
	s20 =	sshll.u32 s19, $0x9;
	[dreg:$0x7] =	wrdreg s21  }
0xd: {  	s23 =	sshll.u32 s22, $0x9;
	s9 =	sshll.u32 s19, $0xA;
	s25 =	sshll.u32 s7, $0x9  }
0xe: {  	s26 =	sshll.u32 s7, $0xA;
	[dreg:$0xd] =	wrdreg s0;
	s0 =	simm.s32 $0xCB00  }
0xf: {  	s7 =	simm.s32 $0x1;
	s19 =	simm.s32 $0x0;
	[dreg:$0x3] =	wrdreg s17  }
0x10: {  	[dreg:$0x4] =	wrdreg s6;
	s6 =	sadd.s32 $0x11F00, s1;
	s1 =	sadd.s32 s8, s18  }
0x11: {  	s5 =	sadd.s32 s8, s23;
	s24 =	sadd.s32 s4, s9;
	[dreg:$0x5] =	wrdreg s1  }
0x12: {  	s28 =	sadd.s32 s4, s26;
	s17 =	simm.s32 $0xD300;
	[dreg:$0x8] =	wrdreg s5  }
0x13: {  	s9 =	simm.s32 $0x3;
	s18 =	simm.s32 $0x2;
	[dreg:$0x9] =	wrdreg s24  }
0x14: {  	s1 =	sadd.s32 s8, s20;
	s5 =	sadd.s32 s8, s25;
	[dreg:$0xc] =	wrdreg s28  }
0x15: {  	v2 =	vlaneseq.u32;
	s8 =	simm.s32 $0x6200;
	[dreg:$0x6] =	wrdreg s1;
	s1 =	sshll.u32 s22, $0xA  }
0x16: {  	vm0 =	vmmov $0xffff;
	v1 =	vshrl.u32 v2, $0x3;
	[dreg:$0xa] =	wrdreg s5;
	s5 =	simm.s32 $0xE300;
	s1 =	sadd.s32 s4, s1  }
0x17: {  	v0 =	vand.u32 $0x7, v2;
	v2 =	vor.u32 $0x8, v2;
	v1 =	vmul.u32 $0x8, v1;
	s4 =	simm.s32 $0xDB00;
	[dreg:$0xb] =	wrdreg s1;
	s1 =	simm.s32 $0xC300  }
.LBB2_1:
0x18: {  	s12 =	rddreg [dreg:$0x3]  }
0x19: {  	[tilespmem:s2], [sflag:$0x5] =	stream.linear.gather [hbm4b:s12+s2], $0x40, $0x38;
	[tilespmem:$0x14300] =	vst v63  }
0x1a: {  	_ =	swait.ge [sflag:s16], $0x40  }
0x1b: {  	[sflag:s16] =	ssyncset.done $0x0  }
0x1c: {  	s13 =	simm.s32 $0x80;
	s26 =	rddreg [dreg:$0x4];
	[sflag:s16] =	ssyncadd.s32 $0xFFFFFFC0  }
0x1d: {  	[tilespmem:s13], [sflag:$0x5] =	stream.linear.gather [hbm4b:s26+s2], $0x40, $0x38;
	[tilespmem:$0x14300] =	vst v63  }
0x1e: {  	_ =	swait.ge [sflag:s16], $0x40  }
0x1f: {  	[sflag:s16] =	ssyncset.done $0x0  }
0x20: {  	[sflag:s16] =	ssyncadd.s32 $0xFFFFFFC0  }
0x21: {  	v3 =	vld [tilespmem:$0x0];
	_ =	sdelay $0x4  }
0x22: {  	[tilespmem:$0x100] =	vst v3  }
0x23: {  	v3 =	vld [tilespmem:$0x100];
	_ =	sdelay $0x4  }
0x24: {  	v4 =	vshll.u32 v3, $0x2  }
0x25: {  	v3 =	vand.u32 $0x7, v3;
	v4 =	vand.u32 $0xFFFFFFE0, v4  }
0x26: {  	v3 =	vor.u32 v3, v4  }
0x27: {  	v4 =	vperm.xlane v3, v0  }
0x28: {  	v5 =	vld [tilespmem:$0x80]  }
0x29: {  	v4 =	vadd.s32 v1, v4;
	_ =	sdelay $0x1  }
0x2a: {  	v3 =	vperm.xlane v3, v2;
	_ =	sdelay $0x1  }
0x2b: {  	[tilespmem:$0x180] =	vst v5;
	v3 =	vadd.s32 v1, v3  }
0x2c: {  	[tilespmem:s29], [sflag:$0x1] =	stream.indirect_vreg.gather [hbm4b:s3+s2], $0x80, v4, vm0, $0xb8;
	[tilespmem:$0x14300] =	vst v63  }
0x2d: {  	s28 =	simm.s32 $0xA00  }
0x2e: {  	[tilespmem:s28], [sflag:$0x1] =	stream.indirect_vreg.gather [hbm4b:s6+s2], $0x80, v4, vm0, $0xb8;
	[tilespmem:$0x14300] =	vst v63  }
0x2f: {  	s13 =	simm.s32 $0x1200  }
0x30: {  	[tilespmem:s13], [sflag:$0x1] =	stream.indirect_vreg.gather [hbm4b:s3+s2], $0x80, v3, vm0, $0xb8;
	[tilespmem:$0x14300] =	vst v63  }
0x31: {  	s14 =	simm.s32 $0x1A00  }
0x32: {  	[tilespmem:s14], [sflag:$0x1] =	stream.indirect_vreg.gather [hbm4b:s6+s2], $0x80, v3, vm0, $0xb8;
	[tilespmem:$0x14300] =	vst v63  }
0x33: {  	v3 =	vld [tilespmem:$0x180];
	_ =	sdelay $0x4  }
0x34: {  	v60 =	vshll.u32 v3, $0x2  }
0x35: {  	v3 =	vand.u32 $0x7, v3;
	v4 =	vand.u32 $0xFFFFFFE0, v60  }
0x36: {  	v3 =	vor.u32 v3, v4  }
0x37: {  	v4 =	vperm.xlane v3, v0;
	_ =	sdelay $0x1  }
0x38: {  	v4 =	vadd.s32 v1, v4;
	_ =	sdelay $0x1  }
0x39: {  	v3 =	vperm.xlane v3, v2;
	_ =	sdelay $0x1  }
0x3a: {  	s15 =	simm.s32 $0x2200;
	v3 =	vadd.s32 v1, v3  }
0x3b: {  	[tilespmem:s15], [sflag:$0x1] =	stream.indirect_vreg.gather [hbm4b:s3+s2], $0x80, v4, vm0, $0xb8;
	[tilespmem:$0x14300] =	vst v63  }
0x3c: {  	s20 =	simm.s32 $0x2A00  }
0x3d: {  	[tilespmem:s20], [sflag:$0x1] =	stream.indirect_vreg.gather [hbm4b:s6+s2], $0x80, v4, vm0, $0xb8;
	[tilespmem:$0x14300] =	vst v63  }
0x3e: {  	s21 =	simm.s32 $0x3200  }
0x3f: {  	[tilespmem:s21], [sflag:$0x1] =	stream.indirect_vreg.gather [hbm4b:s3+s2], $0x80, v3, vm0, $0xb8;
	[tilespmem:$0x14300] =	vst v63  }
0x40: {  	s22 =	simm.s32 $0x3A00  }
0x41: {  	[tilespmem:s22], [sflag:$0x1] =	stream.indirect_vreg.gather [hbm4b:s6+s2], $0x80, v3, vm0, $0xb8;
	[tilespmem:$0x14300] =	vst v63  }
0x42: {  	s24 =	simm.s32 $0x4200;
	s23 =	rddreg [dreg:$0x5]  }
0x43: {  	[tilespmem:s24], [sflag:$0x1] =	stream.linear.gather [hbm4b:s23+s2], $0x2000, $0x38;
	[tilespmem:$0x14300] =	vst v63  }
0x44: {  	v3 =	vld [tilespmem:$0x10];
	_ =	sdelay $0x4  }
0x45: {  	[tilespmem:$0xA200] =	vst v3  }
0x46: {  	v3 =	vld [tilespmem:$0xA200];
	_ =	sdelay $0x4  }
0x47: {  	v61 =	vshll.u32 v3, $0x2  }
0x48: {  	v3 =	vand.u32 $0x7, v3;
	v4 =	vand.u32 $0xFFFFFFE0, v61  }
0x49: {  	v3 =	vor.u32 v3, v4  }
0x4a: {  	v4 =	vperm.xlane v3, v0  }
0x4b: {  	v62 =	vld [tilespmem:$0x90]  }
0x4c: {  	v4 =	vadd.s32 v1, v4;
	_ =	sdelay $0x1  }
0x4d: {  	v3 =	vperm.xlane v3, v2;
	_ =	sdelay $0x1  }
0x4e: {  	s25 =	simm.s32 $0xA300;
	[tilespmem:$0xA280] =	vst v62;
	v3 =	vadd.s32 v1, v3  }
0x4f: {  	[tilespmem:s25], [sflag:$0x3] =	stream.indirect_vreg.gather [hbm4b:s3+s2], $0x80, v4, vm0, $0xb8;
	[tilespmem:$0x14300] =	vst v63  }
0x50: {  	s26 =	simm.s32 $0xAB00  }
0x51: {  	[tilespmem:s26], [sflag:$0x3] =	stream.indirect_vreg.gather [hbm4b:s6+s2], $0x80, v4, vm0, $0xb8;
	[tilespmem:$0x14300] =	vst v63  }
0x52: {  	_ = 	snop  }
0x53: {  	[tilespmem:s30], [sflag:$0x3] =	stream.indirect_vreg.gather [hbm4b:s3+s2], $0x80, v3, vm0, $0xb8;
	[tilespmem:$0x14300] =	vst v63  }
0x54: {  	_ = 	snop  }
0x55: {  	[tilespmem:s31], [sflag:$0x3] =	stream.indirect_vreg.gather [hbm4b:s6+s2], $0x80, v3, vm0, $0xb8;
	[tilespmem:$0x14300] =	vst v63  }
0x56: {  	v3 =	vld [tilespmem:$0xA280];
	_ =	sdelay $0x4  }
0x57: {  	v63 =	vshll.u32 v3, $0x2  }
0x58: {  	v3 =	vand.u32 $0x7, v3;
	v4 =	vand.u32 $0xFFFFFFE0, v63  }
0x59: {  	v3 =	vor.u32 v3, v4  }
0x5a: {  	v4 =	vperm.xlane v3, v0;
	_ =	sdelay $0x1  }
0x5b: {  	v4 =	vadd.s32 v1, v4;
	_ =	sdelay $0x1  }
0x5c: {  	v3 =	vperm.xlane v3, v2;
	_ =	sdelay $0x1  }
0x5d: {  	v3 =	vadd.s32 v1, v3  }
0x5e: {  	[tilespmem:s1], [sflag:$0x3] =	stream.indirect_vreg.gather [hbm4b:s3+s2], $0x80, v4, vm0, $0xb8;
	[tilespmem:$0x14300] =	vst v63  }
0x5f: {  	_ = 	snop  }
0x60: {  	[tilespmem:s0], [sflag:$0x3] =	stream.indirect_vreg.gather [hbm4b:s6+s2], $0x80, v4, vm0, $0xb8;
	[tilespmem:$0x14300] =	vst v63  }
0x61: {  	_ = 	snop  }
0x62: {  	[tilespmem:s17], [sflag:$0x3] =	stream.indirect_vreg.gather [hbm4b:s3+s2], $0x80, v3, vm0, $0xb8;
	[tilespmem:$0x14300] =	vst v63  }
0x63: {  	_ = 	snop  }
0x64: {  	[tilespmem:s4], [sflag:$0x3] =	stream.indirect_vreg.gather [hbm4b:s6+s2], $0x80, v3, vm0, $0xb8;
	[tilespmem:$0x14300] =	vst v63  }
0x65: {  	s28 =	rddreg [dreg:$0x6]  }
0x66: {  	[tilespmem:s5], [sflag:$0x3] =	stream.linear.gather [hbm4b:s28+s2], $0x2000, $0x38;
	[tilespmem:$0x14300] =	vst v63  }
0x67: {  	_ =	swait.ge [sflag:s7], $0x2000  }
0x68: {  	[sflag:s7] =	ssyncset.done $0x0  }
0x69: {  	[sflag:s7] =	ssyncadd.s32 $0xFFFFE000  }
0x6a: {  	_ =	swait.ge [sflag:s7], $0x2000  }
0x6b: {  	[sflag:s7] =	ssyncset.done $0x0  }
0x6c: {  	[sflag:s7] =	ssyncadd.s32 $0xFFFFE000  }
0x6d: {  	_ =	swait.ge [sflag:s7], $0x2000  }
0x6e: {  	[sflag:s7] =	ssyncset.done $0x0  }
0x6f: {  	s20 =	simm.s32 $0x0;
	[sflag:s7] =	ssyncadd.s32 $0xFFFFE000  }
.LBB2_2:
0x70: {  	s12 =	sshll.u32 s20, $0x9;
	s13 =	sshll.u32 s20, $0x7  }
0x71: {  	s23 =	simm.s32 $0x0;
	s14 =	sand.u32 $0xFFFFF000, s12;
	s12 =	sand.u32 $0x380, s13  }
0x72: {  	s24 =	sand.u32 $0xC00, s23;
	s22 =	sor.u32 s12, s14  }
0x73: {  	s15 =	sand.u32 $0x70, s23;
	s25 =	sor.u32 s22, s24  }
0x74: {  	s13 =	sor.u32 s15, s25  }
0x75: {  	v4 =	vld [tilespmem:s13+$0x200]  }
0x76: {  	v5 =	vld [tilespmem:s13+$0x2200];
	_ =	sdelay $0x1  }
0x77: {  	v6 =	vld [tilespmem:s13+$0x4200];
	_ =	sdelay $0x2  }
0x78: {  	s26 =	sshll.u32 s20, $0xA;
	v3 =	vmov s12;
	v7 =	vand.u32 $0xFFFF0000, v4;
	v8 =	vand.u32 $0xFFFF0000, v5  }
0x79: {  	s13 =	sand.u32 $0x3FFFE000, s26;
	v4 =	vshll.u32 v4, $0x10;
	v5 =	vshll.u32 v5, $0x10;
	v7 =	vadd.f32 v8, v7  }
0x7a: {  	s28 =	simm.s32 $0x10;
	s21 =	sadd.s32 $0x6200, s13;
	v63 =	vand.u32 $0xFFFF0000, v6;
	v4 =	vadd.f32 v5, v4  }
0x7b: {  	s13 =	sand.u32 $0x70, s28;
	s14 =	sadd.s32 s24, s21;
	s24 =	simm.s32 $0x80;
	v6 =	vshll.u32 v6, $0x10;
	v5 =	vadd.f32 v63, v7  }
0x7c: {  	s23 =	sand.u32 $0xC00, s24;
	s26 =	sadd.s32 s12, s14;
	s28 =	sadd.s32 s15, s14;
	v4 =	vadd.f32 v6, v4  }
0x7d: {  	s14 =	simm.s32 $0x20;
	s25 =	sor.u32 s22, s23;
	s15 =	sadd.s32 s15, s26;
	[tilespmem:v3+s28+$0x1000 ss:$0x1] =	vst.idx.msk $0xffff, v5  }
.LBB2_3:
0x7e: {  	p0 =	sne.s32 s14, $0x1F0;
	s25 =	sor.u32 s13, s25;
	[tilespmem:s15+$0x0] =	vst v4;
	s15 =	smov.u32 s13  }
0x7f: {  	v4 =	vld [tilespmem:s25+$0x200]  }
0x80: {  	v5 =	vld [tilespmem:s25+$0x2200];
	_ =	sdelay $0x1  }
0x81: {  	v6 =	vld [tilespmem:s25+$0x4200];
	_ =	sdelay $0x1  }
0x82: {  	v7 =	vshll.u32 v4, $0x10  }
0x83: {  	v4 =	vand.u32 $0xFFFF0000, v4;
	v8 =	vshll.u32 v5, $0x10;
	v5 =	vand.u32 $0xFFFF0000, v5  }
.Ltmp0:
0x84: {  	v7 =	vadd.f32 v8, v7;
	v5 =	vadd.f32 v5, v4;
	(pc) =	sbr.rel @p0 .LBB2_3-.Ltmp0, $4  }
0x85: {  	v4 =	vshll.u32 v6, $0x10;
	v6 =	vand.u32 $0xFFFF0000, v6  }
0x86: {  	s13 =	sand.u32 $0x70, s14;
	s24 =	sadd.s32 $0x80, s24;
	s25 =	sadd.s32 s23, s21;
	v4 =	vadd.f32 v4, v7;
	v5 =	vadd.f32 v6, v5  }
0x87: {  	s23 =	sand.u32 $0xC00, s24;
	s26 =	sadd.s32 s12, s25;
	s28 =	sadd.s32 s15, s25  }
0x88: {  	s14 =	sadd.s32 $0x10, s14;
	s25 =	sor.u32 s22, s23;
	s15 =	sadd.s32 s15, s26;
	[tilespmem:v3+s28+$0x1000 ss:$0x1] =	vst.idx.msk $0xffff, v5  }
0x89: {  	s14 =	sor.u32 s13, s25;
	[tilespmem:s15+$0x0] =	vst v4  }
0x8a: {  	v4 =	vld [tilespmem:s14+$0x200]  }
0x8b: {  	v5 =	vld [tilespmem:s14+$0x2200];
	_ =	sdelay $0x1  }
0x8c: {  	v6 =	vld [tilespmem:s14+$0x4200];
	_ =	sdelay $0x2  }
0x8d: {  	s20 =	sadd.s32 $0x1, s20;
	v7 =	vand.u32 $0xFFFF0000, v4;
	v8 =	vand.u32 $0xFFFF0000, v5  }
0x8e: {  	p0 =	sne.s32 s20, $0x10;
	v4 =	vshll.u32 v4, $0x10;
	v5 =	vshll.u32 v5, $0x10;
	v7 =	vadd.f32 v8, v7  }
.Ltmp1:
0x8f: {  	v63 =	vand.u32 $0xFFFF0000, v6;
	v4 =	vadd.f32 v5, v4;
	(pc) =	sbr.rel @p0 .LBB2_2-.Ltmp1, $4  }
0x90: {  	s28 =	sadd.s32 s23, s21;
	v6 =	vshll.u32 v6, $0x10;
	v5 =	vadd.f32 v63, v7  }
0x91: {  	s12 =	sadd.s32 s12, s28;
	s14 =	sadd.s32 s13, s28;
	v4 =	vadd.f32 v6, v4  }
0x92: {  	s12 =	sadd.s32 s13, s12;
	[tilespmem:v3+s14+$0x1000 ss:$0x1] =	vst.idx.msk $0xffff, v5  }
0x93: {  	[tilespmem:s12+$0x0] =	vst v4  }
0x94: {  	s20 =	simm.s32 $0x0;
	s12 =	rddreg [dreg:$0x7]  }
0x95: {  	[hbm4b:s12+s20] =	stream.linear.scatter [tilespmem:s8], [sflag:$0x2], $0x4000, $0x38;
	[tilespmem:$0x14300] =	vst v63  }
0x96: {  	v3 =	vld [tilespmem:$0x20];
	_ =	sdelay $0x4  }
0x97: {  	[tilespmem:$0x100] =	vst v3  }
0x98: {  	v3 =	vld [tilespmem:$0x100];
	_ =	sdelay $0x4  }
0x99: {  	v4 =	vshll.u32 v3, $0x2  }
0x9a: {  	v3 =	vand.u32 $0x7, v3;
	v4 =	vand.u32 $0xFFFFFFE0, v4  }
0x9b: {  	v3 =	vor.u32 v3, v4  }
0x9c: {  	v4 =	vperm.xlane v3, v0  }
0x9d: {  	v5 =	vld [tilespmem:$0xA0]  }
0x9e: {  	v4 =	vadd.s32 v1, v4;
	_ =	sdelay $0x1  }
0x9f: {  	v3 =	vperm.xlane v3, v2;
	_ =	sdelay $0x1  }
0xa0: {  	[tilespmem:$0x180] =	vst v5;
	v3 =	vadd.s32 v1, v3  }
0xa1: {  	[tilespmem:s29], [sflag:$0x1] =	stream.indirect_vreg.gather [hbm4b:s3+s20], $0x80, v4, vm0, $0xb8;
	[tilespmem:$0x14300] =	vst v63  }
0xa2: {  	s21 =	simm.s32 $0xA00  }
0xa3: {  	[tilespmem:s21], [sflag:$0x1] =	stream.indirect_vreg.gather [hbm4b:s6+s20], $0x80, v4, vm0, $0xb8;
	[tilespmem:$0x14300] =	vst v63  }
0xa4: {  	s22 =	simm.s32 $0x1200  }
0xa5: {  	[tilespmem:s22], [sflag:$0x1] =	stream.indirect_vreg.gather [hbm4b:s3+s20], $0x80, v3, vm0, $0xb8;
	[tilespmem:$0x14300] =	vst v63  }
0xa6: {  	s23 =	simm.s32 $0x1A00  }
0xa7: {  	[tilespmem:s23], [sflag:$0x1] =	stream.indirect_vreg.gather [hbm4b:s6+s20], $0x80, v3, vm0, $0xb8;
	[tilespmem:$0x14300] =	vst v63  }
0xa8: {  	v3 =	vld [tilespmem:$0x180];
	_ =	sdelay $0x4  }
0xa9: {  	v63 =	vshll.u32 v3, $0x2  }
0xaa: {  	v3 =	vand.u32 $0x7, v3;
	v4 =	vand.u32 $0xFFFFFFE0, v63  }
0xab: {  	v3 =	vor.u32 v3, v4  }
0xac: {  	v4 =	vperm.xlane v3, v0;
	_ =	sdelay $0x1  }
0xad: {  	v4 =	vadd.s32 v1, v4;
	_ =	sdelay $0x1  }
0xae: {  	v3 =	vperm.xlane v3, v2;
	_ =	sdelay $0x1  }
0xaf: {  	s24 =	simm.s32 $0x2200;
	v3 =	vadd.s32 v1, v3  }
0xb0: {  	[tilespmem:s24], [sflag:$0x1] =	stream.indirect_vreg.gather [hbm4b:s3+s20], $0x80, v4, vm0, $0xb8;
	[tilespmem:$0x14300] =	vst v63  }
0xb1: {  	s25 =	simm.s32 $0x2A00  }
0xb2: {  	[tilespmem:s25], [sflag:$0x1] =	stream.indirect_vreg.gather [hbm4b:s6+s20], $0x80, v4, vm0, $0xb8;
	[tilespmem:$0x14300] =	vst v63  }
0xb3: {  	s26 =	simm.s32 $0x3200  }
0xb4: {  	[tilespmem:s26], [sflag:$0x1] =	stream.indirect_vreg.gather [hbm4b:s3+s20], $0x80, v3, vm0, $0xb8;
	[tilespmem:$0x14300] =	vst v63  }
0xb5: {  	s28 =	simm.s32 $0x3A00  }
0xb6: {  	[tilespmem:s28], [sflag:$0x1] =	stream.indirect_vreg.gather [hbm4b:s6+s20], $0x80, v3, vm0, $0xb8;
	[tilespmem:$0x14300] =	vst v63  }
0xb7: {  	s13 =	simm.s32 $0x4200;
	s29 =	rddreg [dreg:$0x8]  }
0xb8: {  	[tilespmem:s13], [sflag:$0x1] =	stream.linear.gather [hbm4b:s29+s20], $0x2000, $0x38;
	[tilespmem:$0x14300] =	vst v63  }
0xb9: {  	_ =	swait.ge [sflag:s9], $0x2000  }
0xba: {  	[sflag:s9] =	ssyncset.done $0x0  }
0xbb: {  	[sflag:s9] =	ssyncadd.s32 $0xFFFFE000  }
0xbc: {  	_ =	swait.ge [sflag:s9], $0x2000  }
0xbd: {  	[sflag:s9] =	ssyncset.done $0x0  }
0xbe: {  	[sflag:s9] =	ssyncadd.s32 $0xFFFFE000  }
0xbf: {  	_ =	swait.ge [sflag:s9], $0x2000  }
0xc0: {  	[sflag:s9] =	ssyncset.done $0x0  }
0xc1: {  	s12 =	simm.s32 $0x0;
	[sflag:s9] =	ssyncadd.s32 $0xFFFFE000  }
.LBB2_6:
0xc2: {  	s13 =	sshll.u32 s12, $0x9;
	s14 =	sshll.u32 s12, $0x7  }
0xc3: {  	s13 =	sand.u32 $0xFFFFF000, s13;
	s21 =	sand.u32 $0x380, s14  }
0xc4: {  	s15 =	sand.u32 $0xC00, s20;
	s23 =	sor.u32 s21, s13  }
0xc5: {  	s26 =	sand.u32 $0x70, s20;
	s25 =	sor.u32 s23, s15  }
0xc6: {  	s14 =	sor.u32 s26, s25  }
0xc7: {  	v4 =	vld [tilespmem:s14+$0xA300]  }
0xc8: {  	v5 =	vld [tilespmem:s14+$0xC300];
	_ =	sdelay $0x1  }
0xc9: {  	v6 =	vld [tilespmem:s14+$0xE300];
	_ =	sdelay $0x2  }
0xca: {  	s28 =	sshll.u32 s12, $0xA;
	v3 =	vmov s21;
	v7 =	vand.u32 $0xFFFF0000, v4;
	v8 =	vand.u32 $0xFFFF0000, v5  }
0xcb: {  	s14 =	sand.u32 $0x3FFFE000, s28;
	v4 =	vshll.u32 v4, $0x10;
	v5 =	vshll.u32 v5, $0x10;
	v7 =	vadd.f32 v8, v7  }
0xcc: {  	s29 =	simm.s32 $0x10;
	s22 =	sadd.s32 $0x10300, s14;
	v63 =	vand.u32 $0xFFFF0000, v6;
	v4 =	vadd.f32 v5, v4  }
0xcd: {  	s24 =	sand.u32 $0x70, s29;
	s14 =	simm.s32 $0x80;
	s15 =	sadd.s32 s15, s22;
	v6 =	vshll.u32 v6, $0x10;
	v5 =	vadd.f32 v63, v7  }
0xce: {  	s13 =	sand.u32 $0xC00, s14;
	s28 =	sadd.s32 s21, s15;
	s29 =	sadd.s32 s26, s15;
	v4 =	vadd.f32 v6, v4  }
0xcf: {  	s25 =	simm.s32 $0x20;
	s15 =	sor.u32 s23, s13;
	s26 =	sadd.s32 s26, s28;
	[tilespmem:v3+s29+$0x1000 ss:$0x1] =	vst.idx.msk $0xffff, v5  }
.LBB2_7:
0xd0: {  	p0 =	sne.s32 s25, $0x1F0;
	s15 =	sor.u32 s24, s15;
	[tilespmem:s26+$0x0] =	vst v4;
	s26 =	smov.u32 s24  }
0xd1: {  	v4 =	vld [tilespmem:s15+$0xA300]  }
0xd2: {  	v5 =	vld [tilespmem:s15+$0xC300];
	_ =	sdelay $0x1  }
0xd3: {  	v6 =	vld [tilespmem:s15+$0xE300];
	_ =	sdelay $0x1  }
0xd4: {  	v7 =	vshll.u32 v4, $0x10  }
0xd5: {  	v4 =	vand.u32 $0xFFFF0000, v4;
	v8 =	vshll.u32 v5, $0x10;
	v5 =	vand.u32 $0xFFFF0000, v5  }
.Ltmp2:
0xd6: {  	v7 =	vadd.f32 v8, v7;
	v5 =	vadd.f32 v5, v4;
	(pc) =	sbr.rel @p0 .LBB2_7-.Ltmp2, $4  }
0xd7: {  	v4 =	vshll.u32 v6, $0x10;
	v6 =	vand.u32 $0xFFFF0000, v6  }
0xd8: {  	s24 =	sand.u32 $0x70, s25;
	s14 =	sadd.s32 $0x80, s14;
	s15 =	sadd.s32 s13, s22;
	v4 =	vadd.f32 v4, v7;
	v5 =	vadd.f32 v6, v5  }
0xd9: {  	s13 =	sand.u32 $0xC00, s14;
	s28 =	sadd.s32 s21, s15;
	s29 =	sadd.s32 s26, s15  }
0xda: {  	s25 =	sadd.s32 $0x10, s25;
	s15 =	sor.u32 s23, s13;
	s26 =	sadd.s32 s26, s28;
	[tilespmem:v3+s29+$0x1000 ss:$0x1] =	vst.idx.msk $0xffff, v5  }
0xdb: {  	s14 =	sor.u32 s24, s15;
	[tilespmem:s26+$0x0] =	vst v4  }
0xdc: {  	v4 =	vld [tilespmem:s14+$0xA300]  }
0xdd: {  	v5 =	vld [tilespmem:s14+$0xC300];
	_ =	sdelay $0x1  }
0xde: {  	v6 =	vld [tilespmem:s14+$0xE300];
	_ =	sdelay $0x2  }
0xdf: {  	s12 =	sadd.s32 $0x1, s12;
	v7 =	vand.u32 $0xFFFF0000, v4;
	v8 =	vand.u32 $0xFFFF0000, v5  }
0xe0: {  	p0 =	sne.s32 s12, $0x10;
	v4 =	vshll.u32 v4, $0x10;
	v5 =	vshll.u32 v5, $0x10;
	v7 =	vadd.f32 v8, v7  }
.Ltmp3:
0xe1: {  	v63 =	vand.u32 $0xFFFF0000, v6;
	v4 =	vadd.f32 v5, v4;
	(pc) =	sbr.rel @p0 .LBB2_6-.Ltmp3, $4  }
0xe2: {  	s13 =	sadd.s32 s13, s22;
	v6 =	vshll.u32 v6, $0x10;
	v5 =	vadd.f32 v63, v7  }
0xe3: {  	s29 =	sadd.s32 s21, s13;
	s13 =	sadd.s32 s24, s13;
	v4 =	vadd.f32 v6, v4  }
0xe4: {  	s14 =	sadd.s32 s24, s29;
	[tilespmem:v3+s13+$0x1000 ss:$0x1] =	vst.idx.msk $0xffff, v5  }
0xe5: {  	[tilespmem:s14+$0x0] =	vst v4  }
0xe6: {  	s20 =	simm.s32 $0x0;
	s12 =	rddreg [dreg:$0x9]  }
0xe7: {  	[hbm4b:s12+s20] =	stream.linear.scatter [tilespmem:s10], [sflag:$0x4], $0x4000, $0x38;
	[tilespmem:$0x14300] =	vst v63  }
0xe8: {  	v3 =	vld [tilespmem:$0x30];
	_ =	sdelay $0x4  }
0xe9: {  	[tilespmem:$0xA200] =	vst v3  }
0xea: {  	v3 =	vld [tilespmem:$0xA200];
	_ =	sdelay $0x4  }
0xeb: {  	v4 =	vshll.u32 v3, $0x2  }
0xec: {  	v3 =	vand.u32 $0x7, v3;
	v4 =	vand.u32 $0xFFFFFFE0, v4  }
0xed: {  	v3 =	vor.u32 v3, v4  }
0xee: {  	v4 =	vperm.xlane v3, v0  }
0xef: {  	v5 =	vld [tilespmem:$0xB0]  }
0xf0: {  	v4 =	vadd.s32 v1, v4;
	_ =	sdelay $0x1  }
0xf1: {  	v3 =	vperm.xlane v3, v2;
	_ =	sdelay $0x1  }
0xf2: {  	s26 =	simm.s32 $0xA300;
	[tilespmem:$0xA280] =	vst v5;
	v3 =	vadd.s32 v1, v3  }
0xf3: {  	[tilespmem:s26], [sflag:$0x3] =	stream.indirect_vreg.gather [hbm4b:s3+s20], $0x80, v4, vm0, $0xb8;
	[tilespmem:$0x14300] =	vst v63  }
0xf4: {  	s28 =	simm.s32 $0xAB00  }
0xf5: {  	[tilespmem:s28], [sflag:$0x3] =	stream.indirect_vreg.gather [hbm4b:s6+s20], $0x80, v4, vm0, $0xb8;
	[tilespmem:$0x14300] =	vst v63  }
0xf6: {  	_ = 	snop  }
0xf7: {  	[tilespmem:s30], [sflag:$0x3] =	stream.indirect_vreg.gather [hbm4b:s3+s20], $0x80, v3, vm0, $0xb8;
	[tilespmem:$0x14300] =	vst v63  }
0xf8: {  	_ = 	snop  }
0xf9: {  	[tilespmem:s31], [sflag:$0x3] =	stream.indirect_vreg.gather [hbm4b:s6+s20], $0x80, v3, vm0, $0xb8;
	[tilespmem:$0x14300] =	vst v63  }
0xfa: {  	v3 =	vld [tilespmem:$0xA280];
	_ =	sdelay $0x4  }
0xfb: {  	v63 =	vshll.u32 v3, $0x2  }
0xfc: {  	v3 =	vand.u32 $0x7, v3;
	v4 =	vand.u32 $0xFFFFFFE0, v63  }
0xfd: {  	v3 =	vor.u32 v3, v4  }
0xfe: {  	v4 =	vperm.xlane v3, v0;
	_ =	sdelay $0x1  }
0xff: {  	v4 =	vadd.s32 v1, v4;
	_ =	sdelay $0x1  }
0x100: {  	v3 =	vperm.xlane v3, v2;
	_ =	sdelay $0x1  }
0x101: {  	v3 =	vadd.s32 v1, v3  }
0x102: {  	[tilespmem:s1], [sflag:$0x3] =	stream.indirect_vreg.gather [hbm4b:s3+s20], $0x80, v4, vm0, $0xb8;
	[tilespmem:$0x14300] =	vst v63  }
0x103: {  	_ = 	snop  }
0x104: {  	[tilespmem:s0], [sflag:$0x3] =	stream.indirect_vreg.gather [hbm4b:s6+s20], $0x80, v4, vm0, $0xb8;
	[tilespmem:$0x14300] =	vst v63  }
0x105: {  	_ = 	snop  }
0x106: {  	[tilespmem:s17], [sflag:$0x3] =	stream.indirect_vreg.gather [hbm4b:s3+s20], $0x80, v3, vm0, $0xb8;
	[tilespmem:$0x14300] =	vst v63  }
0x107: {  	_ = 	snop  }
0x108: {  	[tilespmem:s4], [sflag:$0x3] =	stream.indirect_vreg.gather [hbm4b:s6+s20], $0x80, v3, vm0, $0xb8;
	[tilespmem:$0x14300] =	vst v63  }
0x109: {  	s29 =	rddreg [dreg:$0xa]  }
0x10a: {  	[tilespmem:s5], [sflag:$0x3] =	stream.linear.gather [hbm4b:s29+s20], $0x2000, $0x38;
	[tilespmem:$0x14300] =	vst v63  }
0x10b: {  	_ =	swait.ge [sflag:s7], $0x2000  }
0x10c: {  	[sflag:s7] =	ssyncset.done $0x0  }
0x10d: {  	[sflag:s7] =	ssyncadd.s32 $0xFFFFE000  }
0x10e: {  	_ =	swait.ge [sflag:s7], $0x2000  }
0x10f: {  	[sflag:s7] =	ssyncset.done $0x0  }
0x110: {  	[sflag:s7] =	ssyncadd.s32 $0xFFFFE000  }
0x111: {  	_ =	swait.ge [sflag:s7], $0x2000  }
0x112: {  	[sflag:s7] =	ssyncset.done $0x0  }
0x113: {  	[sflag:s7] =	ssyncadd.s32 $0xFFFFE000  }
0x114: {  	_ =	swait.ge [sflag:s18], $0x4000  }
0x115: {  	[sflag:s18] =	ssyncset.done $0x0  }
0x116: {  	s12 =	simm.s32 $0x0;
	[sflag:s18] =	ssyncadd.s32 $0xFFFFC000  }
.LBB2_10:
0x117: {  	s13 =	sshll.u32 s12, $0x9;
	s14 =	sshll.u32 s12, $0x7  }
0x118: {  	s13 =	sand.u32 $0xFFFFF000, s13;
	s21 =	sand.u32 $0x380, s14  }
0x119: {  	s15 =	sand.u32 $0xC00, s20;
	s23 =	sor.u32 s21, s13  }
0x11a: {  	s26 =	sand.u32 $0x70, s20;
	s25 =	sor.u32 s23, s15  }
0x11b: {  	s14 =	sor.u32 s26, s25  }
0x11c: {  	v4 =	vld [tilespmem:s14+$0x200]  }
0x11d: {  	v5 =	vld [tilespmem:s14+$0x2200];
	_ =	sdelay $0x1  }
0x11e: {  	v6 =	vld [tilespmem:s14+$0x4200];
	_ =	sdelay $0x2  }
0x11f: {  	s28 =	sshll.u32 s12, $0xA;
	v3 =	vmov s21;
	v7 =	vand.u32 $0xFFFF0000, v4;
	v8 =	vand.u32 $0xFFFF0000, v5  }
0x120: {  	s14 =	sand.u32 $0x3FFFE000, s28;
	v4 =	vshll.u32 v4, $0x10;
	v5 =	vshll.u32 v5, $0x10;
	v7 =	vadd.f32 v8, v7  }
0x121: {  	s29 =	simm.s32 $0x10;
	s22 =	sadd.s32 $0x6200, s14;
	v63 =	vand.u32 $0xFFFF0000, v6;
	v4 =	vadd.f32 v5, v4  }
0x122: {  	s24 =	sand.u32 $0x70, s29;
	s14 =	simm.s32 $0x80;
	s15 =	sadd.s32 s15, s22;
	v6 =	vshll.u32 v6, $0x10;
	v5 =	vadd.f32 v63, v7  }
0x123: {  	s13 =	sand.u32 $0xC00, s14;
	s28 =	sadd.s32 s21, s15;
	s29 =	sadd.s32 s26, s15;
	v4 =	vadd.f32 v6, v4  }
0x124: {  	s25 =	simm.s32 $0x20;
	s15 =	sor.u32 s23, s13;
	s26 =	sadd.s32 s26, s28;
	[tilespmem:v3+s29+$0x1000 ss:$0x1] =	vst.idx.msk $0xffff, v5  }
.LBB2_11:
0x125: {  	p0 =	sne.s32 s25, $0x1F0;
	s15 =	sor.u32 s24, s15;
	[tilespmem:s26+$0x0] =	vst v4;
	s26 =	smov.u32 s24  }
0x126: {  	v4 =	vld [tilespmem:s15+$0x200]  }
0x127: {  	v5 =	vld [tilespmem:s15+$0x2200];
	_ =	sdelay $0x1  }
0x128: {  	v6 =	vld [tilespmem:s15+$0x4200];
	_ =	sdelay $0x1  }
0x129: {  	v7 =	vshll.u32 v4, $0x10  }
0x12a: {  	v4 =	vand.u32 $0xFFFF0000, v4;
	v8 =	vshll.u32 v5, $0x10;
	v5 =	vand.u32 $0xFFFF0000, v5  }
.Ltmp4:
0x12b: {  	v7 =	vadd.f32 v8, v7;
	v5 =	vadd.f32 v5, v4;
	(pc) =	sbr.rel @p0 .LBB2_11-.Ltmp4, $4  }
0x12c: {  	v4 =	vshll.u32 v6, $0x10;
	v6 =	vand.u32 $0xFFFF0000, v6  }
0x12d: {  	s24 =	sand.u32 $0x70, s25;
	s14 =	sadd.s32 $0x80, s14;
	s15 =	sadd.s32 s13, s22;
	v4 =	vadd.f32 v4, v7;
	v5 =	vadd.f32 v6, v5  }
0x12e: {  	s13 =	sand.u32 $0xC00, s14;
	s28 =	sadd.s32 s21, s15;
	s29 =	sadd.s32 s26, s15  }
0x12f: {  	s25 =	sadd.s32 $0x10, s25;
	s15 =	sor.u32 s23, s13;
	s26 =	sadd.s32 s26, s28;
	[tilespmem:v3+s29+$0x1000 ss:$0x1] =	vst.idx.msk $0xffff, v5  }
0x130: {  	s14 =	sor.u32 s24, s15;
	[tilespmem:s26+$0x0] =	vst v4  }
0x131: {  	v4 =	vld [tilespmem:s14+$0x200]  }
0x132: {  	v5 =	vld [tilespmem:s14+$0x2200];
	_ =	sdelay $0x1  }
0x133: {  	v6 =	vld [tilespmem:s14+$0x4200];
	_ =	sdelay $0x2  }
0x134: {  	s12 =	sadd.s32 $0x1, s12;
	v7 =	vand.u32 $0xFFFF0000, v4;
	v8 =	vand.u32 $0xFFFF0000, v5  }
0x135: {  	p0 =	sne.s32 s12, $0x10;
	v4 =	vshll.u32 v4, $0x10;
	v5 =	vshll.u32 v5, $0x10;
	v7 =	vadd.f32 v8, v7  }
.Ltmp5:
0x136: {  	v63 =	vand.u32 $0xFFFF0000, v6;
	v4 =	vadd.f32 v5, v4;
	(pc) =	sbr.rel @p0 .LBB2_10-.Ltmp5, $4  }
0x137: {  	s13 =	sadd.s32 s13, s22;
	v6 =	vshll.u32 v6, $0x10;
	v5 =	vadd.f32 v63, v7  }
0x138: {  	s29 =	sadd.s32 s21, s13;
	s13 =	sadd.s32 s24, s13;
	v4 =	vadd.f32 v6, v4  }
0x139: {  	s14 =	sadd.s32 s24, s29;
	[tilespmem:v3+s13+$0x1000 ss:$0x1] =	vst.idx.msk $0xffff, v5  }
0x13a: {  	[tilespmem:s14+$0x0] =	vst v4  }
0x13b: {  	s20 =	simm.s32 $0x0;
	s12 =	rddreg [dreg:$0xb]  }
0x13c: {  	[hbm4b:s12+s20] =	stream.linear.scatter [tilespmem:s8], [sflag:$0x2], $0x4000, $0x38;
	[tilespmem:$0x14300] =	vst v63  }
0x13d: {  	_ =	swait.ge [sflag:s9], $0x2000  }
0x13e: {  	[sflag:s9] =	ssyncset.done $0x0  }
0x13f: {  	[sflag:s9] =	ssyncadd.s32 $0xFFFFE000  }
0x140: {  	_ =	swait.ge [sflag:s9], $0x2000  }
0x141: {  	[sflag:s9] =	ssyncset.done $0x0  }
0x142: {  	[sflag:s9] =	ssyncadd.s32 $0xFFFFE000  }
0x143: {  	_ =	swait.ge [sflag:s9], $0x2000  }
0x144: {  	[sflag:s9] =	ssyncset.done $0x0  }
0x145: {  	[sflag:s9] =	ssyncadd.s32 $0xFFFFE000  }
0x146: {  	_ =	swait.ge [sflag:s11], $0x4000  }
0x147: {  	[sflag:s11] =	ssyncset.done $0x0  }
0x148: {  	s12 =	simm.s32 $0x0;
	[sflag:s11] =	ssyncadd.s32 $0xFFFFC000  }
.LBB2_14:
0x149: {  	s13 =	sshll.u32 s12, $0x9;
	s14 =	sshll.u32 s12, $0x7  }
0x14a: {  	s13 =	sand.u32 $0xFFFFF000, s13;
	s21 =	sand.u32 $0x380, s14  }
0x14b: {  	s15 =	sand.u32 $0xC00, s20;
	s23 =	sor.u32 s21, s13  }
0x14c: {  	s26 =	sand.u32 $0x70, s20;
	s25 =	sor.u32 s23, s15  }
0x14d: {  	s14 =	sor.u32 s26, s25  }
0x14e: {  	v4 =	vld [tilespmem:s14+$0xA300]  }
0x14f: {  	v5 =	vld [tilespmem:s14+$0xC300];
	_ =	sdelay $0x1  }
0x150: {  	v6 =	vld [tilespmem:s14+$0xE300];
	_ =	sdelay $0x2  }
0x151: {  	s28 =	sshll.u32 s12, $0xA;
	v3 =	vmov s21;
	v7 =	vand.u32 $0xFFFF0000, v4;
	v8 =	vand.u32 $0xFFFF0000, v5  }
0x152: {  	s14 =	sand.u32 $0x3FFFE000, s28;
	v4 =	vshll.u32 v4, $0x10;
	v5 =	vshll.u32 v5, $0x10;
	v7 =	vadd.f32 v8, v7  }
0x153: {  	s29 =	simm.s32 $0x10;
	s22 =	sadd.s32 $0x10300, s14;
	v63 =	vand.u32 $0xFFFF0000, v6;
	v4 =	vadd.f32 v5, v4  }
0x154: {  	s24 =	sand.u32 $0x70, s29;
	s14 =	simm.s32 $0x80;
	s15 =	sadd.s32 s15, s22;
	v6 =	vshll.u32 v6, $0x10;
	v5 =	vadd.f32 v63, v7  }
0x155: {  	s13 =	sand.u32 $0xC00, s14;
	s28 =	sadd.s32 s21, s15;
	s29 =	sadd.s32 s26, s15;
	v4 =	vadd.f32 v6, v4  }
0x156: {  	s25 =	simm.s32 $0x20;
	s15 =	sor.u32 s23, s13;
	s26 =	sadd.s32 s26, s28;
	[tilespmem:v3+s29+$0x1000 ss:$0x1] =	vst.idx.msk $0xffff, v5  }
.LBB2_15:
0x157: {  	p0 =	sne.s32 s25, $0x1F0;
	s15 =	sor.u32 s24, s15;
	[tilespmem:s26+$0x0] =	vst v4;
	s26 =	smov.u32 s24  }
0x158: {  	v4 =	vld [tilespmem:s15+$0xA300]  }
0x159: {  	v5 =	vld [tilespmem:s15+$0xC300];
	_ =	sdelay $0x1  }
0x15a: {  	v6 =	vld [tilespmem:s15+$0xE300];
	_ =	sdelay $0x1  }
0x15b: {  	v7 =	vshll.u32 v4, $0x10  }
0x15c: {  	v4 =	vand.u32 $0xFFFF0000, v4;
	v8 =	vshll.u32 v5, $0x10;
	v5 =	vand.u32 $0xFFFF0000, v5  }
.Ltmp6:
0x15d: {  	v7 =	vadd.f32 v8, v7;
	v5 =	vadd.f32 v5, v4;
	(pc) =	sbr.rel @p0 .LBB2_15-.Ltmp6, $4  }
0x15e: {  	v4 =	vshll.u32 v6, $0x10;
	v6 =	vand.u32 $0xFFFF0000, v6  }
0x15f: {  	s24 =	sand.u32 $0x70, s25;
	s14 =	sadd.s32 $0x80, s14;
	s15 =	sadd.s32 s13, s22;
	v4 =	vadd.f32 v4, v7;
	v5 =	vadd.f32 v6, v5  }
0x160: {  	s13 =	sand.u32 $0xC00, s14;
	s28 =	sadd.s32 s21, s15;
	s29 =	sadd.s32 s26, s15  }
0x161: {  	s25 =	sadd.s32 $0x10, s25;
	s15 =	sor.u32 s23, s13;
	s26 =	sadd.s32 s26, s28;
	[tilespmem:v3+s29+$0x1000 ss:$0x1] =	vst.idx.msk $0xffff, v5  }
0x162: {  	s14 =	sor.u32 s24, s15;
	[tilespmem:s26+$0x0] =	vst v4  }
0x163: {  	v4 =	vld [tilespmem:s14+$0xA300]  }
0x164: {  	v5 =	vld [tilespmem:s14+$0xC300];
	_ =	sdelay $0x1  }
0x165: {  	v6 =	vld [tilespmem:s14+$0xE300];
	_ =	sdelay $0x2  }
0x166: {  	s12 =	sadd.s32 $0x1, s12;
	v7 =	vand.u32 $0xFFFF0000, v4;
	v8 =	vand.u32 $0xFFFF0000, v5  }
0x167: {  	p0 =	sne.s32 s12, $0x10;
	v4 =	vshll.u32 v4, $0x10;
	v5 =	vshll.u32 v5, $0x10;
	v7 =	vadd.f32 v8, v7  }
.Ltmp7:
0x168: {  	v63 =	vand.u32 $0xFFFF0000, v6;
	v4 =	vadd.f32 v5, v4;
	(pc) =	sbr.rel @p0 .LBB2_14-.Ltmp7, $4  }
0x169: {  	s13 =	sadd.s32 s13, s22;
	v6 =	vshll.u32 v6, $0x10;
	v5 =	vadd.f32 v63, v7  }
0x16a: {  	s29 =	sadd.s32 s21, s13;
	s13 =	sadd.s32 s24, s13;
	v4 =	vadd.f32 v6, v4  }
0x16b: {  	s14 =	sadd.s32 s24, s29;
	[tilespmem:v3+s13+$0x1000 ss:$0x1] =	vst.idx.msk $0xffff, v5  }
0x16c: {  	[tilespmem:s14+$0x0] =	vst v4  }
0x16d: {  	s12 =	rddreg [dreg:$0xc]  }
0x16e: {  	[hbm4b:s12+s2] =	stream.linear.scatter [tilespmem:s10], [sflag:$0x4], $0x4000, $0x38;
	[tilespmem:$0x14300] =	vst v63  }
0x16f: {  	_ =	swait.ge [sflag:s18], $0x4000  }
0x170: {  	[sflag:s18] =	ssyncset.done $0x0  }
0x171: {  	[sflag:s18] =	ssyncadd.s32 $0xFFFFC000  }
0x172: {  	_ =	swait.ge [sflag:s11], $0x4000  }
0x173: {  	s19 =	sadd.s32 $0x1, s19;
	s28 =	rddreg [dreg:$0xd]  }
0x174: {  	p0 =	sne.s32 s19, s28  }
.Ltmp8:
0x175: {  	_ = 	snop;
	(pc) =	sbr.rel @p0 .LBB2_1-.Ltmp8, $3  }
0x176: {  	_ =	sdelay $0x1  }
0x177: {  	[sflag:s11] =	ssyncset.done $0x0  }
0x178: {  	s29 =	simm.s32 $0x200;
	[sflag:s11] =	ssyncadd.s32 $0xFFFFC000  }
0x179: {  	_ =	sfence.sel $0x180000  }
0x17a: {  	[bflag:$0x0] =	sbarrier.arrive $0xFFFF  }
0x17b: {  	_ =	strace $0x9000004A  }
0x17c: {  	s0 =	stileid.u32;
	[bflag:$0x2] =	sbarrier.arrive $0xFFFF  }
0x17d: {  	p0 =	sne.s32 s0, $0x0;
	s0 =	rddreg [dreg:$0x2]  }
0x17e: {  	s0 =	sadd.s32 @!p0 $0x100000, s0  }
0x17f: {  	[sflag:s0] =	ssyncadd.tile.s32 @!p0 $0x1;
	_ =	shalt  }
.Lfunc_end2:
_tile_overlayer_lowered:
.L_overlay_start_2:
0x180: {  	(tag) =	ssettag $0x2  }
0x181: {  	s0 =	rddreg [dreg:$0x0];
	s2 =	stileid.u32  }
0x182: {  	s1 =	rddreg [dreg:$0x1];
	p0 =	sne.s32 s2, $0x0  }
0x183: {  	s3 =	rddreg [dreg:$0x2];
	[bflag:$0x3] =	sbarrier.arrive $0xFFFF;
	s2 =	simm.s32 @!p0 $0x1C05  }
0x184: {  	[timem:s3], [sflag:s2] =	dma.local @!p0 [hbm:s0], s1  }
0x185: {  	s0 =	simm.s32 @!p0 $0x5  }
0x186: {  	_ =	swait.ge @!p0 [sflag:s0], s1  }
0x187: {  	s1 =	ssub.s32 @!p0 $0x0, s1;
	[sflag:s0] =	ssyncset.done @!p0 $0x0  }
0x188: {  	[sflag:s0] =	ssyncadd.s32 @!p0 s1  }
0x189: {  	[bflag:$0x3] =	sbarrier.arrive $0xFFFF  }
0x18a: {  	_ =	shalt  }

// kernel: kernel.7.cloned.1.call-start
scs
__scs_entry_jumppad:
0x0: {  	(pc) =	sbr.rel $0x88, $3  }
0x1: {  	(tag) =	ssettag $0x0;
	lr =	simm.s32 $0x1  }
0x2: {  	[smem:$0x3F9B] =	sst lr;
	_ =	strace $0xD0000000  }
0x3: {  	_ = 	snop  }
0x4: {  	_ = 	snop  }
0x5: {  	_ = 	snop  }
0x6: {  	_ = 	snop  }
0x7: {  	_ = 	snop  }
__scs_overlays_trampoline_lowered:
0x8: {  	[smem:$0x3FAA] =	sst s0  }
0x9: {  	[smem:$0x3FAB] =	sst s1  }
0xa: {  	[smem:$0x3FAC] =	sst s2  }
0xb: {  	[smem:$0x3FAD] =	sst s3  }
0xc: {  	[smem:$0x3FAE] =	sst s4  }
0xd: {  	[smem:$0x3FAF] =	sst s5  }
0xe: {  	[smem:$0x3FB0] =	sst s6  }
0xf: {  	[smem:$0x3FB1] =	sst s7  }
0x10: {  	[smem:$0x3FB2] =	sst s8  }
0x11: {  	[smem:$0x3FB3] =	sst s9;
	s0 =	simm.s32 @!p0 $0x0  }
0x12: {  	s1 =	sld [smem:$0x3F99];
	s0 =	simm.s32 @p0 $0x1  }
0x13: {  	[smem:$0x3FB4] =	sst s0;
	s0 =	simm.s32 @!p1 $0x0  }
0x14: {  	s2 =	sld [smem:$0x3F98];
	s0 =	simm.s32 @p1 $0x1  }
0x15: {  	[smem:$0x3FB5] =	sst s0;
	s0 =	simm.s32 @!p2 $0x0  }
0x16: {  	s3 =	sld [smem:$0x3FDB];
	s0 =	simm.s32 @p2 $0x1  }
0x17: {  	s4 =	simm.s32 $0x1BF5;
	[smem:$0x3FB7] =	sst s0  }
0x18: {  	s0 =	sld [smem:$0x3F9A];
	_ =	swait.ge [sflag:s4], $0x0  }
0x19: {  	s7 =	sld [smem:$0x3F9B]  }
0x1a: {  	s8 =	sadd.s32 $0xFFFFE003, lr  }
0x1b: {  	s9 =	sadd.s32 $0xFFFFFEF7, lr;
	s5 =	simm.s32 $0xFFFFFFFF;
	p2 =	slt.u32 s8, $0xFFFFF086  }
0x1c: {  	p1 =	slt.u32 s9, $0xF7A;
	s5 =	simm.s32 @!p2 $0x0  }
0x1d: {  	s5 =	simm.s32 @p1 $0x1;
	p0 =	seq.s32 s7, s2  }
0x1e: {  	s7 =	smul.u32 @!p0 $0xF7A, s2;
	p2 =	seq.s32 @!p0 s5, $0x0  }
0x1f: {  	s9 =	smul.u32 $0xF7A, s1;
	s8 =	simm.s32 @!p0 $0x1BF5;
	p2 =	por !p2, p0  }
0x20: {  	[sflag:s8] =	ssyncset.s32 @!p0 $0xFFFFF086;
	s6 =	sadd.s32 @!p0 s3, s7;
	s7 =	simm.s32 @!p0 $0x108  }
0x21: {  	s3 =	sadd.s32 s3, s9;
	s6 =	sadd.s32 @!p0 $0x88, s6;
	s7 =	simm.s32 @p2 $0x1082  }
0x22: {  	[simem:s7], [sflag:s8] =	dma.local @!p0 [hbm:s6], $0xF7A  }
0x23: {  	s9 =	sor.u32 $0xD0000000, s2;
	s6 =	simm.s32 $0x108;
	_ =	swait.ge @!p0 [sflag:s8], $0x0  }
0x24: {  	s3 =	sadd.s32 $0x88, s3;
	s6 =	simm.s32 @!p1 $0x1082;
	[sflag:s4] =	ssyncset.s32 $0xFFFFF086  }
0x25: {  	[simem:s6], [sflag:s4] =	dma.local [hbm:s3], $0xF7A  }
0x26: {  	[smem:$0x3F9B] =	sst s1;
	(tag) =	ssettag s2;
	_ =	strace s9  }
0x27: {  	s1 =	sld [smem:$0x3FAB]  }
0x28: {  	s2 =	sld [smem:$0x3FAC]  }
0x29: {  	s4 =	sld [smem:$0x3FAE]  }
0x2a: {  	p0 =	seq.s32 s5, $0x0;
	s5 =	sld [smem:$0x3FAF]  }
0x2b: {  	s6 =	sld [smem:$0x3FB0]  }
0x2c: {  	s7 =	sld [smem:$0x3FB1]  }
0x2d: {  	s3 =	simm.s32 $0x108;
	s8 =	sld [smem:$0x3FB2]  }
0x2e: {  	s3 =	simm.s32 @!p0 $0x1082;
	s9 =	sld [smem:$0x3FB3]  }
0x2f: {  	lr =	sadd.s32 s0, s3;
	s0 =	sld [smem:$0x3FAA]  }
0x30: {  	s3 =	sld [smem:$0x3FAD]  }
0x31: {  	[smem:$0x3FB6] =	sst s10  }
0x32: {  	s10 =	sld [smem:$0x3FB4];
	_ =	sdelay $0x3  }
0x33: {  	p0 =	seq.s32 s10, $0x1;
	s10 =	sld [smem:$0x3FB6];
	_ =	sdelay $0x3  }
0x34: {  	[smem:$0x3FB6] =	sst s10  }
0x35: {  	s10 =	sld [smem:$0x3FB5];
	_ =	sdelay $0x3  }
0x36: {  	p1 =	seq.s32 s10, $0x1;
	s10 =	sld [smem:$0x3FB6];
	_ =	sdelay $0x3  }
0x37: {  	[smem:$0x3FB6] =	sst s10  }
0x38: {  	s10 =	sld [smem:$0x3FB7]  }
0x39: {  	_ = 	snop;
	(pc) =	sbr.ind lr, $3  }
0x3a: {  	_ = 	snop  }
0x3b: {  	_ = 	snop  }
0x3c: {  	p2 =	seq.s32 s10, $0x1;
	s10 =	sld [smem:$0x3FB6]  }
0x3d: {  	_ =	shalt  }
0x3e: {  	_ =	shalt  }
0x3f: {  	_ =	shalt  }
0x40: {  	_ =	shalt  }
0x41: {  	_ =	shalt  }
0x42: {  	_ =	shalt  }
0x43: {  	_ =	shalt  }
0x44: {  	_ =	shalt  }
0x45: {  	_ =	shalt  }
0x46: {  	_ =	shalt  }
0x47: {  	_ =	shalt  }
0x48: {  	_ =	shalt  }
0x49: {  	_ =	shalt  }
0x4a: {  	_ =	shalt  }
0x4b: {  	_ =	shalt  }
0x4c: {  	_ =	shalt  }
0x4d: {  	_ =	shalt  }
0x4e: {  	_ =	shalt  }
0x4f: {  	_ =	shalt  }
0x50: {  	_ =	shalt  }
0x51: {  	_ =	shalt  }
0x52: {  	_ =	shalt  }
0x53: {  	_ =	shalt  }
0x54: {  	_ =	shalt  }
0x55: {  	_ =	shalt  }
0x56: {  	_ =	shalt  }
0x57: {  	_ =	shalt  }
0x58: {  	_ =	shalt  }
0x59: {  	_ =	shalt  }
0x5a: {  	_ =	shalt  }
0x5b: {  	_ =	shalt  }
0x5c: {  	_ =	shalt  }
0x5d: {  	_ =	shalt  }
0x5e: {  	_ =	shalt  }
0x5f: {  	_ =	shalt  }
0x60: {  	_ =	shalt  }
0x61: {  	_ =	shalt  }
0x62: {  	_ =	shalt  }
0x63: {  	_ =	shalt  }
0x64: {  	_ =	shalt  }
0x65: {  	_ =	shalt  }
0x66: {  	_ =	shalt  }
0x67: {  	_ =	shalt  }
0x68: {  	_ =	shalt  }
0x69: {  	_ =	shalt  }
0x6a: {  	_ =	shalt  }
0x6b: {  	_ =	shalt  }
0x6c: {  	_ =	shalt  }
0x6d: {  	_ =	shalt  }
0x6e: {  	_ =	shalt  }
0x6f: {  	_ =	shalt  }
0x70: {  	_ =	shalt  }
0x71: {  	_ =	shalt  }
0x72: {  	_ =	shalt  }
0x73: {  	_ =	shalt  }
0x74: {  	_ =	shalt  }
0x75: {  	_ =	shalt  }
0x76: {  	_ =	shalt  }
0x77: {  	_ =	shalt  }
0x78: {  	_ =	shalt  }
0x79: {  	_ =	shalt  }
0x7a: {  	_ =	shalt  }
0x7b: {  	_ =	shalt  }
0x7c: {  	_ =	shalt  }
0x7d: {  	_ =	shalt  }
0x7e: {  	_ =	shalt  }
0x7f: {  	_ =	shalt  }
0x80: {  	_ =	shalt  }
0x81: {  	_ =	shalt  }
0x82: {  	_ =	shalt  }
0x83: {  	_ =	shalt  }
0x84: {  	_ =	shalt  }
0x85: {  	_ =	shalt  }
0x86: {  	_ =	shalt  }
0x87: {  	_ =	shalt  }
.Lfunc_end0:
.L_simem_size_0:
called_computation_lowered:
.L_overlay_start_0:
0x88: {  	s2 =	sld [smem:$0x3FD9]  }
0x89: {  	s3 =	sld [smem:$0x3FFE];
	_ =	sdelay $0x1  }
0x8a: {  	s1 =	srdreg.scid  }
0x8b: {  	s0 =	sand.u32 $0x1, s1  }
0x8c: {  	s17 =	sshll.u32 s0, $0xA;
	s2 =	sadd.s32 s3, s2  }
0x8d: {  	s2 =	sadd.s32 s2, s17  }
0x8e: {  	[smem:$0x3FC2] =	sst s2  }
0x8f: {  	_ = 	snop  }
0x90: {  	s2 =	sld [smem:$0x3FD0];
	(tm) =	ssettm $0x1  }
0x91: {  	s18 =	sld [smem:$0x3FFB];
	_ =	sdelay $0x3  }
0x92: {  	_ =	strace s18  }
0x93: {  	s3 =	sld [smem:$0x3FFC];
	_ =	sdelay $0x3  }
0x94: {  	_ =	strace s3  }
0x95: {  	s3 =	sld [smem:$0x3FFD];
	_ =	sdelay $0x3  }
0x96: {  	_ =	strace s3  }
0x97: {  	_ =	strace $0x8FFFFFFF  }
0x98: {  	s19 =	sld [smem:$0x3FDB];
	_ =	sdelay $0x1  }
0x99: {  	s4 =	simm.s32 $_scs_section_size  }
0x9a: {  	s5 =	simm.s32 $_size__tile_overlayer_lowered;
	s6 =	simm.s32 $_tile_overlayer_lowered  }
0x9b: {  	s22 =	simm.s32 $0x1BFF;
	s21 =	sshll.u32 s6, $0x1;
	s3 =	sadd.s32 s4, s19  }
0x9c: {  	s7 =	simm.s32 $0x0;
	s20 =	sshll.u32 s5, $0x1;
	s5 =	sadd.s32 s21, s3  }
0x9d: {  	[timem:s7], [sflag:s22] =	dma.local [hbm:s5], s20  }
0x9e: {  	_ =	swait.ge [sflag:s22], s20  }
0x9f: {  	s4 =	ssub.s32 $0x0, s20;
	[sflag:s22] =	ssyncset.done $0x0  }
0xa0: {  	[sflag:s22] =	ssyncadd.s32 s4;
	_ =	sdelay $0x1  }
0xa1: {  	s23 =	simm.s32 $0x1B8B  }
0xa2: {  	_ =	swait.ge [sflag:s23], $0x1  }
0xa3: {  	[sflag:s23] =	ssyncset.done $0x0  }
0xa4: {  	s25 =	simm.s32 $0x1B8E;
	s24 =	sld [smem:$0x3FFE];
	[sflag:s23] =	ssyncadd.s32 $0xFFFFFFFF  }
0xa5: {  	s26 =	simm.s32 $execute0_lowered;
	[smem:$0x3FD2] =	sst s25  }
0xa6: {  	s5 =	sshll.u32 s26, $0x1;
	_ =	strace $0x80000046;
	[dreg:$0x1] =	wrdreg $0xFFFFFFFF  }
0xa7: {  	s28 =	simm.s32 $_size_execute0_lowered;
	s3 =	sadd.s32 s3, s5;
	[dreg:$0x0] =	wrdreg $0x0  }
0xa8: {  	s5 =	sshll.u32 s28, $0x1;
	[dreg:$0x2] =	wrdreg s3  }
0xa9: {  	[dreg:$0x3] =	wrdreg s5  }
0xaa: {  	[dreg:$0x4] =	wrdreg $0xC0  }
0xab: {  	_ =	task [dreg:s7], $0x5FFFF  }
0xac: {  	[dreg:$0x1] =	wrdreg $0xFFFFFFFF  }
0xad: {  	[dreg:$0x0] =	wrdreg $0x60  }
0xae: {  	[dreg:$0x2] =	wrdreg s24  }
0xaf: {  	[dreg:$0x3] =	wrdreg s2  }
0xb0: {  	[dreg:$0x4] =	wrdreg $0x9  }
0xb1: {  	_ =	task.clear_ibuf [dreg:s7], $0x5FFFF;
	_ =	strace $0x90000046  }
0xb2: {  	s29 =	simm.s32 $0x9;
	_ =	strace $0x80000048  }
0xb3: {  	_ =	swait.ge [sflag:s29], $0x1  }
0xb4: {  	[sflag:s29] =	ssyncadd.s32 $0xFFFFFFFF  }
0xb5: {  	_ =	strace $0x90000048  }
0xb6: {  	_ =	sfence  }
0xb7: {  	s30 =	sld [smem:$0x0];
	_ =	sdelay $0x2  }
0xb8: {  	s31 =	sshll.u32 s1, $0xD;
	s1 =	sshrl.u32 s1, $0x2  }
0xb9: {  	s3 =	sand.u32 $0x4000, s31;
	s1 =	sadd.s32 s1, s30  }
0xba: {  	s0 =	sor.u32 s3, s0;
	s1 =	sshll.u32 s1, $0x11  }
0xbb: {  	s0 =	sor.u32 s1, s0  }
0xbc: {  	s0 =	sadd.s32 $0x8F2B, s0  }
0xbd: {  	[sflag:s0] =	ssyncadd.remote.s32 $0x1  }
0xbe: {  	_ =	sfence.sel $0xFFFF  }
0xbf: {  	[dreg:$0x0] =	wrdreg $0xFFFFFFFF;
	(pc) =	sbr.abs _section_cstart, $3  }
0xc0: {  	[dreg:$0x1] =	wrdreg $0xFFFFFFFF  }
0xc1: {  	_ =	task.clear_ibuf [dreg:s7], $0x2FFFF;
	_ =	strace $0x9FFFFFFF  }
0xc2: {  	(tm) =	ssettm $0x7FFFFFFF  }
0xc3: {  	_ =	shalt  }
tec
execute0_lowered:
.L_overlay_start_1:
0x0: {  	(tag) =	ssettag $0x1  }
0x1: {  	s1 =	srdreg.scid;
	s5 =	rddreg [dreg:$0x0]  }
0x2: {  	s0 =	stileid.u32;
	s4 =	rddreg [dreg:$0x1]  }
0x3: {  	s9 =	simm.s32 $0xC080;
	s10 =	simm.s32 $0x8000;
	s11 =	simm.s32 $0xA000  }
0x4: {  	s12 =	simm.s32 $0x800;
	s13 =	simm.s32 $0x1000;
	s14 =	simm.s32 $0x1800  }
0x5: {  	s15 =	simm.s32 $0x2000;
	s16 =	simm.s32 $0x2800;
	s17 =	simm.s32 $0x3000  }
0x6: {  	s18 =	simm.s32 $0x3800;
	s19 =	simm.s32 $0x4000;
	s20 =	simm.s32 $0x4800  }
0x7: {  	s21 =	simm.s32 $0x5000;
	s22 =	simm.s32 $0x5800;
	s23 =	simm.s32 $0x6000  }
0x8: {  	s28 =	simm.s32 $0x40;
	s29 =	simm.s32 $0x1;
	s1 =	sand.u32 $0x1, s1  }
0x9: {  	s30 =	simm.s32 $0x2;
	s2 =	sshll.u32 s0, $0x7;
	s3 =	sshll.u32 s1, $0x6  }
0xa: {  	s31 =	simm.s32 $0x3;
	s1 =	ssub.s32 $0x2, s1;
	s3 =	sor.u32 s3, s2  }
0xb: {  	s2 =	simm.s32 $0x0;
	s26 =	sshrl.u32 s1, $0x1;
	s6 =	sshrl.u32 s3, $0x3  }
0xc: {  	[smem:$0x7FF] =	sst s2;
	s7 =	sshll.u32 s3, $0x4;
	s24 =	sshll.u32 s3, $0x6  }
0xd: {  	s3 =	sadd.s32 $0x29E00, s5;
	s1 =	ssub.s32 s1, s26;
	s26 =	simm.s32 $0x7800  }
0xe: {  	s6 =	sadd.s32 s6, s5;
	_ =	strace $0x80000047;
	s4 =	sadd.s32 s4, s24  }
0xf: {  	s7 =	sadd.s32 s7, s5;
	s8 =	sadd.s32 $0x11C00, s6;
	[dreg:$0x5] =	wrdreg s4  }
0x10: {  	s24 =	simm.s32 $0x6800;
	s6 =	sadd.s32 $0x11A00, s6;
	[dreg:$0x3] =	wrdreg s8  }
0x11: {  	s25 =	sadd.s32 $0x1A00, s7;
	s7 =	sadd.s32 $0x9A00, s7;
	[dreg:$0x4] =	wrdreg s6  }
0x12: {  	v2 =	vlaneseq.u32;
	s4 =	sadd.s32 $0x11E00, s5;
	s5 =	sadd.s32 $0x29F00, s5;
	[dreg:$0x6] =	wrdreg s25  }
0x13: {  	vm0 =	vmmov $0xffff;
	v1 =	vshrl.u32 v2, $0x3;
	[dreg:$0x7] =	wrdreg s7;
	s6 =	smax.u32 s1, $0x1;
	s7 =	simm.s32 $0xC000  }
0x14: {  	v0 =	vand.u32 $0x7, v2;
	v2 =	vor.u32 $0x8, v2;
	v1 =	vmul.u32 $0x8, v1;
	s8 =	simm.s32 $0x5;
	s25 =	simm.s32 $0x7000;
	s1 =	simm.s32 $0x4  }
.LBB2_1:
0x15: {  	s0 =	rddreg [dreg:$0x3]  }
0x16: {  	[tilespmem:s7], [sflag:$0x5] =	stream.linear.gather [hbm4b:s0+s2], $0x40, $0x38;
	[tilespmem:$0xC100] =	vst v63  }
0x17: {  	_ =	swait.ge [sflag:s8], $0x40  }
0x18: {  	[sflag:s8] =	ssyncset.done $0x0  }
0x19: {  	s0 =	rddreg [dreg:$0x4];
	[sflag:s8] =	ssyncadd.s32 $0xFFFFFFC0  }
0x1a: {  	[tilespmem:s9], [sflag:$0x5] =	stream.linear.gather [hbm4b:s0+s2], $0x40, $0x38;
	[tilespmem:$0xC100] =	vst v63  }
0x1b: {  	_ =	swait.ge [sflag:s8], $0x40  }
0x1c: {  	[sflag:s8] =	ssyncset.done $0x0  }
0x1d: {  	s0 =	rddreg [dreg:$0x5];
	[sflag:s8] =	ssyncadd.s32 $0xFFFFFFC0  }
0x1e: {  	[tilespmem:s2], [sflag:$0x5] =	stream.linear.gather [hbm4b:s0+s2], $0x8000, $0x38;
	[tilespmem:$0xC100] =	vst v63  }
0x1f: {  	_ =	swait.ge [sflag:s8], $0x8000  }
0x20: {  	[sflag:s8] =	ssyncset.done $0x0  }
0x21: {  	s0 =	rddreg [dreg:$0x6];
	[sflag:s8] =	ssyncadd.s32 $0xFFFF8000  }
0x22: {  	[tilespmem:s10], [sflag:$0x5] =	stream.linear.gather [hbm4b:s0+s2], $0x2000, $0x38;
	[tilespmem:$0xC100] =	vst v63  }
0x23: {  	_ =	swait.ge [sflag:s8], $0x2000  }
0x24: {  	[sflag:s8] =	ssyncset.done $0x0  }
0x25: {  	s0 =	rddreg [dreg:$0x7];
	[sflag:s8] =	ssyncadd.s32 $0xFFFFE000  }
0x26: {  	[tilespmem:s11], [sflag:$0x5] =	stream.linear.gather [hbm4b:s0+s2], $0x2000, $0x38;
	[tilespmem:$0xC100] =	vst v63  }
0x27: {  	_ =	swait.ge [sflag:s8], $0x2000  }
0x28: {  	[sflag:s8] =	ssyncset.done $0x0  }
0x29: {  	[sflag:s8] =	ssyncadd.s32 $0xFFFFE000  }
0x2a: {  	v3 =	vld [tilespmem:$0xC000];
	_ =	sdelay $0x4  }
0x2b: {  	v4 =	vshll.u32 v3, $0x2  }
0x2c: {  	v3 =	vand.u32 $0x7, v3;
	v4 =	vand.u32 $0xFFFFFFE0, v4  }
0x2d: {  	v3 =	vor.u32 v3, v4  }
0x2e: {  	v4 =	vperm.xlane v3, v0;
	_ =	sdelay $0x1  }
0x2f: {  	v4 =	vadd.s32 v1, v4;
	_ =	sdelay $0x1  }
0x30: {  	v3 =	vperm.xlane v3, v2;
	_ =	sdelay $0x1  }
0x31: {  	v3 =	vadd.s32 v1, v3  }
0x32: {  	[hbm4b:s3+s2] =	stream.indirect_vreg.scatter [tilespmem:s2], [sflag:$0x1], $0x80, v4, vm0, $0xb8;
	[tilespmem:$0xC100] =	vst v63  }
0x33: {  	_ = 	snop  }
0x34: {  	[hbm4b:s5+s2] =	stream.indirect_vreg.scatter [tilespmem:s12], [sflag:$0x1], $0x80, v4, vm0, $0xb8;
	[tilespmem:$0xC100] =	vst v63  }
0x35: {  	_ = 	snop  }
0x36: {  	[hbm4b:s3+s2] =	stream.indirect_vreg.scatter [tilespmem:s13], [sflag:$0x1], $0x80, v3, vm0, $0xb8;
	[tilespmem:$0xC100] =	vst v63  }
0x37: {  	_ = 	snop  }
0x38: {  	[hbm4b:s5+s2] =	stream.indirect_vreg.scatter [tilespmem:s14], [sflag:$0x1], $0x80, v3, vm0, $0xb8;
	[tilespmem:$0xC100] =	vst v63  }
0x39: {  	v3 =	vld [tilespmem:$0xC010];
	_ =	sdelay $0x4  }
0x3a: {  	v57 =	vshll.u32 v3, $0x2  }
0x3b: {  	v3 =	vand.u32 $0x7, v3;
	v4 =	vand.u32 $0xFFFFFFE0, v57  }
0x3c: {  	v3 =	vor.u32 v3, v4  }
0x3d: {  	v4 =	vperm.xlane v3, v0;
	_ =	sdelay $0x1  }
0x3e: {  	v4 =	vadd.s32 v1, v4;
	_ =	sdelay $0x1  }
0x3f: {  	v3 =	vperm.xlane v3, v2;
	_ =	sdelay $0x1  }
0x40: {  	v3 =	vadd.s32 v1, v3  }
0x41: {  	[hbm4b:s3+s2] =	stream.indirect_vreg.scatter [tilespmem:s15], [sflag:$0x1], $0x80, v4, vm0, $0xb8;
	[tilespmem:$0xC100] =	vst v63  }
0x42: {  	_ = 	snop  }
0x43: {  	[hbm4b:s5+s2] =	stream.indirect_vreg.scatter [tilespmem:s16], [sflag:$0x1], $0x80, v4, vm0, $0xb8;
	[tilespmem:$0xC100] =	vst v63  }
0x44: {  	_ = 	snop  }
0x45: {  	[hbm4b:s3+s2] =	stream.indirect_vreg.scatter [tilespmem:s17], [sflag:$0x1], $0x80, v3, vm0, $0xb8;
	[tilespmem:$0xC100] =	vst v63  }
0x46: {  	_ = 	snop  }
0x47: {  	[hbm4b:s5+s2] =	stream.indirect_vreg.scatter [tilespmem:s18], [sflag:$0x1], $0x80, v3, vm0, $0xb8;
	[tilespmem:$0xC100] =	vst v63  }
0x48: {  	v3 =	vld [tilespmem:$0xC020];
	_ =	sdelay $0x4  }
0x49: {  	v58 =	vshll.u32 v3, $0x2  }
0x4a: {  	v3 =	vand.u32 $0x7, v3;
	v4 =	vand.u32 $0xFFFFFFE0, v58  }
0x4b: {  	v3 =	vor.u32 v3, v4  }
0x4c: {  	v4 =	vperm.xlane v3, v0;
	_ =	sdelay $0x1  }
0x4d: {  	v4 =	vadd.s32 v1, v4;
	_ =	sdelay $0x1  }
0x4e: {  	v3 =	vperm.xlane v3, v2;
	_ =	sdelay $0x1  }
0x4f: {  	v3 =	vadd.s32 v1, v3  }
0x50: {  	[hbm4b:s3+s2] =	stream.indirect_vreg.scatter [tilespmem:s19], [sflag:$0x1], $0x80, v4, vm0, $0xb8;
	[tilespmem:$0xC100] =	vst v63  }
0x51: {  	_ = 	snop  }
0x52: {  	[hbm4b:s5+s2] =	stream.indirect_vreg.scatter [tilespmem:s20], [sflag:$0x1], $0x80, v4, vm0, $0xb8;
	[tilespmem:$0xC100] =	vst v63  }
0x53: {  	_ = 	snop  }
0x54: {  	[hbm4b:s3+s2] =	stream.indirect_vreg.scatter [tilespmem:s21], [sflag:$0x1], $0x80, v3, vm0, $0xb8;
	[tilespmem:$0xC100] =	vst v63  }
0x55: {  	_ = 	snop  }
0x56: {  	[hbm4b:s5+s2] =	stream.indirect_vreg.scatter [tilespmem:s22], [sflag:$0x1], $0x80, v3, vm0, $0xb8;
	[tilespmem:$0xC100] =	vst v63  }
0x57: {  	v3 =	vld [tilespmem:$0xC030];
	_ =	sdelay $0x4  }
0x58: {  	v59 =	vshll.u32 v3, $0x2  }
0x59: {  	v3 =	vand.u32 $0x7, v3;
	v4 =	vand.u32 $0xFFFFFFE0, v59  }
0x5a: {  	v3 =	vor.u32 v3, v4  }
0x5b: {  	v4 =	vperm.xlane v3, v0;
	_ =	sdelay $0x1  }
0x5c: {  	v4 =	vadd.s32 v1, v4;
	_ =	sdelay $0x1  }
0x5d: {  	v3 =	vperm.xlane v3, v2;
	_ =	sdelay $0x1  }
0x5e: {  	v3 =	vadd.s32 v1, v3  }
0x5f: {  	[hbm4b:s3+s2] =	stream.indirect_vreg.scatter [tilespmem:s23], [sflag:$0x1], $0x80, v4, vm0, $0xb8;
	[tilespmem:$0xC100] =	vst v63  }
0x60: {  	_ = 	snop  }
0x61: {  	[hbm4b:s5+s2] =	stream.indirect_vreg.scatter [tilespmem:s24], [sflag:$0x1], $0x80, v4, vm0, $0xb8;
	[tilespmem:$0xC100] =	vst v63  }
0x62: {  	_ = 	snop  }
0x63: {  	[hbm4b:s3+s2] =	stream.indirect_vreg.scatter [tilespmem:s25], [sflag:$0x1], $0x80, v3, vm0, $0xb8;
	[tilespmem:$0xC100] =	vst v63  }
0x64: {  	_ = 	snop  }
0x65: {  	[hbm4b:s5+s2] =	stream.indirect_vreg.scatter [tilespmem:s26], [sflag:$0x1], $0x80, v3, vm0, $0xb8;
	[tilespmem:$0xC100] =	vst v63  }
0x66: {  	v3 =	vld [tilespmem:$0xC080];
	_ =	sdelay $0x4  }
0x67: {  	v60 =	vshll.u32 v3, $0x2  }
0x68: {  	v3 =	vand.u32 $0x7, v3;
	v4 =	vand.u32 $0xFFFFFFE0, v60  }
0x69: {  	v3 =	vor.u32 v3, v4  }
0x6a: {  	v4 =	vperm.xlane v3, v0;
	_ =	sdelay $0x1  }
0x6b: {  	v4 =	vadd.s32 v1, v4;
	_ =	sdelay $0x1  }
0x6c: {  	v3 =	vperm.xlane v3, v2;
	_ =	sdelay $0x1  }
0x6d: {  	v3 =	vadd.s32 v1, v3  }
0x6e: {  	[hbm4b:s3+s2] =	stream.indirect_vreg.scatter [tilespmem:s2], [sflag:$0x2], $0x80, v4, vm0, $0xb8;
	[tilespmem:$0xC100] =	vst v63  }
0x6f: {  	_ = 	snop  }
0x70: {  	[hbm4b:s5+s2] =	stream.indirect_vreg.scatter [tilespmem:s12], [sflag:$0x2], $0x80, v4, vm0, $0xb8;
	[tilespmem:$0xC100] =	vst v63  }
0x71: {  	_ = 	snop  }
0x72: {  	[hbm4b:s3+s2] =	stream.indirect_vreg.scatter [tilespmem:s13], [sflag:$0x2], $0x80, v3, vm0, $0xb8;
	[tilespmem:$0xC100] =	vst v63  }
0x73: {  	_ = 	snop  }
0x74: {  	[hbm4b:s5+s2] =	stream.indirect_vreg.scatter [tilespmem:s14], [sflag:$0x2], $0x80, v3, vm0, $0xb8;
	[tilespmem:$0xC100] =	vst v63  }
0x75: {  	v3 =	vld [tilespmem:$0xC090];
	_ =	sdelay $0x4  }
0x76: {  	v61 =	vshll.u32 v3, $0x2  }
0x77: {  	v3 =	vand.u32 $0x7, v3;
	v4 =	vand.u32 $0xFFFFFFE0, v61  }
0x78: {  	v3 =	vor.u32 v3, v4  }
0x79: {  	v4 =	vperm.xlane v3, v0;
	_ =	sdelay $0x1  }
0x7a: {  	v4 =	vadd.s32 v1, v4;
	_ =	sdelay $0x1  }
0x7b: {  	v3 =	vperm.xlane v3, v2;
	_ =	sdelay $0x1  }
0x7c: {  	v3 =	vadd.s32 v1, v3  }
0x7d: {  	[hbm4b:s3+s2] =	stream.indirect_vreg.scatter [tilespmem:s15], [sflag:$0x2], $0x80, v4, vm0, $0xb8;
	[tilespmem:$0xC100] =	vst v63  }
0x7e: {  	_ = 	snop  }
0x7f: {  	[hbm4b:s5+s2] =	stream.indirect_vreg.scatter [tilespmem:s16], [sflag:$0x2], $0x80, v4, vm0, $0xb8;
	[tilespmem:$0xC100] =	vst v63  }
0x80: {  	_ = 	snop  }
0x81: {  	[hbm4b:s3+s2] =	stream.indirect_vreg.scatter [tilespmem:s17], [sflag:$0x2], $0x80, v3, vm0, $0xb8;
	[tilespmem:$0xC100] =	vst v63  }
0x82: {  	_ = 	snop  }
0x83: {  	[hbm4b:s5+s2] =	stream.indirect_vreg.scatter [tilespmem:s18], [sflag:$0x2], $0x80, v3, vm0, $0xb8;
	[tilespmem:$0xC100] =	vst v63  }
0x84: {  	v3 =	vld [tilespmem:$0xC0A0];
	_ =	sdelay $0x4  }
0x85: {  	v62 =	vshll.u32 v3, $0x2  }
0x86: {  	v3 =	vand.u32 $0x7, v3;
	v4 =	vand.u32 $0xFFFFFFE0, v62  }
0x87: {  	v3 =	vor.u32 v3, v4  }
0x88: {  	v4 =	vperm.xlane v3, v0;
	_ =	sdelay $0x1  }
0x89: {  	v4 =	vadd.s32 v1, v4;
	_ =	sdelay $0x1  }
0x8a: {  	v3 =	vperm.xlane v3, v2;
	_ =	sdelay $0x1  }
0x8b: {  	v3 =	vadd.s32 v1, v3  }
0x8c: {  	[hbm4b:s3+s2] =	stream.indirect_vreg.scatter [tilespmem:s19], [sflag:$0x2], $0x80, v4, vm0, $0xb8;
	[tilespmem:$0xC100] =	vst v63  }
0x8d: {  	_ = 	snop  }
0x8e: {  	[hbm4b:s5+s2] =	stream.indirect_vreg.scatter [tilespmem:s20], [sflag:$0x2], $0x80, v4, vm0, $0xb8;
	[tilespmem:$0xC100] =	vst v63  }
0x8f: {  	_ = 	snop  }
0x90: {  	[hbm4b:s3+s2] =	stream.indirect_vreg.scatter [tilespmem:s21], [sflag:$0x2], $0x80, v3, vm0, $0xb8;
	[tilespmem:$0xC100] =	vst v63  }
0x91: {  	_ = 	snop  }
0x92: {  	[hbm4b:s5+s2] =	stream.indirect_vreg.scatter [tilespmem:s22], [sflag:$0x2], $0x80, v3, vm0, $0xb8;
	[tilespmem:$0xC100] =	vst v63  }
0x93: {  	v3 =	vld [tilespmem:$0xC0B0];
	_ =	sdelay $0x4  }
0x94: {  	v63 =	vshll.u32 v3, $0x2  }
0x95: {  	v3 =	vand.u32 $0x7, v3;
	v4 =	vand.u32 $0xFFFFFFE0, v63  }
0x96: {  	v3 =	vor.u32 v3, v4  }
0x97: {  	v4 =	vperm.xlane v3, v0;
	_ =	sdelay $0x1  }
0x98: {  	v4 =	vadd.s32 v1, v4;
	_ =	sdelay $0x1  }
0x99: {  	v3 =	vperm.xlane v3, v2;
	_ =	sdelay $0x1  }
0x9a: {  	v3 =	vadd.s32 v1, v3  }
0x9b: {  	[hbm4b:s3+s2] =	stream.indirect_vreg.scatter [tilespmem:s23], [sflag:$0x2], $0x80, v4, vm0, $0xb8;
	[tilespmem:$0xC100] =	vst v63  }
0x9c: {  	_ = 	snop  }
0x9d: {  	[hbm4b:s5+s2] =	stream.indirect_vreg.scatter [tilespmem:s24], [sflag:$0x2], $0x80, v4, vm0, $0xb8;
	[tilespmem:$0xC100] =	vst v63  }
0x9e: {  	_ = 	snop  }
0x9f: {  	[hbm4b:s3+s2] =	stream.indirect_vreg.scatter [tilespmem:s25], [sflag:$0x2], $0x80, v3, vm0, $0xb8;
	[tilespmem:$0xC100] =	vst v63  }
0xa0: {  	_ = 	snop  }
0xa1: {  	[hbm4b:s5+s2] =	stream.indirect_vreg.scatter [tilespmem:s26], [sflag:$0x2], $0x80, v3, vm0, $0xb8;
	[tilespmem:$0xC100] =	vst v63  }
0xa2: {  	_ = 	snop  }
0xa3: {  	[hbm4b:s4+s28] =	stream.indirect.scatter [tilespmem:s10], [sflag:$0x3], $0x80, s7, s28, $0xb8;
	[tilespmem:$0xC100] =	vst v63  }
0xa4: {  	_ = 	snop  }
0xa5: {  	[hbm4b:s4+s28] =	stream.indirect.scatter [tilespmem:s11], [sflag:$0x4], $0x80, s9, s28, $0xb8;
	[tilespmem:$0xC100] =	vst v63  }
0xa6: {  	_ =	swait.ge [sflag:s29], $0x8000  }
0xa7: {  	[sflag:s29] =	ssyncset.done $0x0  }
0xa8: {  	[sflag:s29] =	ssyncadd.s32 $0xFFFF8000  }
0xa9: {  	_ =	swait.ge [sflag:s30], $0x8000  }
0xaa: {  	[sflag:s30] =	ssyncset.done $0x0  }
0xab: {  	[sflag:s30] =	ssyncadd.s32 $0xFFFF8000  }
0xac: {  	p0 =	sne.s32 s6, $0x1;
	_ =	swait.ge [sflag:s31], $0x2000  }
.Ltmp0:
0xad: {  	[sflag:s31] =	ssyncset.done $0x0;
	(pc) =	sbr.rel @p0 .LBB2_1-.Ltmp0, $4  }
0xae: {  	[sflag:s31] =	ssyncadd.s32 $0xFFFFE000  }
0xaf: {  	_ =	swait.ge [sflag:s1], $0x2000  }
0xb0: {  	[sflag:s1] =	ssyncset.done $0x0  }
0xb1: {  	s6 =	sadd.s32 $0xFFFFFFFF, s6;
	[sflag:s1] =	ssyncadd.s32 $0xFFFFE000  }
0xb2: {  	_ =	sfence.sel $0x180000  }
0xb3: {  	[bflag:$0x0] =	sbarrier.arrive $0xFFFF  }
0xb4: {  	_ =	strace $0x90000047  }
0xb5: {  	s0 =	stileid.u32;
	[bflag:$0x2] =	sbarrier.arrive $0xFFFF  }
0xb6: {  	p0 =	sne.s32 s0, $0x0;
	s0 =	rddreg [dreg:$0x2]  }
0xb7: {  	s0 =	sadd.s32 @!p0 $0x100000, s0  }
0xb8: {  	[sflag:s0] =	ssyncadd.tile.s32 @!p0 $0x1;
	_ =	shalt  }
.Lfunc_end2:
_tile_overlayer_lowered:
.L_overlay_start_2:
0xb9: {  	(tag) =	ssettag $0x2  }
0xba: {  	s0 =	rddreg [dreg:$0x0];
	s2 =	stileid.u32  }
0xbb: {  	s1 =	rddreg [dreg:$0x1];
	p0 =	sne.s32 s2, $0x0  }
0xbc: {  	s3 =	rddreg [dreg:$0x2];
	[bflag:$0x3] =	sbarrier.arrive $0xFFFF;
	s2 =	simm.s32 @!p0 $0x1C05  }
0xbd: {  	[timem:s3], [sflag:s2] =	dma.local @!p0 [hbm:s0], s1  }
0xbe: {  	s0 =	simm.s32 @!p0 $0x5  }
0xbf: {  	_ =	swait.ge @!p0 [sflag:s0], s1  }
0xc0: {  	s1 =	ssub.s32 @!p0 $0x0, s1;
	[sflag:s0] =	ssyncset.done @!p0 $0x0  }
0xc1: {  	[sflag:s0] =	ssyncadd.s32 @!p0 s1  }
0xc2: {  	[bflag:$0x3] =	sbarrier.arrive $0xFFFF  }
0xc3: {  	_ =	shalt  }

</sc_bundles>
